<compile_context>
chip_gen: v7x
topology: tpu7x:2x2x1
jax: 0.10.2.dev20260603
libtpu: 0.0.44.dev20260713+nightly
codegen_flags: <defaults>
</compile_context>

<pallas_src>
import functools

import jax
import jax.numpy as jnp
from jax import lax
from jax.experimental import pallas as pl
from jax.experimental.pallas import tpu as pltpu
from jax.experimental.pallas import tpu_sc as plsc

N = 10000
D = 128
E_EDGES = 320000
EPS = 1e-5
F32 = jnp.float32

NC = 2
NS = 16
NW = NC * NS
CHUNK = 128
CPW = 80
E_PAD = NW * CPW * CHUNK
ROWS_PER_SUB = 632
N_PAD = NS * ROWS_PER_SUB

_DEF = lax.Precision.DEFAULT


def _dot(a, b):
  return lax.dot(a, b, precision=_DEF, preferred_element_type=F32)


TBL_PER_SUB = N // NS


def _segsum_sc(ys, src_c, dst_c, zeros_pad, feat):
  n = len(ys)
  mesh = plsc.VectorSubcoreMesh(core_axis_name="c", subcore_axis_name="s")

  @functools.partial(
      pl.kernel,
      out_type=jax.ShapeDtypeStruct((n, NC, N_PAD, feat), F32),
      mesh=mesh,
      scratch_types=[
          pltpu.VMEM((CPW, CHUNK), jnp.int32),
          pltpu.VMEM((CPW, CHUNK), jnp.int32),
          pltpu.VMEM((2, CHUNK, feat), F32),
          pltpu.VMEM_SHARED((N_PAD, feat), F32),
          pltpu.VMEM_SHARED((N, feat), F32),
          pltpu.SemaphoreType.DMA,
          pltpu.SemaphoreType.DMA,
      ],
      compiler_params=pltpu.CompilerParams(use_tc_tiling_on_sc=False),
  )
  def seg_kernel(*refs):
    y_hbms = refs[:n]
    src_hbm, dst_hbm, zeros_hbm, out_hbm = refs[n:n + 4]
    src_v, dst_v, rows_v, acc_sh, tbl_sh, sem0, sem1 = refs[n + 4:]
    c = lax.axis_index("c")
    s = lax.axis_index("s")
    wid = c * NS + s
    pltpu.sync_copy(src_hbm.at[wid], src_v)
    pltpu.sync_copy(dst_hbm.at[wid], dst_v)
    t0 = s * TBL_PER_SUB
    r0 = s * ROWS_PER_SUB

    for k in range(n):
      pltpu.sync_copy(y_hbms[k].at[pl.ds(t0, TBL_PER_SUB)],
                      tbl_sh.at[pl.ds(t0, TBL_PER_SUB)])
      pltpu.sync_copy(zeros_hbm.at[pl.ds(r0, ROWS_PER_SUB)],
                      acc_sh.at[pl.ds(r0, ROWS_PER_SUB)])
      plsc.subcore_barrier()

      pltpu.async_copy(tbl_sh.at[src_v.at[0]], rows_v.at[0], sem0)

      def body(jj, carry):
        j0 = 2 * jj
        pltpu.async_copy(tbl_sh.at[src_v.at[j0 + 1]], rows_v.at[1], sem1)
        pltpu.make_async_copy(tbl_sh.at[src_v.at[j0]], rows_v.at[0],
                              sem0).wait()
        pltpu.sync_copy(rows_v.at[0], acc_sh.at[dst_v.at[j0]], add=True)

        @pl.when(j0 + 2 < CPW)
        def _():
          pltpu.async_copy(tbl_sh.at[src_v.at[j0 + 2]], rows_v.at[0], sem0)

        pltpu.make_async_copy(tbl_sh.at[src_v.at[j0 + 1]], rows_v.at[1],
                              sem1).wait()
        pltpu.sync_copy(rows_v.at[1], acc_sh.at[dst_v.at[j0 + 1]], add=True)
        return carry

      lax.fori_loop(0, CPW // 2, body, 0)
      plsc.subcore_barrier()
      pltpu.sync_copy(acc_sh.at[pl.ds(r0, ROWS_PER_SUB)],
                      out_hbm.at[k, c, pl.ds(r0, ROWS_PER_SUB)])

  return seg_kernel(*ys, src_c, dst_c, zeros_pad)


def _gcn_layer1(a0, a1, b0, b1, c0, c1, h, wrel_a, wrel_b, wrel_c,
                brel, wroot, g, be):
  def body(a0_ref, a1_ref, b0_ref, b1_ref, c0_ref, c1_ref, h_ref,
           wa_ref, wb_ref, wc_ref, brel_ref, wr_ref, g_ref, be_ref, o_ref):
    p = (_dot(a0_ref[...] + a1_ref[...], wa_ref[...])
         + _dot(b0_ref[...] + b1_ref[...], wb_ref[...])
         + _dot(c0_ref[...] + c1_ref[...], wc_ref[...])
         + brel_ref[...] + _dot(h_ref[...], wr_ref[...]))
    a = jnp.maximum(p, 0.0)
    m = jnp.mean(a, axis=0, keepdims=True)
    v = jnp.mean(a * a, axis=0, keepdims=True) - m * m
    o_ref[...] = (a - m) * (g_ref[...] * lax.rsqrt(v + EPS)) + be_ref[...]

  return pl.pallas_call(
      body,
      out_shape=jax.ShapeDtypeStruct((N, 32), F32),
  )(a0, a1, b0, b1, c0, c1, h, wrel_a, wrel_b, wrel_c, brel, wroot, g, be)


def _gcn_layer2_stats(a0, a1, h, wrel, brel, wroot, g, be, w1, b1):
  def body(a0_ref, a1_ref, h_ref, wl_ref, brel_ref, wr_ref, g_ref, be_ref,
           w1_ref, b1_ref, h2_ref, st_ref):
    agg = a0_ref[...] + a1_ref[...]
    p = _dot(agg, wl_ref[...]) + brel_ref[...] + _dot(h_ref[...], wr_ref[...])
    a = jnp.maximum(p, 0.0)
    m = jnp.mean(a, axis=0, keepdims=True)
    v = jnp.mean(a * a, axis=0, keepdims=True) - m * m
    h2 = (a - m) * (g_ref[...] * lax.rsqrt(v + EPS)) + be_ref[...]
    h2_ref[...] = h2
    blocks = []
    for k in range(8):
      sl = slice(256 * k, 256 * (k + 1))
      u = _dot(h2, w1_ref[:, sl]) + b1_ref[:, sl]
      blocks.append(jnp.concatenate(
          [jnp.sum(u, axis=0, keepdims=True),
           jnp.sum(u * u, axis=0, keepdims=True)], axis=0))
    st_ref[...] = jnp.concatenate(blocks, axis=1)

  return pl.pallas_call(
      body,
      out_shape=[
          jax.ShapeDtypeStruct((N, 32), F32),
          jax.ShapeDtypeStruct((2, 2048), F32),
      ],
  )(a0, a1, h, wrel, brel, wroot, g, be, w1, b1)


_R1 = 200
_T1 = N // _R1


def _recompute_bn_relu_matmul_stats(h2, w1, b1, st1, gn1, bn1, w2, b2):
  def body(h2_ref, w1_ref, b1_ref, st_ref, g_ref, be_ref, w2_ref, b2_ref,
           o_ref, so_ref, acc):
    i = pl.program_id(0)
    u1 = _dot(h2_ref[...], w1_ref[...]) + b1_ref[...]
    m = st_ref[0:1, :] * (1.0 / N)
    var = st_ref[1:2, :] * (1.0 / N) - m * m
    t = jnp.maximum((u1 - m) * (g_ref[...] * lax.rsqrt(var + EPS))
                    + be_ref[...], 0.0)
    o = _dot(t, w2_ref[...]) + b2_ref[...]
    o_ref[...] = o

    @pl.when(i == 0)
    def _():
      acc[...] = jnp.zeros_like(acc)

    acc[0:1, :] += jnp.sum(o, axis=0, keepdims=True)
    acc[1:2, :] += jnp.sum(o * o, axis=0, keepdims=True)
    so_ref[...] = acc[...]

  return pl.pallas_call(
      body,
      grid=(_T1,),
      in_specs=[
          pl.BlockSpec((_R1, 32), lambda i: (i, 0)),
          pl.BlockSpec((32, 2048), lambda i: (0, 0)),
          pl.BlockSpec((1, 2048), lambda i: (0, 0)),
          pl.BlockSpec((2, 2048), lambda i: (0, 0)),
          pl.BlockSpec((1, 2048), lambda i: (0, 0)),
          pl.BlockSpec((1, 2048), lambda i: (0, 0)),
          pl.BlockSpec((2048, 1024), lambda i: (0, 0)),
          pl.BlockSpec((1, 1024), lambda i: (0, 0)),
      ],
      out_specs=[
          pl.BlockSpec((_R1, 1024), lambda i: (i, 0)),
          pl.BlockSpec((2, 1024), lambda i: (0, 0)),
      ],
      out_shape=[
          jax.ShapeDtypeStruct((N, 1024), F32),
          jax.ShapeDtypeStruct((2, 1024), F32),
      ],
      scratch_shapes=[pltpu.VMEM((2, 1024), F32)],
  )(h2, w1, b1, st1, gn1, bn1, w2, b2)


def _stage3_tail(u2, st2, gn2, bn2, w3, b3, gn3, bn3, w4, b4):
  def body(u2_ref, st2_ref, g2_ref, be2_ref, w3_ref, b3_ref, g3_ref, be3_ref,
           w4_ref, b4_ref, o_ref, u3_scr, acc):
    p = pl.program_id(0)
    i = pl.program_id(1)

    @pl.when(jnp.logical_and(p == 0, i == 0))
    def _():
      acc[...] = jnp.zeros_like(acc)

    @pl.when(p == 0)
    def _():
      m = st2_ref[0:1, :] * (1.0 / N)
      var = st2_ref[1:2, :] * (1.0 / N) - m * m
      t = jnp.maximum((u2_ref[...] - m) * (g2_ref[...] * lax.rsqrt(var + EPS))
                      + be2_ref[...], 0.0)
      u3 = _dot(t, w3_ref[...]) + b3_ref[...]
      u3_scr[pl.ds(i * _R1, _R1), :] = u3
      acc[0:1, :] += jnp.sum(u3, axis=0, keepdims=True)
      acc[1:2, :] += jnp.sum(u3 * u3, axis=0, keepdims=True)

    @pl.when(p == 1)
    def _():
      m3 = acc[0:1, :] * (1.0 / N)
      v3 = acc[1:2, :] * (1.0 / N) - m3 * m3
      t3 = jnp.maximum(
          (u3_scr[pl.ds(i * _R1, _R1), :] - m3)
          * (g3_ref[...] * lax.rsqrt(v3 + EPS)) + be3_ref[...], 0.0)
      o_ref[...] = _dot(t3, w4_ref[...]) + b4_ref[...]

  return pl.pallas_call(
      body,
      grid=(2, _T1),
      in_specs=[
          pl.BlockSpec((_R1, 1024), lambda p, i: (jnp.where(p == 0, i, 0), 0)),
          pl.BlockSpec((2, 1024), lambda p, i: (0, 0)),
          pl.BlockSpec((1, 1024), lambda p, i: (0, 0)),
          pl.BlockSpec((1, 1024), lambda p, i: (0, 0)),
          pl.BlockSpec((1024, 32), lambda p, i: (0, 0)),
          pl.BlockSpec((1, 32), lambda p, i: (0, 0)),
          pl.BlockSpec((1, 32), lambda p, i: (0, 0)),
          pl.BlockSpec((1, 32), lambda p, i: (0, 0)),
          pl.BlockSpec((32, 1), lambda p, i: (0, 0)),
          pl.BlockSpec((1, 1), lambda p, i: (0, 0)),
      ],
      out_specs=pl.BlockSpec((_R1, 1), lambda p, i: (i, 0)),
      out_shape=jax.ShapeDtypeStruct((N, 1), F32),
      scratch_shapes=[
          pltpu.VMEM((N, 32), F32),
          pltpu.VMEM((2, 32), F32),
      ],
  )(u2, st2, gn2, bn2, w3, b3, gn3, bn3, w4, b4)


def kernel(x, edge_index, Wrel1, brel1, Wroot1, Wrel2, brel2, Wroot2,
           g1, be1, g2, be2, W1, b1, gn1, bn1, W2, b2, gn2, bn2,
           W3, b3, gn3, bn3, W4, b4):
  src = edge_index[0]
  dst = edge_index[1]
  npad = E_PAD - E_EDGES
  src_c = jnp.concatenate(
      [src, jnp.zeros((npad,), jnp.int32)]).reshape(NW, CPW, CHUNK)
  dst_c = jnp.concatenate(
      [dst, jnp.full((npad,), N, jnp.int32)]).reshape(NW, CPW, CHUNK)
  zeros48 = jnp.zeros((N_PAD, 48), F32)
  zeros32 = jnp.zeros((N_PAD, 32), F32)

  row = lambda t: t.reshape(1, -1)

  seg1ab = _segsum_sc([x[:, :48], x[:, 48:96]], src_c, dst_c, zeros48, 48)
  seg1c = _segsum_sc([x[:, 96:]], src_c, dst_c, zeros32, 32)
  h1 = _gcn_layer1(seg1ab[0, 0, :N], seg1ab[0, 1, :N],
                   seg1ab[1, 0, :N], seg1ab[1, 1, :N],
                   seg1c[0, 0, :N], seg1c[0, 1, :N],
                   x, Wrel1[:48], Wrel1[48:96], Wrel1[96:], row(brel1),
                   Wroot1, row(g1), row(be1))

  seg2 = _segsum_sc([h1], src_c, dst_c, zeros32, 32)
  h2, st1 = _gcn_layer2_stats(seg2[0, 0, :N], seg2[0, 1, :N], h1, Wrel2,
                              row(brel2), Wroot2, row(g2), row(be2),
                              W1, row(b1))

  u2, st2 = _recompute_bn_relu_matmul_stats(h2, W1, row(b1), st1,
                                            row(gn1), row(bn1), W2, row(b2))
  return _stage3_tail(u2, st2, row(gn2), row(bn2), W3, row(b3),
                      row(gn3), row(bn3), W4, row(b4))

# --- scband reference (transcript-rebuilt; emitter-appended) ---
"""Pipeline reference for scband-gcn-12807592476672 (READ-ONLY COPY).

The authoritative reference and input builder live on the scoring server;
editing this copy changes nothing except your own understanding.
"""

import jax, jax.numpy as jnp
import numpy as np

N = 10000
E = 320000
D = 128
EPS = 1e-5

def _bn(h, g, b):
    m = jnp.mean(h, axis=0)
    v = jnp.var(h, axis=0)
    return (h - m) / jnp.sqrt(v + EPS) * g + b

def _gconv(h, src, dst, Wrel, brel, Wroot):
    agg = jax.ops.segment_sum(h[src], dst, num_segments=N)
    return agg @ Wrel + brel + h @ Wroot

def setup_inputs(seed: int = 0):
    key = jax.random.key(seed)
    ks = jax.random.split(key, 32)
    inp = {}
    inp['x'] = jax.random.normal(ks[0], (N, D), dtype=jnp.float32)
    inp['edge_index'] = jax.random.randint(ks[1], (2, E), 0, N, dtype=jnp.int32)
    inp['Wrel1'] = jax.random.normal(ks[2], (D, 32), dtype=jnp.float32) * 0.05
    inp['brel1'] = jnp.zeros((32,), dtype=jnp.float32)
    inp['Wroot1'] = jax.random.normal(ks[3], (D, 32), dtype=jnp.float32) * 0.05
    inp['Wrel2'] = jax.random.normal(ks[4], (32, 32), dtype=jnp.float32) * 0.1
    inp['brel2'] = jnp.zeros((32,), dtype=jnp.float32)
    inp['Wroot2'] = jax.random.normal(ks[5], (32, 32), dtype=jnp.float32) * 0.1
    inp['g1'] = jnp.ones((32,), dtype=jnp.float32)
    inp['be1'] = jnp.zeros((32,), dtype=jnp.float32)
    inp['g2'] = jnp.ones((32,), dtype=jnp.float32)
    inp['be2'] = jnp.zeros((32,), dtype=jnp.float32)
    inp['W1'] = jax.random.normal(ks[6], (32, 2048), dtype=jnp.float32) * 0.05
    inp['b1'] = jnp.zeros((2048,), dtype=jnp.float32)
    inp['gn1'] = jnp.ones((2048,), dtype=jnp.float32)
    inp['bn1'] = jnp.zeros((2048,), dtype=jnp.float32)
    inp['W2'] = jax.random.normal(ks[7], (2048, 1024), dtype=jnp.float32) * 0.02
    inp['b2'] = jnp.zeros((1024,), dtype=jnp.float32)
    inp['gn2'] = jnp.ones((1024,), dtype=jnp.float32)
    inp['bn2'] = jnp.zeros((1024,), dtype=jnp.float32)
    inp['W3'] = jax.random.normal(ks[8], (1024, 32), dtype=jnp.float32) * 0.03
    inp['b3'] = jnp.zeros((32,), dtype=jnp.float32)
    inp['gn3'] = jnp.ones((32,), dtype=jnp.float32)
    inp['bn3'] = jnp.zeros((32,), dtype=jnp.float32)
    inp['W4'] = jax.random.normal(ks[9], (32, 1), dtype=jnp.float32) * 0.1
    inp['b4'] = jnp.zeros((1,), dtype=jnp.float32)
    return inp

def reference(x, edge_index, Wrel1, brel1, Wroot1, Wrel2, brel2, Wroot2, g1, be1, g2, be2, W1, b1, gn1, bn1, W2, b2, gn2, bn2, W3, b3, gn3, bn3, W4, b4):
    src = edge_index[0]
    dst = edge_index[1]
    h = jax.nn.relu(_gconv(x, src, dst, Wrel1, brel1, Wroot1))
    h = _bn(h, g1, be1)
    h = jax.nn.relu(_gconv(h, src, dst, Wrel2, brel2, Wroot2))
    h = _bn(h, g2, be2)
    h = jax.nn.relu(_bn(h @ W1 + b1, gn1, bn1))
    h = jax.nn.relu(_bn(h @ W2 + b2, gn2, bn2))
    h = jax.nn.relu(_bn(h @ W3 + b3, gn3, bn3))
    h = h @ W4 + b4
    return h

if __name__ == "__main__":
    import jax
    _d = setup_inputs()
    print(jax.jit(kernel)(*tuple(_d.values())))

</pallas_src>

<mosaic_0001>
#map = affine_map<(d0, d1) -> (0, 0)>
#map1 = affine_map<(d0, d1) -> (0, 0, 0)>
#map2 = affine_map<(d0, d1) -> (0, 0, 0, 0)>
module attributes {stable_mosaic.version = 14 : i64} {
  func.func @seg_kernel(%arg0: i32, %arg1: i32, %arg2: memref<10000x32xf32, #tpu.memory_space<hbm>>, %arg3: memref<32x80x128xi32, #tpu.memory_space<hbm>>, %arg4: memref<32x80x128xi32, #tpu.memory_space<hbm>>, %arg5: memref<10112x32xf32, #tpu.memory_space<hbm>>, %arg6: memref<1x2x10112x32xf32, #tpu.memory_space<hbm>>, %arg7: memref<80x128xi32, #tpu.memory_space<vmem>>, %arg8: memref<80x128xi32, #tpu.memory_space<vmem>>, %arg9: memref<2x128x32xf32, #tpu.memory_space<vmem>>, %arg10: memref<10112x32xf32, #tpu.memory_space<vmem_shared>>, %arg11: memref<10000x32xf32, #tpu.memory_space<vmem_shared>>, %arg12: memref<!tpu.dma_semaphore, #tpu.memory_space<semaphore_mem>>, %arg13: memref<!tpu.dma_semaphore, #tpu.memory_space<semaphore_mem>>) attributes {dimension_semantics = [#tpu.dimension_semantics<core_parallel>, #tpu.dimension_semantics<subcore_parallel>], iteration_bounds = array<i64: 2, 16>, scalar_prefetch = 0 : i64, scratch_operands = 7 : i64, tpu.core_type = #tpu.core_type<sc_vector_subcore>, window_params = [{transform_indices = #map}, {transform_indices = #map1}, {transform_indices = #map1}, {transform_indices = #map}, {transform_indices = #map2}]} {
    %mul3A = arith.constant 16 : i32
    %mul3A_0 = arith.muli %arg0, %mul3A : i32
    %add3A = arith.addi %mul3A_0, %arg1 : i32
    "tpu.region"() ({
      %run_scoped3A_22 = tpu.sem_alloc : memref<!tpu.dma_semaphore, #tpu.memory_space<semaphore_mem>>
      %dma_start3A_23 = arith.constant 0 : i32
      %dma_start3A_24 = arith.constant 0 : i32
      %dma_start3A_25 = tpu.memref_slice %arg3[%add3A, %dma_start3A_23, %dma_start3A_24] : memref<32x80x128xi32, #tpu.memory_space<hbm>> -> memref<1x80x128xi32, #tpu.memory_space<hbm>>
      %dma_start3A_26 = tpu.memref_squeeze %dma_start3A_25 : memref<1x80x128xi32, #tpu.memory_space<hbm>> -> memref<80x128xi32, #tpu.memory_space<hbm>>
      %dma_start3A_27 = arith.constant 0 : i32
      %dma_start3A_28 = arith.constant 0 : i32
      %dma_start3A_29 = tpu.memref_slice %arg3[%add3A, %dma_start3A_27, %dma_start3A_28] : memref<32x80x128xi32, #tpu.memory_space<hbm>> -> memref<1x80x128xi32, #tpu.memory_space<hbm>>
      %dma_start3A_30 = tpu.memref_squeeze %dma_start3A_29 : memref<1x80x128xi32, #tpu.memory_space<hbm>> -> memref<80x128xi32, #tpu.memory_space<hbm>>
      tpu.enqueue_dma source(%dma_start3A_30 : memref<80x128xi32, #tpu.memory_space<hbm>>) target(%arg7 : memref<80x128xi32, #tpu.memory_space<vmem>>) target_semaphore(%run_scoped3A_22 : memref<!tpu.dma_semaphore, #tpu.memory_space<semaphore_mem>>)
      %dma_wait3A = arith.constant 0 : i32
      %dma_wait3A_31 = arith.constant 0 : i32
      %dma_wait3A_32 = tpu.memref_slice %arg3[%add3A, %dma_wait3A, %dma_wait3A_31] : memref<32x80x128xi32, #tpu.memory_space<hbm>> -> memref<1x80x128xi32, #tpu.memory_space<hbm>>
      %dma_wait3A_33 = tpu.memref_squeeze %dma_wait3A_32 : memref<1x80x128xi32, #tpu.memory_space<hbm>> -> memref<80x128xi32, #tpu.memory_space<hbm>>
      %dma_wait3A_34 = arith.constant 0 : i32
      %dma_wait3A_35 = arith.constant 0 : i32
      %dma_wait3A_36 = tpu.memref_slice %arg3[%add3A, %dma_wait3A_34, %dma_wait3A_35] : memref<32x80x128xi32, #tpu.memory_space<hbm>> -> memref<1x80x128xi32, #tpu.memory_space<hbm>>
      %dma_wait3A_37 = tpu.memref_squeeze %dma_wait3A_36 : memref<1x80x128xi32, #tpu.memory_space<hbm>> -> memref<80x128xi32, #tpu.memory_space<hbm>>
      tpu.wait_dma2 semaphore(%run_scoped3A_22 : memref<!tpu.dma_semaphore, #tpu.memory_space<semaphore_mem>>) src(%dma_wait3A_37 : memref<80x128xi32, #tpu.memory_space<hbm>>) dst(%arg7 : memref<80x128xi32, #tpu.memory_space<vmem>>)
      tpu.yield
    }) : () -> ()
    "tpu.region"() ({
      %run_scoped3A_22 = tpu.sem_alloc : memref<!tpu.dma_semaphore, #tpu.memory_space<semaphore_mem>>
      %dma_start3A_23 = arith.constant 0 : i32
      %dma_start3A_24 = arith.constant 0 : i32
      %dma_start3A_25 = tpu.memref_slice %arg4[%add3A, %dma_start3A_23, %dma_start3A_24] : memref<32x80x128xi32, #tpu.memory_space<hbm>> -> memref<1x80x128xi32, #tpu.memory_space<hbm>>
      %dma_start3A_26 = tpu.memref_squeeze %dma_start3A_25 : memref<1x80x128xi32, #tpu.memory_space<hbm>> -> memref<80x128xi32, #tpu.memory_space<hbm>>
      %dma_start3A_27 = arith.constant 0 : i32
      %dma_start3A_28 = arith.constant 0 : i32
      %dma_start3A_29 = tpu.memref_slice %arg4[%add3A, %dma_start3A_27, %dma_start3A_28] : memref<32x80x128xi32, #tpu.memory_space<hbm>> -> memref<1x80x128xi32, #tpu.memory_space<hbm>>
      %dma_start3A_30 = tpu.memref_squeeze %dma_start3A_29 : memref<1x80x128xi32, #tpu.memory_space<hbm>> -> memref<80x128xi32, #tpu.memory_space<hbm>>
      tpu.enqueue_dma source(%dma_start3A_30 : memref<80x128xi32, #tpu.memory_space<hbm>>) target(%arg8 : memref<80x128xi32, #tpu.memory_space<vmem>>) target_semaphore(%run_scoped3A_22 : memref<!tpu.dma_semaphore, #tpu.memory_space<semaphore_mem>>)
      %dma_wait3A = arith.constant 0 : i32
      %dma_wait3A_31 = arith.constant 0 : i32
      %dma_wait3A_32 = tpu.memref_slice %arg4[%add3A, %dma_wait3A, %dma_wait3A_31] : memref<32x80x128xi32, #tpu.memory_space<hbm>> -> memref<1x80x128xi32, #tpu.memory_space<hbm>>
      %dma_wait3A_33 = tpu.memref_squeeze %dma_wait3A_32 : memref<1x80x128xi32, #tpu.memory_space<hbm>> -> memref<80x128xi32, #tpu.memory_space<hbm>>
      %dma_wait3A_34 = arith.constant 0 : i32
      %dma_wait3A_35 = arith.constant 0 : i32
      %dma_wait3A_36 = tpu.memref_slice %arg4[%add3A, %dma_wait3A_34, %dma_wait3A_35] : memref<32x80x128xi32, #tpu.memory_space<hbm>> -> memref<1x80x128xi32, #tpu.memory_space<hbm>>
      %dma_wait3A_37 = tpu.memref_squeeze %dma_wait3A_36 : memref<1x80x128xi32, #tpu.memory_space<hbm>> -> memref<80x128xi32, #tpu.memory_space<hbm>>
      tpu.wait_dma2 semaphore(%run_scoped3A_22 : memref<!tpu.dma_semaphore, #tpu.memory_space<semaphore_mem>>) src(%dma_wait3A_37 : memref<80x128xi32, #tpu.memory_space<hbm>>) dst(%arg8 : memref<80x128xi32, #tpu.memory_space<vmem>>)
      tpu.yield
    }) : () -> ()
    %mul3A_1 = arith.constant 625 : i32
    %mul3A_2 = arith.muli %arg1, %mul3A_1 : i32
    %mul3A_3 = arith.constant 632 : i32
    %mul3A_4 = arith.muli %arg1, %mul3A_3 : i32
    "tpu.region"() ({
      %run_scoped3A_22 = tpu.sem_alloc : memref<!tpu.dma_semaphore, #tpu.memory_space<semaphore_mem>>
      %dma_start3A_23 = arith.constant 0 : i32
      %dma_start3A_24 = tpu.memref_slice %arg11[%mul3A_2, %dma_start3A_23] : memref<10000x32xf32, #tpu.memory_space<vmem_shared>> -> memref<625x32xf32, #tpu.memory_space<vmem_shared>>
      %dma_start3A_25 = arith.constant 0 : i32
      %dma_start3A_26 = tpu.memref_slice %arg2[%mul3A_2, %dma_start3A_25] : memref<10000x32xf32, #tpu.memory_space<hbm>> -> memref<625x32xf32, #tpu.memory_space<hbm>>
      tpu.enqueue_dma source(%dma_start3A_26 : memref<625x32xf32, #tpu.memory_space<hbm>>) target(%dma_start3A_24 : memref<625x32xf32, #tpu.memory_space<vmem_shared>>) target_semaphore(%run_scoped3A_22 : memref<!tpu.dma_semaphore, #tpu.memory_space<semaphore_mem>>)
      %dma_wait3A = arith.constant 0 : i32
      %dma_wait3A_27 = tpu.memref_slice %arg11[%mul3A_2, %dma_wait3A] : memref<10000x32xf32, #tpu.memory_space<vmem_shared>> -> memref<625x32xf32, #tpu.memory_space<vmem_shared>>
      %dma_wait3A_28 = arith.constant 0 : i32
      %dma_wait3A_29 = tpu.memref_slice %arg2[%mul3A_2, %dma_wait3A_28] : memref<10000x32xf32, #tpu.memory_space<hbm>> -> memref<625x32xf32, #tpu.memory_space<hbm>>
      tpu.wait_dma2 semaphore(%run_scoped3A_22 : memref<!tpu.dma_semaphore, #tpu.memory_space<semaphore_mem>>) src(%dma_wait3A_29 : memref<625x32xf32, #tpu.memory_space<hbm>>) dst(%dma_wait3A_27 : memref<625x32xf32, #tpu.memory_space<vmem_shared>>)
      tpu.yield
    }) : () -> ()
    "tpu.region"() ({
      %run_scoped3A_22 = tpu.sem_alloc : memref<!tpu.dma_semaphore, #tpu.memory_space<semaphore_mem>>
      %dma_start3A_23 = arith.constant 0 : i32
      %dma_start3A_24 = tpu.memref_slice %arg10[%mul3A_4, %dma_start3A_23] : memref<10112x32xf32, #tpu.memory_space<vmem_shared>> -> memref<632x32xf32, #tpu.memory_space<vmem_shared>>
      %dma_start3A_25 = arith.constant 0 : i32
      %dma_start3A_26 = tpu.memref_slice %arg5[%mul3A_4, %dma_start3A_25] : memref<10112x32xf32, #tpu.memory_space<hbm>> -> memref<632x32xf32, #tpu.memory_space<hbm>>
      tpu.enqueue_dma source(%dma_start3A_26 : memref<632x32xf32, #tpu.memory_space<hbm>>) target(%dma_start3A_24 : memref<632x32xf32, #tpu.memory_space<vmem_shared>>) target_semaphore(%run_scoped3A_22 : memref<!tpu.dma_semaphore, #tpu.memory_space<semaphore_mem>>)
      %dma_wait3A = arith.constant 0 : i32
      %dma_wait3A_27 = tpu.memref_slice %arg10[%mul3A_4, %dma_wait3A] : memref<10112x32xf32, #tpu.memory_space<vmem_shared>> -> memref<632x32xf32, #tpu.memory_space<vmem_shared>>
      %dma_wait3A_28 = arith.constant 0 : i32
      %dma_wait3A_29 = tpu.memref_slice %arg5[%mul3A_4, %dma_wait3A_28] : memref<10112x32xf32, #tpu.memory_space<hbm>> -> memref<632x32xf32, #tpu.memory_space<hbm>>
      tpu.wait_dma2 semaphore(%run_scoped3A_22 : memref<!tpu.dma_semaphore, #tpu.memory_space<semaphore_mem>>) src(%dma_wait3A_29 : memref<632x32xf32, #tpu.memory_space<hbm>>) dst(%dma_wait3A_27 : memref<632x32xf32, #tpu.memory_space<vmem_shared>>)
      tpu.yield
    }) : () -> ()
    %barrier3A = arith.constant 0 : index
    tpu.barrier barrier_id(%barrier3A)
    %dma_start3A = arith.constant 0 : i32
    %dma_start3A_5 = arith.constant 0 : i32
    %dma_start3A_6 = arith.constant 0 : i32
    %dma_start3A_7 = arith.constant 0 : i32
    %dma_start3A_8 = tpu.memref_slice %arg9[%dma_start3A_5, %dma_start3A_6, %dma_start3A_7] : memref<2x128x32xf32, #tpu.memory_space<vmem>> -> memref<1x128x32xf32, #tpu.memory_space<vmem>>
    %dma_start3A_9 = tpu.memref_squeeze %dma_start3A_8 : memref<1x128x32xf32, #tpu.memory_space<vmem>> -> memref<128x32xf32, #tpu.memory_space<vmem>>
    %dma_start3A_10 = arith.constant 0 : i32
    %dma_start3A_11 = tpu.memref_slice %arg7[%dma_start3A, %dma_start3A_10] : memref<80x128xi32, #tpu.memory_space<vmem>> -> memref<1x128xi32, #tpu.memory_space<vmem>>
    %dma_start3A_12 = tpu.memref_squeeze %dma_start3A_11 : memref<1x128xi32, #tpu.memory_space<vmem>> -> memref<128xi32, #tpu.memory_space<vmem>>
    %dma_start3A_13 = arith.constant 0 : i32
    %dma_start3A_14 = arith.constant 0 : i32
    %dma_start3A_15 = tpu.memref_slice %arg11[%dma_start3A_13, %dma_start3A_14] : memref<10000x32xf32, #tpu.memory_space<vmem_shared>> -> memref<10000x32xf32, #tpu.memory_space<vmem_shared>>
    tpu.enqueue_indirect_dma source(%dma_start3A_15 : memref<10000x32xf32, #tpu.memory_space<vmem_shared>>) target(%dma_start3A_9 : memref<128x32xf32, #tpu.memory_space<vmem>>) offsets(%dma_start3A_12 : memref<128xi32, #tpu.memory_space<vmem>>) semaphore(%arg12 : memref<!tpu.dma_semaphore, #tpu.memory_space<semaphore_mem>>)
    %scan3A = arith.constant 0 : i32
    %scan3A_16 = arith.constant 0 : i32
    %scan3A_17 = arith.constant 40 : i32
    %scan3A_18 = arith.addi %scan3A_16, %scan3A_17 : i32
    %scan3A_19 = arith.constant 1 : i32
    scf.for %scan3A_22 = %scan3A_16 to %scan3A_18 step %scan3A_19  : i32 {
      %mul3A_23 = arith.constant 2 : i32
      %mul3A_24 = arith.muli %mul3A_23, %scan3A_22 : i32
      %add3A_25 = arith.constant 1 : i32
      %add3A_26 = arith.addi %mul3A_24, %add3A_25 : i32
      %dma_start3A_27 = arith.constant 1 : i32
      %dma_start3A_28 = arith.constant 0 : i32
      %dma_start3A_29 = arith.constant 0 : i32
      %dma_start3A_30 = tpu.memref_slice %arg9[%dma_start3A_27, %dma_start3A_28, %dma_start3A_29] : memref<2x128x32xf32, #tpu.memory_space<vmem>> -> memref<1x128x32xf32, #tpu.memory_space<vmem>>
      %dma_start3A_31 = tpu.memref_squeeze %dma_start3A_30 : memref<1x128x32xf32, #tpu.memory_space<vmem>> -> memref<128x32xf32, #tpu.memory_space<vmem>>
      %dma_start3A_32 = arith.constant 0 : i32
      %dma_start3A_33 = tpu.memref_slice %arg7[%add3A_26, %dma_start3A_32] : memref<80x128xi32, #tpu.memory_space<vmem>> -> memref<1x128xi32, #tpu.memory_space<vmem>>
      %dma_start3A_34 = tpu.memref_squeeze %dma_start3A_33 : memref<1x128xi32, #tpu.memory_space<vmem>> -> memref<128xi32, #tpu.memory_space<vmem>>
      %dma_start3A_35 = arith.constant 0 : i32
      %dma_start3A_36 = arith.constant 0 : i32
      %dma_start3A_37 = tpu.memref_slice %arg11[%dma_start3A_35, %dma_start3A_36] : memref<10000x32xf32, #tpu.memory_space<vmem_shared>> -> memref<10000x32xf32, #tpu.memory_space<vmem_shared>>
      tpu.enqueue_indirect_dma source(%dma_start3A_37 : memref<10000x32xf32, #tpu.memory_space<vmem_shared>>) target(%dma_start3A_31 : memref<128x32xf32, #tpu.memory_space<vmem>>) offsets(%dma_start3A_34 : memref<128xi32, #tpu.memory_space<vmem>>) semaphore(%arg13 : memref<!tpu.dma_semaphore, #tpu.memory_space<semaphore_mem>>)
      %dma_wait3A = arith.constant 0 : i32
      %dma_wait3A_38 = arith.constant 0 : i32
      %dma_wait3A_39 = arith.constant 0 : i32
      %dma_wait3A_40 = tpu.memref_slice %arg9[%dma_wait3A, %dma_wait3A_38, %dma_wait3A_39] : memref<2x128x32xf32, #tpu.memory_space<vmem>> -> memref<1x128x32xf32, #tpu.memory_space<vmem>>
      %dma_wait3A_41 = tpu.memref_squeeze %dma_wait3A_40 : memref<1x128x32xf32, #tpu.memory_space<vmem>> -> memref<128x32xf32, #tpu.memory_space<vmem>>
      %dma_wait3A_42 = arith.constant 0 : i32
      %dma_wait3A_43 = tpu.memref_slice %arg7[%mul3A_24, %dma_wait3A_42] : memref<80x128xi32, #tpu.memory_space<vmem>> -> memref<1x128xi32, #tpu.memory_space<vmem>>
      %dma_wait3A_44 = tpu.memref_squeeze %dma_wait3A_43 : memref<1x128xi32, #tpu.memory_space<vmem>> -> memref<128xi32, #tpu.memory_space<vmem>>
      %dma_wait3A_45 = arith.constant 0 : i32
      %dma_wait3A_46 = arith.constant 0 : i32
      %dma_wait3A_47 = tpu.memref_slice %arg11[%dma_wait3A_45, %dma_wait3A_46] : memref<10000x32xf32, #tpu.memory_space<vmem_shared>> -> memref<10000x32xf32, #tpu.memory_space<vmem_shared>>
      tpu.wait_indirect_dma semaphore(%arg12 : memref<!tpu.dma_semaphore, #tpu.memory_space<semaphore_mem>>) src(%dma_wait3A_47 : memref<10000x32xf32, #tpu.memory_space<vmem_shared>>) dst(%dma_wait3A_41 : memref<128x32xf32, #tpu.memory_space<vmem>>)
      %run_scoped3A_48 = arith.constant 0 : i32
      "tpu.region"() ({
        %run_scoped3A_69 = tpu.sem_alloc : memref<!tpu.dma_semaphore, #tpu.memory_space<semaphore_mem>>
        %dma_start3A_70 = arith.constant 0 : i32
        %dma_start3A_71 = arith.constant 0 : i32
        %dma_start3A_72 = tpu.memref_slice %arg9[%run_scoped3A_48, %dma_start3A_70, %dma_start3A_71] : memref<2x128x32xf32, #tpu.memory_space<vmem>> -> memref<1x128x32xf32, #tpu.memory_space<vmem>>
        %dma_start3A_73 = tpu.memref_squeeze %dma_start3A_72 : memref<1x128x32xf32, #tpu.memory_space<vmem>> -> memref<128x32xf32, #tpu.memory_space<vmem>>
        %dma_start3A_74 = arith.constant 0 : i32
        %dma_start3A_75 = tpu.memref_slice %arg8[%mul3A_24, %dma_start3A_74] : memref<80x128xi32, #tpu.memory_space<vmem>> -> memref<1x128xi32, #tpu.memory_space<vmem>>
        %dma_start3A_76 = tpu.memref_squeeze %dma_start3A_75 : memref<1x128xi32, #tpu.memory_space<vmem>> -> memref<128xi32, #tpu.memory_space<vmem>>
        %dma_start3A_77 = arith.constant 0 : i32
        %dma_start3A_78 = arith.constant 0 : i32
        %dma_start3A_79 = tpu.memref_slice %arg10[%dma_start3A_77, %dma_start3A_78] : memref<10112x32xf32, #tpu.memory_space<vmem_shared>> -> memref<10112x32xf32, #tpu.memory_space<vmem_shared>>
        tpu.enqueue_indirect_dma source(%dma_start3A_73 : memref<128x32xf32, #tpu.memory_space<vmem>>) target(%dma_start3A_79 : memref<10112x32xf32, #tpu.memory_space<vmem_shared>>) offsets(%dma_start3A_76 : memref<128xi32, #tpu.memory_space<vmem>>) semaphore(%run_scoped3A_69 : memref<!tpu.dma_semaphore, #tpu.memory_space<semaphore_mem>>) {add = true}
        %dma_wait3A_80 = arith.constant 0 : i32
        %dma_wait3A_81 = arith.constant 0 : i32
        %dma_wait3A_82 = tpu.memref_slice %arg9[%run_scoped3A_48, %dma_wait3A_80, %dma_wait3A_81] : memref<2x128x32xf32, #tpu.memory_space<vmem>> -> memref<1x128x32xf32, #tpu.memory_space<vmem>>
        %dma_wait3A_83 = tpu.memref_squeeze %dma_wait3A_82 : memref<1x128x32xf32, #tpu.memory_space<vmem>> -> memref<128x32xf32, #tpu.memory_space<vmem>>
        %dma_wait3A_84 = arith.constant 0 : i32
        %dma_wait3A_85 = tpu.memref_slice %arg8[%mul3A_24, %dma_wait3A_84] : memref<80x128xi32, #tpu.memory_space<vmem>> -> memref<1x128xi32, #tpu.memory_space<vmem>>
        %dma_wait3A_86 = tpu.memref_squeeze %dma_wait3A_85 : memref<1x128xi32, #tpu.memory_space<vmem>> -> memref<128xi32, #tpu.memory_space<vmem>>
        %dma_wait3A_87 = arith.constant 0 : i32
        %dma_wait3A_88 = arith.constant 0 : i32
        %dma_wait3A_89 = tpu.memref_slice %arg10[%dma_wait3A_87, %dma_wait3A_88] : memref<10112x32xf32, #tpu.memory_space<vmem_shared>> -> memref<10112x32xf32, #tpu.memory_space<vmem_shared>>
        tpu.wait_indirect_dma semaphore(%run_scoped3A_69 : memref<!tpu.dma_semaphore, #tpu.memory_space<semaphore_mem>>) src(%dma_wait3A_83 : memref<128x32xf32, #tpu.memory_space<vmem>>) dst(%dma_wait3A_89 : memref<10112x32xf32, #tpu.memory_space<vmem_shared>>)
        tpu.yield
      }) : () -> ()
      %add3A_49 = arith.constant 2 : i32
      %add3A_50 = arith.addi %mul3A_24, %add3A_49 : i32
      %lt3A = arith.constant 80 : i32
      %lt3A_51 = arith.cmpi slt, %add3A_50, %lt3A : i32
      %convert_element_type3A = arith.extui %lt3A_51 : i1 to i32
      %cond3A = arith.constant 0 : i32
      %cond3A_52 = arith.cmpi ne, %convert_element_type3A, %cond3A : i32
      scf.if %cond3A_52 {
        %add3A_69 = arith.constant 2 : i32
        %add3A_70 = arith.addi %mul3A_24, %add3A_69 : i32
        %dma_start3A_71 = arith.constant 0 : i32
        %dma_start3A_72 = arith.constant 0 : i32
        %dma_start3A_73 = arith.constant 0 : i32
        %dma_start3A_74 = tpu.memref_slice %arg9[%dma_start3A_71, %dma_start3A_72, %dma_start3A_73] : memref<2x128x32xf32, #tpu.memory_space<vmem>> -> memref<1x128x32xf32, #tpu.memory_space<vmem>>
        %dma_start3A_75 = tpu.memref_squeeze %dma_start3A_74 : memref<1x128x32xf32, #tpu.memory_space<vmem>> -> memref<128x32xf32, #tpu.memory_space<vmem>>
        %dma_start3A_76 = arith.constant 0 : i32
        %dma_start3A_77 = tpu.memref_slice %arg7[%add3A_70, %dma_start3A_76] : memref<80x128xi32, #tpu.memory_space<vmem>> -> memref<1x128xi32, #tpu.memory_space<vmem>>
        %dma_start3A_78 = tpu.memref_squeeze %dma_start3A_77 : memref<1x128xi32, #tpu.memory_space<vmem>> -> memref<128xi32, #tpu.memory_space<vmem>>
        %dma_start3A_79 = arith.constant 0 : i32
        %dma_start3A_80 = arith.constant 0 : i32
        %dma_start3A_81 = tpu.memref_slice %arg11[%dma_start3A_79, %dma_start3A_80] : memref<10000x32xf32, #tpu.memory_space<vmem_shared>> -> memref<10000x32xf32, #tpu.memory_space<vmem_shared>>
        tpu.enqueue_indirect_dma source(%dma_start3A_81 : memref<10000x32xf32, #tpu.memory_space<vmem_shared>>) target(%dma_start3A_75 : memref<128x32xf32, #tpu.memory_space<vmem>>) offsets(%dma_start3A_78 : memref<128xi32, #tpu.memory_space<vmem>>) semaphore(%arg12 : memref<!tpu.dma_semaphore, #tpu.memory_space<semaphore_mem>>)
      } else {
      }
      %add3A_53 = arith.constant 1 : i32
      %add3A_54 = arith.addi %mul3A_24, %add3A_53 : i32
      %dma_wait3A_55 = arith.constant 1 : i32
      %dma_wait3A_56 = arith.constant 0 : i32
      %dma_wait3A_57 = arith.constant 0 : i32
      %dma_wait3A_58 = tpu.memref_slice %arg9[%dma_wait3A_55, %dma_wait3A_56, %dma_wait3A_57] : memref<2x128x32xf32, #tpu.memory_space<vmem>> -> memref<1x128x32xf32, #tpu.memory_space<vmem>>
      %dma_wait3A_59 = tpu.memref_squeeze %dma_wait3A_58 : memref<1x128x32xf32, #tpu.memory_space<vmem>> -> memref<128x32xf32, #tpu.memory_space<vmem>>
      %dma_wait3A_60 = arith.constant 0 : i32
      %dma_wait3A_61 = tpu.memref_slice %arg7[%add3A_54, %dma_wait3A_60] : memref<80x128xi32, #tpu.memory_space<vmem>> -> memref<1x128xi32, #tpu.memory_space<vmem>>
      %dma_wait3A_62 = tpu.memref_squeeze %dma_wait3A_61 : memref<1x128xi32, #tpu.memory_space<vmem>> -> memref<128xi32, #tpu.memory_space<vmem>>
      %dma_wait3A_63 = arith.constant 0 : i32
      %dma_wait3A_64 = arith.constant 0 : i32
      %dma_wait3A_65 = tpu.memref_slice %arg11[%dma_wait3A_63, %dma_wait3A_64] : memref<10000x32xf32, #tpu.memory_space<vmem_shared>> -> memref<10000x32xf32, #tpu.memory_space<vmem_shared>>
      tpu.wait_indirect_dma semaphore(%arg13 : memref<!tpu.dma_semaphore, #tpu.memory_space<semaphore_mem>>) src(%dma_wait3A_65 : memref<10000x32xf32, #tpu.memory_space<vmem_shared>>) dst(%dma_wait3A_59 : memref<128x32xf32, #tpu.memory_space<vmem>>)
      %add3A_66 = arith.constant 1 : i32
      %add3A_67 = arith.addi %mul3A_24, %add3A_66 : i32
      %run_scoped3A_68 = arith.constant 1 : i32
      "tpu.region"() ({
        %run_scoped3A_69 = tpu.sem_alloc : memref<!tpu.dma_semaphore, #tpu.memory_space<semaphore_mem>>
        %dma_start3A_70 = arith.constant 0 : i32
        %dma_start3A_71 = arith.constant 0 : i32
        %dma_start3A_72 = tpu.memref_slice %arg9[%run_scoped3A_68, %dma_start3A_70, %dma_start3A_71] : memref<2x128x32xf32, #tpu.memory_space<vmem>> -> memref<1x128x32xf32, #tpu.memory_space<vmem>>
        %dma_start3A_73 = tpu.memref_squeeze %dma_start3A_72 : memref<1x128x32xf32, #tpu.memory_space<vmem>> -> memref<128x32xf32, #tpu.memory_space<vmem>>
        %dma_start3A_74 = arith.constant 0 : i32
        %dma_start3A_75 = tpu.memref_slice %arg8[%add3A_67, %dma_start3A_74] : memref<80x128xi32, #tpu.memory_space<vmem>> -> memref<1x128xi32, #tpu.memory_space<vmem>>
        %dma_start3A_76 = tpu.memref_squeeze %dma_start3A_75 : memref<1x128xi32, #tpu.memory_space<vmem>> -> memref<128xi32, #tpu.memory_space<vmem>>
        %dma_start3A_77 = arith.constant 0 : i32
        %dma_start3A_78 = arith.constant 0 : i32
        %dma_start3A_79 = tpu.memref_slice %arg10[%dma_start3A_77, %dma_start3A_78] : memref<10112x32xf32, #tpu.memory_space<vmem_shared>> -> memref<10112x32xf32, #tpu.memory_space<vmem_shared>>
        tpu.enqueue_indirect_dma source(%dma_start3A_73 : memref<128x32xf32, #tpu.memory_space<vmem>>) target(%dma_start3A_79 : memref<10112x32xf32, #tpu.memory_space<vmem_shared>>) offsets(%dma_start3A_76 : memref<128xi32, #tpu.memory_space<vmem>>) semaphore(%run_scoped3A_69 : memref<!tpu.dma_semaphore, #tpu.memory_space<semaphore_mem>>) {add = true}
        %dma_wait3A_80 = arith.constant 0 : i32
        %dma_wait3A_81 = arith.constant 0 : i32
        %dma_wait3A_82 = tpu.memref_slice %arg9[%run_scoped3A_68, %dma_wait3A_80, %dma_wait3A_81] : memref<2x128x32xf32, #tpu.memory_space<vmem>> -> memref<1x128x32xf32, #tpu.memory_space<vmem>>
        %dma_wait3A_83 = tpu.memref_squeeze %dma_wait3A_82 : memref<1x128x32xf32, #tpu.memory_space<vmem>> -> memref<128x32xf32, #tpu.memory_space<vmem>>
        %dma_wait3A_84 = arith.constant 0 : i32
        %dma_wait3A_85 = tpu.memref_slice %arg8[%add3A_67, %dma_wait3A_84] : memref<80x128xi32, #tpu.memory_space<vmem>> -> memref<1x128xi32, #tpu.memory_space<vmem>>
        %dma_wait3A_86 = tpu.memref_squeeze %dma_wait3A_85 : memref<1x128xi32, #tpu.memory_space<vmem>> -> memref<128xi32, #tpu.memory_space<vmem>>
        %dma_wait3A_87 = arith.constant 0 : i32
        %dma_wait3A_88 = arith.constant 0 : i32
        %dma_wait3A_89 = tpu.memref_slice %arg10[%dma_wait3A_87, %dma_wait3A_88] : memref<10112x32xf32, #tpu.memory_space<vmem_shared>> -> memref<10112x32xf32, #tpu.memory_space<vmem_shared>>
        tpu.wait_indirect_dma semaphore(%run_scoped3A_69 : memref<!tpu.dma_semaphore, #tpu.memory_space<semaphore_mem>>) src(%dma_wait3A_83 : memref<128x32xf32, #tpu.memory_space<vmem>>) dst(%dma_wait3A_89 : memref<10112x32xf32, #tpu.memory_space<vmem_shared>>)
        tpu.yield
      }) : () -> ()
    }
    %scan3A_20 = arith.constant 40 : i32
    %barrier3A_21 = arith.constant 0 : index
    tpu.barrier barrier_id(%barrier3A_21)
    %run_scoped3A = arith.constant 0 : i32
    "tpu.region"() ({
      %run_scoped3A_22 = tpu.sem_alloc : memref<!tpu.dma_semaphore, #tpu.memory_space<semaphore_mem>>
      %dma_start3A_23 = arith.constant 0 : i32
      %dma_start3A_24 = tpu.memref_slice %arg6[%run_scoped3A, %arg0, %mul3A_4, %dma_start3A_23] : memref<1x2x10112x32xf32, #tpu.memory_space<hbm>> -> memref<1x1x632x32xf32, #tpu.memory_space<hbm>>
      %dma_start3A_25 = tpu.memref_squeeze %dma_start3A_24 : memref<1x1x632x32xf32, #tpu.memory_space<hbm>> -> memref<632x32xf32, #tpu.memory_space<hbm>>
      %dma_start3A_26 = arith.constant 0 : i32
      %dma_start3A_27 = tpu.memref_slice %arg10[%mul3A_4, %dma_start3A_26] : memref<10112x32xf32, #tpu.memory_space<vmem_shared>> -> memref<632x32xf32, #tpu.memory_space<vmem_shared>>
      tpu.enqueue_dma source(%dma_start3A_27 : memref<632x32xf32, #tpu.memory_space<vmem_shared>>) target(%dma_start3A_25 : memref<632x32xf32, #tpu.memory_space<hbm>>) target_semaphore(%run_scoped3A_22 : memref<!tpu.dma_semaphore, #tpu.memory_space<semaphore_mem>>)
      %dma_wait3A = arith.constant 0 : i32
      %dma_wait3A_28 = tpu.memref_slice %arg6[%run_scoped3A, %arg0, %mul3A_4, %dma_wait3A] : memref<1x2x10112x32xf32, #tpu.memory_space<hbm>> -> memref<1x1x632x32xf32, #tpu.memory_space<hbm>>
      %dma_wait3A_29 = tpu.memref_squeeze %dma_wait3A_28 : memref<1x1x632x32xf32, #tpu.memory_space<hbm>> -> memref<632x32xf32, #tpu.memory_space<hbm>>
      %dma_wait3A_30 = arith.constant 0 : i32
      %dma_wait3A_31 = tpu.memref_slice %arg10[%mul3A_4, %dma_wait3A_30] : memref<10112x32xf32, #tpu.memory_space<vmem_shared>> -> memref<632x32xf32, #tpu.memory_space<vmem_shared>>
      tpu.wait_dma2 semaphore(%run_scoped3A_22 : memref<!tpu.dma_semaphore, #tpu.memory_space<semaphore_mem>>) src(%dma_wait3A_31 : memref<632x32xf32, #tpu.memory_space<vmem_shared>>) dst(%dma_wait3A_29 : memref<632x32xf32, #tpu.memory_space<hbm>>)
      tpu.yield
    }) : () -> ()
    return
  }
}

#map = affine_map<(d0, d1) -> (0, 0)>
#map1 = affine_map<(d0, d1) -> (0, 0, 0)>
#map2 = affine_map<(d0, d1) -> (0, 0, 0, 0)>
module attributes {stable_mosaic.version = 14 : i64} {
  func.func @seg_kernel(%arg0: i32, %arg1: i32, %arg2: memref<10000x32xf32, #tpu.memory_space<hbm>>, %arg3: memref<32x80x128xi32, #tpu.memory_space<hbm>>, %arg4: memref<32x80x128xi32, #tpu.memory_space<hbm>>, %arg5: memref<10112x32xf32, #tpu.memory_space<hbm>>, %arg6: memref<1x2x10112x32xf32, #tpu.memory_space<hbm>>, %arg7: memref<80x128xi32, #tpu.memory_space<vmem>>, %arg8: memref<80x128xi32, #tpu.memory_space<vmem>>, %arg9: memref<2x128x32xf32, #tpu.memory_space<vmem>>, %arg10: memref<10112x32xf32, #tpu.memory_space<vmem_shared>>, %arg11: memref<10000x32xf32, #tpu.memory_space<vmem_shared>>, %arg12: memref<!tpu.dma_semaphore, #tpu.memory_space<semaphore_mem>>, %arg13: memref<!tpu.dma_semaphore, #tpu.memory_space<semaphore_mem>>) attributes {dimension_semantics = [#tpu.dimension_semantics<core_parallel>, #tpu.dimension_semantics<subcore_parallel>], iteration_bounds = array<i64: 2, 16>, scalar_prefetch = 0 : i64, scratch_operands = 7 : i64, tpu.core_type = #tpu.core_type<sc_vector_subcore>, window_params = [{transform_indices = #map}, {transform_indices = #map1}, {transform_indices = #map1}, {transform_indices = #map}, {transform_indices = #map2}]} {
    %mul3A = arith.constant 16 : i32
    %mul3A_0 = arith.muli %arg0, %mul3A : i32
    %add3A = arith.addi %mul3A_0, %arg1 : i32
    "tpu.region"() ({
      %run_scoped3A_22 = tpu.sem_alloc : memref<!tpu.dma_semaphore, #tpu.memory_space<semaphore_mem>>
      %dma_start3A_23 = arith.constant 0 : i32
      %dma_start3A_24 = arith.constant 0 : i32
      %dma_start3A_25 = tpu.memref_slice %arg3[%add3A, %dma_start3A_23, %dma_start3A_24] : memref<32x80x128xi32, #tpu.memory_space<hbm>> -> memref<1x80x128xi32, #tpu.memory_space<hbm>>
      %dma_start3A_26 = tpu.memref_squeeze %dma_start3A_25 : memref<1x80x128xi32, #tpu.memory_space<hbm>> -> memref<80x128xi32, #tpu.memory_space<hbm>>
      %dma_start3A_27 = arith.constant 0 : i32
      %dma_start3A_28 = arith.constant 0 : i32
      %dma_start3A_29 = tpu.memref_slice %arg3[%add3A, %dma_start3A_27, %dma_start3A_28] : memref<32x80x128xi32, #tpu.memory_space<hbm>> -> memref<1x80x128xi32, #tpu.memory_space<hbm>>
      %dma_start3A_30 = tpu.memref_squeeze %dma_start3A_29 : memref<1x80x128xi32, #tpu.memory_space<hbm>> -> memref<80x128xi32, #tpu.memory_space<hbm>>
      tpu.enqueue_dma source(%dma_start3A_30 : memref<80x128xi32, #tpu.memory_space<hbm>>) target(%arg7 : memref<80x128xi32, #tpu.memory_space<vmem>>) target_semaphore(%run_scoped3A_22 : memref<!tpu.dma_semaphore, #tpu.memory_space<semaphore_mem>>)
      %dma_wait3A = arith.constant 0 : i32
      %dma_wait3A_31 = arith.constant 0 : i32
      %dma_wait3A_32 = tpu.memref_slice %arg3[%add3A, %dma_wait3A, %dma_wait3A_31] : memref<32x80x128xi32, #tpu.memory_space<hbm>> -> memref<1x80x128xi32, #tpu.memory_space<hbm>>
      %dma_wait3A_33 = tpu.memref_squeeze %dma_wait3A_32 : memref<1x80x128xi32, #tpu.memory_space<hbm>> -> memref<80x128xi32, #tpu.memory_space<hbm>>
      %dma_wait3A_34 = arith.constant 0 : i32
      %dma_wait3A_35 = arith.constant 0 : i32
      %dma_wait3A_36 = tpu.memref_slice %arg3[%add3A, %dma_wait3A_34, %dma_wait3A_35] : memref<32x80x128xi32, #tpu.memory_space<hbm>> -> memref<1x80x128xi32, #tpu.memory_space<hbm>>
      %dma_wait3A_37 = tpu.memref_squeeze %dma_wait3A_36 : memref<1x80x128xi32, #tpu.memory_space<hbm>> -> memref<80x128xi32, #tpu.memory_space<hbm>>
      tpu.wait_dma2 semaphore(%run_scoped3A_22 : memref<!tpu.dma_semaphore, #tpu.memory_space<semaphore_mem>>) src(%dma_wait3A_37 : memref<80x128xi32, #tpu.memory_space<hbm>>) dst(%arg7 : memref<80x128xi32, #tpu.memory_space<vmem>>)
      tpu.yield
    }) : () -> ()
    "tpu.region"() ({
      %run_scoped3A_22 = tpu.sem_alloc : memref<!tpu.dma_semaphore, #tpu.memory_space<semaphore_mem>>
      %dma_start3A_23 = arith.constant 0 : i32
      %dma_start3A_24 = arith.constant 0 : i32
      %dma_start3A_25 = tpu.memref_slice %arg4[%add3A, %dma_start3A_23, %dma_start3A_24] : memref<32x80x128xi32, #tpu.memory_space<hbm>> -> memref<1x80x128xi32, #tpu.memory_space<hbm>>
      %dma_start3A_26 = tpu.memref_squeeze %dma_start3A_25 : memref<1x80x128xi32, #tpu.memory_space<hbm>> -> memref<80x128xi32, #tpu.memory_space<hbm>>
      %dma_start3A_27 = arith.constant 0 : i32
      %dma_start3A_28 = arith.constant 0 : i32
      %dma_start3A_29 = tpu.memref_slice %arg4[%add3A, %dma_start3A_27, %dma_start3A_28] : memref<32x80x128xi32, #tpu.memory_space<hbm>> -> memref<1x80x128xi32, #tpu.memory_space<hbm>>
      %dma_start3A_30 = tpu.memref_squeeze %dma_start3A_29 : memref<1x80x128xi32, #tpu.memory_space<hbm>> -> memref<80x128xi32, #tpu.memory_space<hbm>>
      tpu.enqueue_dma source(%dma_start3A_30 : memref<80x128xi32, #tpu.memory_space<hbm>>) target(%arg8 : memref<80x128xi32, #tpu.memory_space<vmem>>) target_semaphore(%run_scoped3A_22 : memref<!tpu.dma_semaphore, #tpu.memory_space<semaphore_mem>>)
      %dma_wait3A = arith.constant 0 : i32
      %dma_wait3A_31 = arith.constant 0 : i32
      %dma_wait3A_32 = tpu.memref_slice %arg4[%add3A, %dma_wait3A, %dma_wait3A_31] : memref<32x80x128xi32, #tpu.memory_space<hbm>> -> memref<1x80x128xi32, #tpu.memory_space<hbm>>
      %dma_wait3A_33 = tpu.memref_squeeze %dma_wait3A_32 : memref<1x80x128xi32, #tpu.memory_space<hbm>> -> memref<80x128xi32, #tpu.memory_space<hbm>>
      %dma_wait3A_34 = arith.constant 0 : i32
      %dma_wait3A_35 = arith.constant 0 : i32
      %dma_wait3A_36 = tpu.memref_slice %arg4[%add3A, %dma_wait3A_34, %dma_wait3A_35] : memref<32x80x128xi32, #tpu.memory_space<hbm>> -> memref<1x80x128xi32, #tpu.memory_space<hbm>>
      %dma_wait3A_37 = tpu.memref_squeeze %dma_wait3A_36 : memref<1x80x128xi32, #tpu.memory_space<hbm>> -> memref<80x128xi32, #tpu.memory_space<hbm>>
      tpu.wait_dma2 semaphore(%run_scoped3A_22 : memref<!tpu.dma_semaphore, #tpu.memory_space<semaphore_mem>>) src(%dma_wait3A_37 : memref<80x128xi32, #tpu.memory_space<hbm>>) dst(%arg8 : memref<80x128xi32, #tpu.memory_space<vmem>>)
      tpu.yield
    }) : () -> ()
    %mul3A_1 = arith.constant 625 : i32
    %mul3A_2 = arith.muli %arg1, %mul3A_1 : i32
    %mul3A_3 = arith.constant 632 : i32
    %mul3A_4 = arith.muli %arg1, %mul3A_3 : i32
    "tpu.region"() ({
      %run_scoped3A_22 = tpu.sem_alloc : memref<!tpu.dma_semaphore, #tpu.memory_space<semaphore_mem>>
      %dma_start3A_23 = arith.constant 0 : i32
      %dma_start3A_24 = tpu.memref_slice %arg11[%mul3A_2, %dma_start3A_23] : memref<10000x32xf32, #tpu.memory_space<vmem_shared>> -> memref<625x32xf32, #tpu.memory_space<vmem_shared>>
      %dma_start3A_25 = arith.constant 0 : i32
      %dma_start3A_26 = tpu.memref_slice %arg2[%mul3A_2, %dma_start3A_25] : memref<10000x32xf32, #tpu.memory_space<hbm>> -> memref<625x32xf32, #tpu.memory_space<hbm>>
      tpu.enqueue_dma source(%dma_start3A_26 : memref<625x32xf32, #tpu.memory_space<hbm>>) target(%dma_start3A_24 : memref<625x32xf32, #tpu.memory_space<vmem_shared>>) target_semaphore(%run_scoped3A_22 : memref<!tpu.dma_semaphore, #tpu.memory_space<semaphore_mem>>)
      %dma_wait3A = arith.constant 0 : i32
      %dma_wait3A_27 = tpu.memref_slice %arg11[%mul3A_2, %dma_wait3A] : memref<10000x32xf32, #tpu.memory_space<vmem_shared>> -> memref<625x32xf32, #tpu.memory_space<vmem_shared>>
      %dma_wait3A_28 = arith.constant 0 : i32
      %dma_wait3A_29 = tpu.memref_slice %arg2[%mul3A_2, %dma_wait3A_28] : memref<10000x32xf32, #tpu.memory_space<hbm>> -> memref<625x32xf32, #tpu.memory_space<hbm>>
      tpu.wait_dma2 semaphore(%run_scoped3A_22 : memref<!tpu.dma_semaphore, #tpu.memory_space<semaphore_mem>>) src(%dma_wait3A_29 : memref<625x32xf32, #tpu.memory_space<hbm>>) dst(%dma_wait3A_27 : memref<625x32xf32, #tpu.memory_space<vmem_shared>>)
      tpu.yield
    }) : () -> ()
    "tpu.region"() ({
      %run_scoped3A_22 = tpu.sem_alloc : memref<!tpu.dma_semaphore, #tpu.memory_space<semaphore_mem>>
      %dma_start3A_23 = arith.constant 0 : i32
      %dma_start3A_24 = tpu.memref_slice %arg10[%mul3A_4, %dma_start3A_23] : memref<10112x32xf32, #tpu.memory_space<vmem_shared>> -> memref<632x32xf32, #tpu.memory_space<vmem_shared>>
      %dma_start3A_25 = arith.constant 0 : i32
      %dma_start3A_26 = tpu.memref_slice %arg5[%mul3A_4, %dma_start3A_25] : memref<10112x32xf32, #tpu.memory_space<hbm>> -> memref<632x32xf32, #tpu.memory_space<hbm>>
      tpu.enqueue_dma source(%dma_start3A_26 : memref<632x32xf32, #tpu.memory_space<hbm>>) target(%dma_start3A_24 : memref<632x32xf32, #tpu.memory_space<vmem_shared>>) target_semaphore(%run_scoped3A_22 : memref<!tpu.dma_semaphore, #tpu.memory_space<semaphore_mem>>)
      %dma_wait3A = arith.constant 0 : i32
      %dma_wait3A_27 = tpu.memref_slice %arg10[%mul3A_4, %dma_wait3A] : memref<10112x32xf32, #tpu.memory_space<vmem_shared>> -> memref<632x32xf32, #tpu.memory_space<vmem_shared>>
      %dma_wait3A_28 = arith.constant 0 : i32
      %dma_wait3A_29 = tpu.memref_slice %arg5[%mul3A_4, %dma_wait3A_28] : memref<10112x32xf32, #tpu.memory_space<hbm>> -> memref<632x32xf32, #tpu.memory_space<hbm>>
      tpu.wait_dma2 semaphore(%run_scoped3A_22 : memref<!tpu.dma_semaphore, #tpu.memory_space<semaphore_mem>>) src(%dma_wait3A_29 : memref<632x32xf32, #tpu.memory_space<hbm>>) dst(%dma_wait3A_27 : memref<632x32xf32, #tpu.memory_space<vmem_shared>>)
      tpu.yield
    }) : () -> ()
    %barrier3A = arith.constant 0 : index
    tpu.barrier barrier_id(%barrier3A)
    %dma_start3A = arith.constant 0 : i32
    %dma_start3A_5 = arith.constant 0 : i32
    %dma_start3A_6 = arith.constant 0 : i32
    %dma_start3A_7 = arith.constant 0 : i32
    %dma_start3A_8 = tpu.memref_slice %arg9[%dma_start3A_5, %dma_start3A_6, %dma_start3A_7] : memref<2x128x32xf32, #tpu.memory_space<vmem>> -> memref<1x128x32xf32, #tpu.memory_space<vmem>>
    %dma_start3A_9 = tpu.memref_squeeze %dma_start3A_8 : memref<1x128x32xf32, #tpu.memory_space<vmem>> -> memref<128x32xf32, #tpu.memory_space<vmem>>
    %dma_start3A_10 = arith.constant 0 : i32
    %dma_start3A_11 = tpu.memref_slice %arg7[%dma_start3A, %dma_start3A_10] : memref<80x128xi32, #tpu.memory_space<vmem>> -> memref<1x128xi32, #tpu.memory_space<vmem>>
    %dma_start3A_12 = tpu.memref_squeeze %dma_start3A_11 : memref<1x128xi32, #tpu.memory_space<vmem>> -> memref<128xi32, #tpu.memory_space<vmem>>
    %dma_start3A_13 = arith.constant 0 : i32
    %dma_start3A_14 = arith.constant 0 : i32
    %dma_start3A_15 = tpu.memref_slice %arg11[%dma_start3A_13, %dma_start3A_14] : memref<10000x32xf32, #tpu.memory_space<vmem_shared>> -> memref<10000x32xf32, #tpu.memory_space<vmem_shared>>
    tpu.enqueue_indirect_dma source(%dma_start3A_15 : memref<10000x32xf32, #tpu.memory_space<vmem_shared>>) target(%dma_start3A_9 : memref<128x32xf32, #tpu.memory_space<vmem>>) offsets(%dma_start3A_12 : memref<128xi32, #tpu.memory_space<vmem>>) semaphore(%arg12 : memref<!tpu.dma_semaphore, #tpu.memory_space<semaphore_mem>>)
    %scan3A = arith.constant 0 : i32
    %scan3A_16 = arith.constant 0 : i32
    %scan3A_17 = arith.constant 40 : i32
    %scan3A_18 = arith.addi %scan3A_16, %scan3A_17 : i32
    %scan3A_19 = arith.constant 1 : i32
    scf.for %scan3A_22 = %scan3A_16 to %scan3A_18 step %scan3A_19  : i32 {
      %mul3A_23 = arith.constant 2 : i32
      %mul3A_24 = arith.muli %mul3A_23, %scan3A_22 : i32
      %add3A_25 = arith.constant 1 : i32
      %add3A_26 = arith.addi %mul3A_24, %add3A_25 : i32
      %dma_start3A_27 = arith.constant 1 : i32
      %dma_start3A_28 = arith.constant 0 : i32
      %dma_start3A_29 = arith.constant 0 : i32
      %dma_start3A_30 = tpu.memref_slice %arg9[%dma_start3A_27, %dma_start3A_28, %dma_start3A_29] : memref<2x128x32xf32, #tpu.memory_space<vmem>> -> memref<1x128x32xf32, #tpu.memory_space<vmem>>
      %dma_start3A_31 = tpu.memref_squeeze %dma_start3A_30 : memref<1x128x32xf32, #tpu.memory_space<vmem>> -> memref<128x32xf32, #tpu.memory_space<vmem>>
      %dma_start3A_32 = arith.constant 0 : i32
      %dma_start3A_33 = tpu.memref_slice %arg7[%add3A_26, %dma_start3A_32] : memref<80x128xi32, #tpu.memory_space<vmem>> -> memref<1x128xi32, #tpu.memory_space<vmem>>
      %dma_start3A_34 = tpu.memref_squeeze %dma_start3A_33 : memref<1x128xi32, #tpu.memory_space<vmem>> -> memref<128xi32, #tpu.memory_space<vmem>>
      %dma_start3A_35 = arith.constant 0 : i32
      %dma_start3A_36 = arith.constant 0 : i32
      %dma_start3A_37 = tpu.memref_slice %arg11[%dma_start3A_35, %dma_start3A_36] : memref<10000x32xf32, #tpu.memory_space<vmem_shared>> -> memref<10000x32xf32, #tpu.memory_space<vmem_shared>>
      tpu.enqueue_indirect_dma source(%dma_start3A_37 : memref<10000x32xf32, #tpu.memory_space<vmem_shared>>) target(%dma_start3A_31 : memref<128x32xf32, #tpu.memory_space<vmem>>) offsets(%dma_start3A_34 : memref<128xi32, #tpu.memory_space<vmem>>) semaphore(%arg13 : memref<!tpu.dma_semaphore, #tpu.memory_space<semaphore_mem>>)
      %dma_wait3A = arith.constant 0 : i32
      %dma_wait3A_38 = arith.constant 0 : i32
      %dma_wait3A_39 = arith.constant 0 : i32
      %dma_wait3A_40 = tpu.memref_slice %arg9[%dma_wait3A, %dma_wait3A_38, %dma_wait3A_39] : memref<2x128x32xf32, #tpu.memory_space<vmem>> -> memref<1x128x32xf32, #tpu.memory_space<vmem>>
      %dma_wait3A_41 = tpu.memref_squeeze %dma_wait3A_40 : memref<1x128x32xf32, #tpu.memory_space<vmem>> -> memref<128x32xf32, #tpu.memory_space<vmem>>
      %dma_wait3A_42 = arith.constant 0 : i32
      %dma_wait3A_43 = tpu.memref_slice %arg7[%mul3A_24, %dma_wait3A_42] : memref<80x128xi32, #tpu.memory_space<vmem>> -> memref<1x128xi32, #tpu.memory_space<vmem>>
      %dma_wait3A_44 = tpu.memref_squeeze %dma_wait3A_43 : memref<1x128xi32, #tpu.memory_space<vmem>> -> memref<128xi32, #tpu.memory_space<vmem>>
      %dma_wait3A_45 = arith.constant 0 : i32
      %dma_wait3A_46 = arith.constant 0 : i32
      %dma_wait3A_47 = tpu.memref_slice %arg11[%dma_wait3A_45, %dma_wait3A_46] : memref<10000x32xf32, #tpu.memory_space<vmem_shared>> -> memref<10000x32xf32, #tpu.memory_space<vmem_shared>>
      tpu.wait_indirect_dma semaphore(%arg12 : memref<!tpu.dma_semaphore, #tpu.memory_space<semaphore_mem>>) src(%dma_wait3A_47 : memref<10000x32xf32, #tpu.memory_space<vmem_shared>>) dst(%dma_wait3A_41 : memref<128x32xf32, #tpu.memory_space<vmem>>)
      %run_scoped3A_48 = arith.constant 0 : i32
      "tpu.region"() ({
        %run_scoped3A_69 = tpu.sem_alloc : memref<!tpu.dma_semaphore, #tpu.memory_space<semaphore_mem>>
        %dma_start3A_70 = arith.constant 0 : i32
        %dma_start3A_71 = arith.constant 0 : i32
        %dma_start3A_72 = tpu.memref_slice %arg9[%run_scoped3A_48, %dma_start3A_70, %dma_start3A_71] : memref<2x128x32xf32, #tpu.memory_space<vmem>> -> memref<1x128x32xf32, #tpu.memory_space<vmem>>
        %dma_start3A_73 = tpu.memref_squeeze %dma_start3A_72 : memref<1x128x32xf32, #tpu.memory_space<vmem>> -> memref<128x32xf32, #tpu.memory_space<vmem>>
        %dma_start3A_74 = arith.constant 0 : i32
        %dma_start3A_75 = tpu.memref_slice %arg8[%mul3A_24, %dma_start3A_74] : memref<80x128xi32, #tpu.memory_space<vmem>> -> memref<1x128xi32, #tpu.memory_space<vmem>>
        %dma_start3A_76 = tpu.memref_squeeze %dma_start3A_75 : memref<1x128xi32, #tpu.memory_space<vmem>> -> memref<128xi32, #tpu.memory_space<vmem>>
        %dma_start3A_77 = arith.constant 0 : i32
        %dma_start3A_78 = arith.constant 0 : i32
        %dma_start3A_79 = tpu.memref_slice %arg10[%dma_start3A_77, %dma_start3A_78] : memref<10112x32xf32, #tpu.memory_space<vmem_shared>> -> memref<10112x32xf32, #tpu.memory_space<vmem_shared>>
        tpu.enqueue_indirect_dma source(%dma_start3A_73 : memref<128x32xf32, #tpu.memory_space<vmem>>) target(%dma_start3A_79 : memref<10112x32xf32, #tpu.memory_space<vmem_shared>>) offsets(%dma_start3A_76 : memref<128xi32, #tpu.memory_space<vmem>>) semaphore(%run_scoped3A_69 : memref<!tpu.dma_semaphore, #tpu.memory_space<semaphore_mem>>) {add = true}
        %dma_wait3A_80 = arith.constant 0 : i32
        %dma_wait3A_81 = arith.constant 0 : i32
        %dma_wait3A_82 = tpu.memref_slice %arg9[%run_scoped3A_48, %dma_wait3A_80, %dma_wait3A_81] : memref<2x128x32xf32, #tpu.memory_space<vmem>> -> memref<1x128x32xf32, #tpu.memory_space<vmem>>
        %dma_wait3A_83 = tpu.memref_squeeze %dma_wait3A_82 : memref<1x128x32xf32, #tpu.memory_space<vmem>> -> memref<128x32xf32, #tpu.memory_space<vmem>>
        %dma_wait3A_84 = arith.constant 0 : i32
        %dma_wait3A_85 = tpu.memref_slice %arg8[%mul3A_24, %dma_wait3A_84] : memref<80x128xi32, #tpu.memory_space<vmem>> -> memref<1x128xi32, #tpu.memory_space<vmem>>
        %dma_wait3A_86 = tpu.memref_squeeze %dma_wait3A_85 : memref<1x128xi32, #tpu.memory_space<vmem>> -> memref<128xi32, #tpu.memory_space<vmem>>
        %dma_wait3A_87 = arith.constant 0 : i32
        %dma_wait3A_88 = arith.constant 0 : i32
        %dma_wait3A_89 = tpu.memref_slice %arg10[%dma_wait3A_87, %dma_wait3A_88] : memref<10112x32xf32, #tpu.memory_space<vmem_shared>> -> memref<10112x32xf32, #tpu.memory_space<vmem_shared>>
        tpu.wait_indirect_dma semaphore(%run_scoped3A_69 : memref<!tpu.dma_semaphore, #tpu.memory_space<semaphore_mem>>) src(%dma_wait3A_83 : memref<128x32xf32, #tpu.memory_space<vmem>>) dst(%dma_wait3A_89 : memref<10112x32xf32, #tpu.memory_space<vmem_shared>>)
        tpu.yield
      }) : () -> ()
      %add3A_49 = arith.constant 2 : i32
      %add3A_50 = arith.addi %mul3A_24, %add3A_49 : i32
      %lt3A = arith.constant 80 : i32
      %lt3A_51 = arith.cmpi slt, %add3A_50, %lt3A : i32
      %convert_element_type3A = arith.extui %lt3A_51 : i1 to i32
      %cond3A = arith.constant 0 : i32
      %cond3A_52 = arith.cmpi ne, %convert_element_type3A, %cond3A : i32
      scf.if %cond3A_52 {
        %add3A_69 = arith.constant 2 : i32
        %add3A_70 = arith.addi %mul3A_24, %add3A_69 : i32
        %dma_start3A_71 = arith.constant 0 : i32
        %dma_start3A_72 = arith.constant 0 : i32
        %dma_start3A_73 = arith.constant 0 : i32
        %dma_start3A_74 = tpu.memref_slice %arg9[%dma_start3A_71, %dma_start3A_72, %dma_start3A_73] : memref<2x128x32xf32, #tpu.memory_space<vmem>> -> memref<1x128x32xf32, #tpu.memory_space<vmem>>
        %dma_start3A_75 = tpu.memref_squeeze %dma_start3A_74 : memref<1x128x32xf32, #tpu.memory_space<vmem>> -> memref<128x32xf32, #tpu.memory_space<vmem>>
        %dma_start3A_76 = arith.constant 0 : i32
        %dma_start3A_77 = tpu.memref_slice %arg7[%add3A_70, %dma_start3A_76] : memref<80x128xi32, #tpu.memory_space<vmem>> -> memref<1x128xi32, #tpu.memory_space<vmem>>
        %dma_start3A_78 = tpu.memref_squeeze %dma_start3A_77 : memref<1x128xi32, #tpu.memory_space<vmem>> -> memref<128xi32, #tpu.memory_space<vmem>>
        %dma_start3A_79 = arith.constant 0 : i32
        %dma_start3A_80 = arith.constant 0 : i32
        %dma_start3A_81 = tpu.memref_slice %arg11[%dma_start3A_79, %dma_start3A_80] : memref<10000x32xf32, #tpu.memory_space<vmem_shared>> -> memref<10000x32xf32, #tpu.memory_space<vmem_shared>>
        tpu.enqueue_indirect_dma source(%dma_start3A_81 : memref<10000x32xf32, #tpu.memory_space<vmem_shared>>) target(%dma_start3A_75 : memref<128x32xf32, #tpu.memory_space<vmem>>) offsets(%dma_start3A_78 : memref<128xi32, #tpu.memory_space<vmem>>) semaphore(%arg12 : memref<!tpu.dma_semaphore, #tpu.memory_space<semaphore_mem>>)
      } else {
      }
      %add3A_53 = arith.constant 1 : i32
      %add3A_54 = arith.addi %mul3A_24, %add3A_53 : i32
      %dma_wait3A_55 = arith.constant 1 : i32
      %dma_wait3A_56 = arith.constant 0 : i32
      %dma_wait3A_57 = arith.constant 0 : i32
      %dma_wait3A_58 = tpu.memref_slice %arg9[%dma_wait3A_55, %dma_wait3A_56, %dma_wait3A_57] : memref<2x128x32xf32, #tpu.memory_space<vmem>> -> memref<1x128x32xf32, #tpu.memory_space<vmem>>
      %dma_wait3A_59 = tpu.memref_squeeze %dma_wait3A_58 : memref<1x128x32xf32, #tpu.memory_space<vmem>> -> memref<128x32xf32, #tpu.memory_space<vmem>>
      %dma_wait3A_60 = arith.constant 0 : i32
      %dma_wait3A_61 = tpu.memref_slice %arg7[%add3A_54, %dma_wait3A_60] : memref<80x128xi32, #tpu.memory_space<vmem>> -> memref<1x128xi32, #tpu.memory_space<vmem>>
      %dma_wait3A_62 = tpu.memref_squeeze %dma_wait3A_61 : memref<1x128xi32, #tpu.memory_space<vmem>> -> memref<128xi32, #tpu.memory_space<vmem>>
      %dma_wait3A_63 = arith.constant 0 : i32
      %dma_wait3A_64 = arith.constant 0 : i32
      %dma_wait3A_65 = tpu.memref_slice %arg11[%dma_wait3A_63, %dma_wait3A_64] : memref<10000x32xf32, #tpu.memory_space<vmem_shared>> -> memref<10000x32xf32, #tpu.memory_space<vmem_shared>>
      tpu.wait_indirect_dma semaphore(%arg13 : memref<!tpu.dma_semaphore, #tpu.memory_space<semaphore_mem>>) src(%dma_wait3A_65 : memref<10000x32xf32, #tpu.memory_space<vmem_shared>>) dst(%dma_wait3A_59 : memref<128x32xf32, #tpu.memory_space<vmem>>)
      %add3A_66 = arith.constant 1 : i32
      %add3A_67 = arith.addi %mul3A_24, %add3A_66 : i32
      %run_scoped3A_68 = arith.constant 1 : i32
      "tpu.region"() ({
        %run_scoped3A_69 = tpu.sem_alloc : memref<!tpu.dma_semaphore, #tpu.memory_space<semaphore_mem>>
        %dma_start3A_70 = arith.constant 0 : i32
        %dma_start3A_71 = arith.constant 0 : i32
        %dma_start3A_72 = tpu.memref_slice %arg9[%run_scoped3A_68, %dma_start3A_70, %dma_start3A_71] : memref<2x128x32xf32, #tpu.memory_space<vmem>> -> memref<1x128x32xf32, #tpu.memory_space<vmem>>
        %dma_start3A_73 = tpu.memref_squeeze %dma_start3A_72 : memref<1x128x32xf32, #tpu.memory_space<vmem>> -> memref<128x32xf32, #tpu.memory_space<vmem>>
        %dma_start3A_74 = arith.constant 0 : i32
        %dma_start3A_75 = tpu.memref_slice %arg8[%add3A_67, %dma_start3A_74] : memref<80x128xi32, #tpu.memory_space<vmem>> -> memref<1x128xi32, #tpu.memory_space<vmem>>
        %dma_start3A_76 = tpu.memref_squeeze %dma_start3A_75 : memref<1x128xi32, #tpu.memory_space<vmem>> -> memref<128xi32, #tpu.memory_space<vmem>>
        %dma_start3A_77 = arith.constant 0 : i32
        %dma_start3A_78 = arith.constant 0 : i32
        %dma_start3A_79 = tpu.memref_slice %arg10[%dma_start3A_77, %dma_start3A_78] : memref<10112x32xf32, #tpu.memory_space<vmem_shared>> -> memref<10112x32xf32, #tpu.memory_space<vmem_shared>>
        tpu.enqueue_indirect_dma source(%dma_start3A_73 : memref<128x32xf32, #tpu.memory_space<vmem>>) target(%dma_start3A_79 : memref<10112x32xf32, #tpu.memory_space<vmem_shared>>) offsets(%dma_start3A_76 : memref<128xi32, #tpu.memory_space<vmem>>) semaphore(%run_scoped3A_69 : memref<!tpu.dma_semaphore, #tpu.memory_space<semaphore_mem>>) {add = true}
        %dma_wait3A_80 = arith.constant 0 : i32
        %dma_wait3A_81 = arith.constant 0 : i32
        %dma_wait3A_82 = tpu.memref_slice %arg9[%run_scoped3A_68, %dma_wait3A_80, %dma_wait3A_81] : memref<2x128x32xf32, #tpu.memory_space<vmem>> -> memref<1x128x32xf32, #tpu.memory_space<vmem>>
        %dma_wait3A_83 = tpu.memref_squeeze %dma_wait3A_82 : memref<1x128x32xf32, #tpu.memory_space<vmem>> -> memref<128x32xf32, #tpu.memory_space<vmem>>
        %dma_wait3A_84 = arith.constant 0 : i32
        %dma_wait3A_85 = tpu.memref_slice %arg8[%add3A_67, %dma_wait3A_84] : memref<80x128xi32, #tpu.memory_space<vmem>> -> memref<1x128xi32, #tpu.memory_space<vmem>>
        %dma_wait3A_86 = tpu.memref_squeeze %dma_wait3A_85 : memref<1x128xi32, #tpu.memory_space<vmem>> -> memref<128xi32, #tpu.memory_space<vmem>>
        %dma_wait3A_87 = arith.constant 0 : i32
        %dma_wait3A_88 = arith.constant 0 : i32
        %dma_wait3A_89 = tpu.memref_slice %arg10[%dma_wait3A_87, %dma_wait3A_88] : memref<10112x32xf32, #tpu.memory_space<vmem_shared>> -> memref<10112x32xf32, #tpu.memory_space<vmem_shared>>
        tpu.wait_indirect_dma semaphore(%run_scoped3A_69 : memref<!tpu.dma_semaphore, #tpu.memory_space<semaphore_mem>>) src(%dma_wait3A_83 : memref<128x32xf32, #tpu.memory_space<vmem>>) dst(%dma_wait3A_89 : memref<10112x32xf32, #tpu.memory_space<vmem_shared>>)
        tpu.yield
      }) : () -> ()
    }
    %scan3A_20 = arith.constant 40 : i32
    %barrier3A_21 = arith.constant 0 : index
    tpu.barrier barrier_id(%barrier3A_21)
    %run_scoped3A = arith.constant 0 : i32
    "tpu.region"() ({
      %run_scoped3A_22 = tpu.sem_alloc : memref<!tpu.dma_semaphore, #tpu.memory_space<semaphore_mem>>
      %dma_start3A_23 = arith.constant 0 : i32
      %dma_start3A_24 = tpu.memref_slice %arg6[%run_scoped3A, %arg0, %mul3A_4, %dma_start3A_23] : memref<1x2x10112x32xf32, #tpu.memory_space<hbm>> -> memref<1x1x632x32xf32, #tpu.memory_space<hbm>>
      %dma_start3A_25 = tpu.memref_squeeze %dma_start3A_24 : memref<1x1x632x32xf32, #tpu.memory_space<hbm>> -> memref<632x32xf32, #tpu.memory_space<hbm>>
      %dma_start3A_26 = arith.constant 0 : i32
      %dma_start3A_27 = tpu.memref_slice %arg10[%mul3A_4, %dma_start3A_26] : memref<10112x32xf32, #tpu.memory_space<vmem_shared>> -> memref<632x32xf32, #tpu.memory_space<vmem_shared>>
      tpu.enqueue_dma source(%dma_start3A_27 : memref<632x32xf32, #tpu.memory_space<vmem_shared>>) target(%dma_start3A_25 : memref<632x32xf32, #tpu.memory_space<hbm>>) target_semaphore(%run_scoped3A_22 : memref<!tpu.dma_semaphore, #tpu.memory_space<semaphore_mem>>)
      %dma_wait3A = arith.constant 0 : i32
      %dma_wait3A_28 = tpu.memref_slice %arg6[%run_scoped3A, %arg0, %mul3A_4, %dma_wait3A] : memref<1x2x10112x32xf32, #tpu.memory_space<hbm>> -> memref<1x1x632x32xf32, #tpu.memory_space<hbm>>
      %dma_wait3A_29 = tpu.memref_squeeze %dma_wait3A_28 : memref<1x1x632x32xf32, #tpu.memory_space<hbm>> -> memref<632x32xf32, #tpu.memory_space<hbm>>
      %dma_wait3A_30 = arith.constant 0 : i32
      %dma_wait3A_31 = tpu.memref_slice %arg10[%mul3A_4, %dma_wait3A_30] : memref<10112x32xf32, #tpu.memory_space<vmem_shared>> -> memref<632x32xf32, #tpu.memory_space<vmem_shared>>
      tpu.wait_dma2 semaphore(%run_scoped3A_22 : memref<!tpu.dma_semaphore, #tpu.memory_space<semaphore_mem>>) src(%dma_wait3A_31 : memref<632x32xf32, #tpu.memory_space<vmem_shared>>) dst(%dma_wait3A_29 : memref<632x32xf32, #tpu.memory_space<hbm>>)
      tpu.yield
    }) : () -> ()
    return
  }
}

#map = affine_map<(d0, d1) -> (0, 0)>
#map1 = affine_map<(d0, d1) -> (0, 0, 0)>
#map2 = affine_map<(d0, d1) -> (0, 0, 0, 0)>
module attributes {stable_mosaic.version = 14 : i64} {
  func.func @seg_kernel(%arg0: i32, %arg1: i32, %arg2: memref<10000x48xf32, #tpu.memory_space<hbm>>, %arg3: memref<10000x48xf32, #tpu.memory_space<hbm>>, %arg4: memref<32x80x128xi32, #tpu.memory_space<hbm>>, %arg5: memref<32x80x128xi32, #tpu.memory_space<hbm>>, %arg6: memref<10112x48xf32, #tpu.memory_space<hbm>>, %arg7: memref<2x2x10112x48xf32, #tpu.memory_space<hbm>>, %arg8: memref<80x128xi32, #tpu.memory_space<vmem>>, %arg9: memref<80x128xi32, #tpu.memory_space<vmem>>, %arg10: memref<2x128x48xf32, #tpu.memory_space<vmem>>, %arg11: memref<10112x48xf32, #tpu.memory_space<vmem_shared>>, %arg12: memref<10000x48xf32, #tpu.memory_space<vmem_shared>>, %arg13: memref<!tpu.dma_semaphore, #tpu.memory_space<semaphore_mem>>, %arg14: memref<!tpu.dma_semaphore, #tpu.memory_space<semaphore_mem>>) attributes {dimension_semantics = [#tpu.dimension_semantics<core_parallel>, #tpu.dimension_semantics<subcore_parallel>], iteration_bounds = array<i64: 2, 16>, scalar_prefetch = 0 : i64, scratch_operands = 7 : i64, tpu.core_type = #tpu.core_type<sc_vector_subcore>, window_params = [{transform_indices = #map}, {transform_indices = #map}, {transform_indices = #map1}, {transform_indices = #map1}, {transform_indices = #map}, {transform_indices = #map2}]} {
    %mul3A = arith.constant 16 : i32
    %mul3A_0 = arith.muli %arg0, %mul3A : i32
    %add3A = arith.addi %mul3A_0, %arg1 : i32
    "tpu.region"() ({
      %run_scoped3A_43 = tpu.sem_alloc : memref<!tpu.dma_semaphore, #tpu.memory_space<semaphore_mem>>
      %dma_start3A_44 = arith.constant 0 : i32
      %dma_start3A_45 = arith.constant 0 : i32
      %dma_start3A_46 = tpu.memref_slice %arg4[%add3A, %dma_start3A_44, %dma_start3A_45] : memref<32x80x128xi32, #tpu.memory_space<hbm>> -> memref<1x80x128xi32, #tpu.memory_space<hbm>>
      %dma_start3A_47 = tpu.memref_squeeze %dma_start3A_46 : memref<1x80x128xi32, #tpu.memory_space<hbm>> -> memref<80x128xi32, #tpu.memory_space<hbm>>
      %dma_start3A_48 = arith.constant 0 : i32
      %dma_start3A_49 = arith.constant 0 : i32
      %dma_start3A_50 = tpu.memref_slice %arg4[%add3A, %dma_start3A_48, %dma_start3A_49] : memref<32x80x128xi32, #tpu.memory_space<hbm>> -> memref<1x80x128xi32, #tpu.memory_space<hbm>>
      %dma_start3A_51 = tpu.memref_squeeze %dma_start3A_50 : memref<1x80x128xi32, #tpu.memory_space<hbm>> -> memref<80x128xi32, #tpu.memory_space<hbm>>
      tpu.enqueue_dma source(%dma_start3A_51 : memref<80x128xi32, #tpu.memory_space<hbm>>) target(%arg8 : memref<80x128xi32, #tpu.memory_space<vmem>>) target_semaphore(%run_scoped3A_43 : memref<!tpu.dma_semaphore, #tpu.memory_space<semaphore_mem>>)
      %dma_wait3A = arith.constant 0 : i32
      %dma_wait3A_52 = arith.constant 0 : i32
      %dma_wait3A_53 = tpu.memref_slice %arg4[%add3A, %dma_wait3A, %dma_wait3A_52] : memref<32x80x128xi32, #tpu.memory_space<hbm>> -> memref<1x80x128xi32, #tpu.memory_space<hbm>>
      %dma_wait3A_54 = tpu.memref_squeeze %dma_wait3A_53 : memref<1x80x128xi32, #tpu.memory_space<hbm>> -> memref<80x128xi32, #tpu.memory_space<hbm>>
      %dma_wait3A_55 = arith.constant 0 : i32
      %dma_wait3A_56 = arith.constant 0 : i32
      %dma_wait3A_57 = tpu.memref_slice %arg4[%add3A, %dma_wait3A_55, %dma_wait3A_56] : memref<32x80x128xi32, #tpu.memory_space<hbm>> -> memref<1x80x128xi32, #tpu.memory_space<hbm>>
      %dma_wait3A_58 = tpu.memref_squeeze %dma_wait3A_57 : memref<1x80x128xi32, #tpu.memory_space<hbm>> -> memref<80x128xi32, #tpu.memory_space<hbm>>
      tpu.wait_dma2 semaphore(%run_scoped3A_43 : memref<!tpu.dma_semaphore, #tpu.memory_space<semaphore_mem>>) src(%dma_wait3A_58 : memref<80x128xi32, #tpu.memory_space<hbm>>) dst(%arg8 : memref<80x128xi32, #tpu.memory_space<vmem>>)
      tpu.yield
    }) : () -> ()
    "tpu.region"() ({
      %run_scoped3A_43 = tpu.sem_alloc : memref<!tpu.dma_semaphore, #tpu.memory_space<semaphore_mem>>
      %dma_start3A_44 = arith.constant 0 : i32
      %dma_start3A_45 = arith.constant 0 : i32
      %dma_start3A_46 = tpu.memref_slice %arg5[%add3A, %dma_start3A_44, %dma_start3A_45] : memref<32x80x128xi32, #tpu.memory_space<hbm>> -> memref<1x80x128xi32, #tpu.memory_space<hbm>>
      %dma_start3A_47 = tpu.memref_squeeze %dma_start3A_46 : memref<1x80x128xi32, #tpu.memory_space<hbm>> -> memref<80x128xi32, #tpu.memory_space<hbm>>
      %dma_start3A_48 = arith.constant 0 : i32
      %dma_start3A_49 = arith.constant 0 : i32
      %dma_start3A_50 = tpu.memref_slice %arg5[%add3A, %dma_start3A_48, %dma_start3A_49] : memref<32x80x128xi32, #tpu.memory_space<hbm>> -> memref<1x80x128xi32, #tpu.memory_space<hbm>>
      %dma_start3A_51 = tpu.memref_squeeze %dma_start3A_50 : memref<1x80x128xi32, #tpu.memory_space<hbm>> -> memref<80x128xi32, #tpu.memory_space<hbm>>
      tpu.enqueue_dma source(%dma_start3A_51 : memref<80x128xi32, #tpu.memory_space<hbm>>) target(%arg9 : memref<80x128xi32, #tpu.memory_space<vmem>>) target_semaphore(%run_scoped3A_43 : memref<!tpu.dma_semaphore, #tpu.memory_space<semaphore_mem>>)
      %dma_wait3A = arith.constant 0 : i32
      %dma_wait3A_52 = arith.constant 0 : i32
      %dma_wait3A_53 = tpu.memref_slice %arg5[%add3A, %dma_wait3A, %dma_wait3A_52] : memref<32x80x128xi32, #tpu.memory_space<hbm>> -> memref<1x80x128xi32, #tpu.memory_space<hbm>>
      %dma_wait3A_54 = tpu.memref_squeeze %dma_wait3A_53 : memref<1x80x128xi32, #tpu.memory_space<hbm>> -> memref<80x128xi32, #tpu.memory_space<hbm>>
      %dma_wait3A_55 = arith.constant 0 : i32
      %dma_wait3A_56 = arith.constant 0 : i32
      %dma_wait3A_57 = tpu.memref_slice %arg5[%add3A, %dma_wait3A_55, %dma_wait3A_56] : memref<32x80x128xi32, #tpu.memory_space<hbm>> -> memref<1x80x128xi32, #tpu.memory_space<hbm>>
      %dma_wait3A_58 = tpu.memref_squeeze %dma_wait3A_57 : memref<1x80x128xi32, #tpu.memory_space<hbm>> -> memref<80x128xi32, #tpu.memory_space<hbm>>
      tpu.wait_dma2 semaphore(%run_scoped3A_43 : memref<!tpu.dma_semaphore, #tpu.memory_space<semaphore_mem>>) src(%dma_wait3A_58 : memref<80x128xi32, #tpu.memory_space<hbm>>) dst(%arg9 : memref<80x128xi32, #tpu.memory_space<vmem>>)
      tpu.yield
    }) : () -> ()
    %mul3A_1 = arith.constant 625 : i32
    %mul3A_2 = arith.muli %arg1, %mul3A_1 : i32
    %mul3A_3 = arith.constant 632 : i32
    %mul3A_4 = arith.muli %arg1, %mul3A_3 : i32
    "tpu.region"() ({
      %run_scoped3A_43 = tpu.sem_alloc : memref<!tpu.dma_semaphore, #tpu.memory_space<semaphore_mem>>
      %dma_start3A_44 = arith.constant 0 : i32
      %dma_start3A_45 = tpu.memref_slice %arg12[%mul3A_2, %dma_start3A_44] : memref<10000x48xf32, #tpu.memory_space<vmem_shared>> -> memref<625x48xf32, #tpu.memory_space<vmem_shared>>
      %dma_start3A_46 = arith.constant 0 : i32
      %dma_start3A_47 = tpu.memref_slice %arg2[%mul3A_2, %dma_start3A_46] : memref<10000x48xf32, #tpu.memory_space<hbm>> -> memref<625x48xf32, #tpu.memory_space<hbm>>
      tpu.enqueue_dma source(%dma_start3A_47 : memref<625x48xf32, #tpu.memory_space<hbm>>) target(%dma_start3A_45 : memref<625x48xf32, #tpu.memory_space<vmem_shared>>) target_semaphore(%run_scoped3A_43 : memref<!tpu.dma_semaphore, #tpu.memory_space<semaphore_mem>>)
      %dma_wait3A = arith.constant 0 : i32
      %dma_wait3A_48 = tpu.memref_slice %arg12[%mul3A_2, %dma_wait3A] : memref<10000x48xf32, #tpu.memory_space<vmem_shared>> -> memref<625x48xf32, #tpu.memory_space<vmem_shared>>
      %dma_wait3A_49 = arith.constant 0 : i32
      %dma_wait3A_50 = tpu.memref_slice %arg2[%mul3A_2, %dma_wait3A_49] : memref<10000x48xf32, #tpu.memory_space<hbm>> -> memref<625x48xf32, #tpu.memory_space<hbm>>
      tpu.wait_dma2 semaphore(%run_scoped3A_43 : memref<!tpu.dma_semaphore, #tpu.memory_space<semaphore_mem>>) src(%dma_wait3A_50 : memref<625x48xf32, #tpu.memory_space<hbm>>) dst(%dma_wait3A_48 : memref<625x48xf32, #tpu.memory_space<vmem_shared>>)
      tpu.yield
    }) : () -> ()
    "tpu.region"() ({
      %run_scoped3A_43 = tpu.sem_alloc : memref<!tpu.dma_semaphore, #tpu.memory_space<semaphore_mem>>
      %dma_start3A_44 = arith.constant 0 : i32
      %dma_start3A_45 = tpu.memref_slice %arg11[%mul3A_4, %dma_start3A_44] : memref<10112x48xf32, #tpu.memory_space<vmem_shared>> -> memref<632x48xf32, #tpu.memory_space<vmem_shared>>
      %dma_start3A_46 = arith.constant 0 : i32
      %dma_start3A_47 = tpu.memref_slice %arg6[%mul3A_4, %dma_start3A_46] : memref<10112x48xf32, #tpu.memory_space<hbm>> -> memref<632x48xf32, #tpu.memory_space<hbm>>
      tpu.enqueue_dma source(%dma_start3A_47 : memref<632x48xf32, #tpu.memory_space<hbm>>) target(%dma_start3A_45 : memref<632x48xf32, #tpu.memory_space<vmem_shared>>) target_semaphore(%run_scoped3A_43 : memref<!tpu.dma_semaphore, #tpu.memory_space<semaphore_mem>>)
      %dma_wait3A = arith.constant 0 : i32
      %dma_wait3A_48 = tpu.memref_slice %arg11[%mul3A_4, %dma_wait3A] : memref<10112x48xf32, #tpu.memory_space<vmem_shared>> -> memref<632x48xf32, #tpu.memory_space<vmem_shared>>
      %dma_wait3A_49 = arith.constant 0 : i32
      %dma_wait3A_50 = tpu.memref_slice %arg6[%mul3A_4, %dma_wait3A_49] : memref<10112x48xf32, #tpu.memory_space<hbm>> -> memref<632x48xf32, #tpu.memory_space<hbm>>
      tpu.wait_dma2 semaphore(%run_scoped3A_43 : memref<!tpu.dma_semaphore, #tpu.memory_space<semaphore_mem>>) src(%dma_wait3A_50 : memref<632x48xf32, #tpu.memory_space<hbm>>) dst(%dma_wait3A_48 : memref<632x48xf32, #tpu.memory_space<vmem_shared>>)
      tpu.yield
    }) : () -> ()
    %barrier3A = arith.constant 0 : index
    tpu.barrier barrier_id(%barrier3A)
    %dma_start3A = arith.constant 0 : i32
    %dma_start3A_5 = arith.constant 0 : i32
    %dma_start3A_6 = arith.constant 0 : i32
    %dma_start3A_7 = arith.constant 0 : i32
    %dma_start3A_8 = tpu.memref_slice %arg10[%dma_start3A_5, %dma_start3A_6, %dma_start3A_7] : memref<2x128x48xf32, #tpu.memory_space<vmem>> -> memref<1x128x48xf32, #tpu.memory_space<vmem>>
    %dma_start3A_9 = tpu.memref_squeeze %dma_start3A_8 : memref<1x128x48xf32, #tpu.memory_space<vmem>> -> memref<128x48xf32, #tpu.memory_space<vmem>>
    %dma_start3A_10 = arith.constant 0 : i32
    %dma_start3A_11 = tpu.memref_slice %arg8[%dma_start3A, %dma_start3A_10] : memref<80x128xi32, #tpu.memory_space<vmem>> -> memref<1x128xi32, #tpu.memory_space<vmem>>
    %dma_start3A_12 = tpu.memref_squeeze %dma_start3A_11 : memref<1x128xi32, #tpu.memory_space<vmem>> -> memref<128xi32, #tpu.memory_space<vmem>>
    %dma_start3A_13 = arith.constant 0 : i32
    %dma_start3A_14 = arith.constant 0 : i32
    %dma_start3A_15 = tpu.memref_slice %arg12[%dma_start3A_13, %dma_start3A_14] : memref<10000x48xf32, #tpu.memory_space<vmem_shared>> -> memref<10000x48xf32, #tpu.memory_space<vmem_shared>>
    tpu.enqueue_indirect_dma source(%dma_start3A_15 : memref<10000x48xf32, #tpu.memory_space<vmem_shared>>) target(%dma_start3A_9 : memref<128x48xf32, #tpu.memory_space<vmem>>) offsets(%dma_start3A_12 : memref<128xi32, #tpu.memory_space<vmem>>) semaphore(%arg13 : memref<!tpu.dma_semaphore, #tpu.memory_space<semaphore_mem>>)
    %scan3A = arith.constant 0 : i32
    %scan3A_16 = arith.constant 0 : i32
    %scan3A_17 = arith.constant 40 : i32
    %scan3A_18 = arith.addi %scan3A_16, %scan3A_17 : i32
    %scan3A_19 = arith.constant 1 : i32
    scf.for %scan3A_43 = %scan3A_16 to %scan3A_18 step %scan3A_19  : i32 {
      %mul3A_44 = arith.constant 2 : i32
      %mul3A_45 = arith.muli %mul3A_44, %scan3A_43 : i32
      %add3A_46 = arith.constant 1 : i32
      %add3A_47 = arith.addi %mul3A_45, %add3A_46 : i32
      %dma_start3A_48 = arith.constant 1 : i32
      %dma_start3A_49 = arith.constant 0 : i32
      %dma_start3A_50 = arith.constant 0 : i32
      %dma_start3A_51 = tpu.memref_slice %arg10[%dma_start3A_48, %dma_start3A_49, %dma_start3A_50] : memref<2x128x48xf32, #tpu.memory_space<vmem>> -> memref<1x128x48xf32, #tpu.memory_space<vmem>>
      %dma_start3A_52 = tpu.memref_squeeze %dma_start3A_51 : memref<1x128x48xf32, #tpu.memory_space<vmem>> -> memref<128x48xf32, #tpu.memory_space<vmem>>
      %dma_start3A_53 = arith.constant 0 : i32
      %dma_start3A_54 = tpu.memref_slice %arg8[%add3A_47, %dma_start3A_53] : memref<80x128xi32, #tpu.memory_space<vmem>> -> memref<1x128xi32, #tpu.memory_space<vmem>>
      %dma_start3A_55 = tpu.memref_squeeze %dma_start3A_54 : memref<1x128xi32, #tpu.memory_space<vmem>> -> memref<128xi32, #tpu.memory_space<vmem>>
      %dma_start3A_56 = arith.constant 0 : i32
      %dma_start3A_57 = arith.constant 0 : i32
      %dma_start3A_58 = tpu.memref_slice %arg12[%dma_start3A_56, %dma_start3A_57] : memref<10000x48xf32, #tpu.memory_space<vmem_shared>> -> memref<10000x48xf32, #tpu.memory_space<vmem_shared>>
      tpu.enqueue_indirect_dma source(%dma_start3A_58 : memref<10000x48xf32, #tpu.memory_space<vmem_shared>>) target(%dma_start3A_52 : memref<128x48xf32, #tpu.memory_space<vmem>>) offsets(%dma_start3A_55 : memref<128xi32, #tpu.memory_space<vmem>>) semaphore(%arg14 : memref<!tpu.dma_semaphore, #tpu.memory_space<semaphore_mem>>)
      %dma_wait3A = arith.constant 0 : i32
      %dma_wait3A_59 = arith.constant 0 : i32
      %dma_wait3A_60 = arith.constant 0 : i32
      %dma_wait3A_61 = tpu.memref_slice %arg10[%dma_wait3A, %dma_wait3A_59, %dma_wait3A_60] : memref<2x128x48xf32, #tpu.memory_space<vmem>> -> memref<1x128x48xf32, #tpu.memory_space<vmem>>
      %dma_wait3A_62 = tpu.memref_squeeze %dma_wait3A_61 : memref<1x128x48xf32, #tpu.memory_space<vmem>> -> memref<128x48xf32, #tpu.memory_space<vmem>>
      %dma_wait3A_63 = arith.constant 0 : i32
      %dma_wait3A_64 = tpu.memref_slice %arg8[%mul3A_45, %dma_wait3A_63] : memref<80x128xi32, #tpu.memory_space<vmem>> -> memref<1x128xi32, #tpu.memory_space<vmem>>
      %dma_wait3A_65 = tpu.memref_squeeze %dma_wait3A_64 : memref<1x128xi32, #tpu.memory_space<vmem>> -> memref<128xi32, #tpu.memory_space<vmem>>
      %dma_wait3A_66 = arith.constant 0 : i32
      %dma_wait3A_67 = arith.constant 0 : i32
      %dma_wait3A_68 = tpu.memref_slice %arg12[%dma_wait3A_66, %dma_wait3A_67] : memref<10000x48xf32, #tpu.memory_space<vmem_shared>> -> memref<10000x48xf32, #tpu.memory_space<vmem_shared>>
      tpu.wait_indirect_dma semaphore(%arg13 : memref<!tpu.dma_semaphore, #tpu.memory_space<semaphore_mem>>) src(%dma_wait3A_68 : memref<10000x48xf32, #tpu.memory_space<vmem_shared>>) dst(%dma_wait3A_62 : memref<128x48xf32, #tpu.memory_space<vmem>>)
      %run_scoped3A_69 = arith.constant 0 : i32
      "tpu.region"() ({
        %run_scoped3A_90 = tpu.sem_alloc : memref<!tpu.dma_semaphore, #tpu.memory_space<semaphore_mem>>
        %dma_start3A_91 = arith.constant 0 : i32
        %dma_start3A_92 = arith.constant 0 : i32
        %dma_start3A_93 = tpu.memref_slice %arg10[%run_scoped3A_69, %dma_start3A_91, %dma_start3A_92] : memref<2x128x48xf32, #tpu.memory_space<vmem>> -> memref<1x128x48xf32, #tpu.memory_space<vmem>>
        %dma_start3A_94 = tpu.memref_squeeze %dma_start3A_93 : memref<1x128x48xf32, #tpu.memory_space<vmem>> -> memref<128x48xf32, #tpu.memory_space<vmem>>
        %dma_start3A_95 = arith.constant 0 : i32
        %dma_start3A_96 = tpu.memref_slice %arg9[%mul3A_45, %dma_start3A_95] : memref<80x128xi32, #tpu.memory_space<vmem>> -> memref<1x128xi32, #tpu.memory_space<vmem>>
        %dma_start3A_97 = tpu.memref_squeeze %dma_start3A_96 : memref<1x128xi32, #tpu.memory_space<vmem>> -> memref<128xi32, #tpu.memory_space<vmem>>
        %dma_start3A_98 = arith.constant 0 : i32
        %dma_start3A_99 = arith.constant 0 : i32
        %dma_start3A_100 = tpu.memref_slice %arg11[%dma_start3A_98, %dma_start3A_99] : memref<10112x48xf32, #tpu.memory_space<vmem_shared>> -> memref<10112x48xf32, #tpu.memory_space<vmem_shared>>
        tpu.enqueue_indirect_dma source(%dma_start3A_94 : memref<128x48xf32, #tpu.memory_space<vmem>>) target(%dma_start3A_100 : memref<10112x48xf32, #tpu.memory_space<vmem_shared>>) offsets(%dma_start3A_97 : memref<128xi32, #tpu.memory_space<vmem>>) semaphore(%run_scoped3A_90 : memref<!tpu.dma_semaphore, #tpu.memory_space<semaphore_mem>>) {add = true}
        %dma_wait3A_101 = arith.constant 0 : i32
        %dma_wait3A_102 = arith.constant 0 : i32
        %dma_wait3A_103 = tpu.memref_slice %arg10[%run_scoped3A_69, %dma_wait3A_101, %dma_wait3A_102] : memref<2x128x48xf32, #tpu.memory_space<vmem>> -> memref<1x128x48xf32, #tpu.memory_space<vmem>>
        %dma_wait3A_104 = tpu.memref_squeeze %dma_wait3A_103 : memref<1x128x48xf32, #tpu.memory_space<vmem>> -> memref<128x48xf32, #tpu.memory_space<vmem>>
        %dma_wait3A_105 = arith.constant 0 : i32
        %dma_wait3A_106 = tpu.memref_slice %arg9[%mul3A_45, %dma_wait3A_105] : memref<80x128xi32, #tpu.memory_space<vmem>> -> memref<1x128xi32, #tpu.memory_space<vmem>>
        %dma_wait3A_107 = tpu.memref_squeeze %dma_wait3A_106 : memref<1x128xi32, #tpu.memory_space<vmem>> -> memref<128xi32, #tpu.memory_space<vmem>>
        %dma_wait3A_108 = arith.constant 0 : i32
        %dma_wait3A_109 = arith.constant 0 : i32
        %dma_wait3A_110 = tpu.memref_slice %arg11[%dma_wait3A_108, %dma_wait3A_109] : memref<10112x48xf32, #tpu.memory_space<vmem_shared>> -> memref<10112x48xf32, #tpu.memory_space<vmem_shared>>
        tpu.wait_indirect_dma semaphore(%run_scoped3A_90 : memref<!tpu.dma_semaphore, #tpu.memory_space<semaphore_mem>>) src(%dma_wait3A_104 : memref<128x48xf32, #tpu.memory_space<vmem>>) dst(%dma_wait3A_110 : memref<10112x48xf32, #tpu.memory_space<vmem_shared>>)
        tpu.yield
      }) : () -> ()
      %add3A_70 = arith.constant 2 : i32
      %add3A_71 = arith.addi %mul3A_45, %add3A_70 : i32
      %lt3A = arith.constant 80 : i32
      %lt3A_72 = arith.cmpi slt, %add3A_71, %lt3A : i32
      %convert_element_type3A = arith.extui %lt3A_72 : i1 to i32
      %cond3A = arith.constant 0 : i32
      %cond3A_73 = arith.cmpi ne, %convert_element_type3A, %cond3A : i32
      scf.if %cond3A_73 {
        %add3A_90 = arith.constant 2 : i32
        %add3A_91 = arith.addi %mul3A_45, %add3A_90 : i32
        %dma_start3A_92 = arith.constant 0 : i32
        %dma_start3A_93 = arith.constant 0 : i32
        %dma_start3A_94 = arith.constant 0 : i32
        %dma_start3A_95 = tpu.memref_slice %arg10[%dma_start3A_92, %dma_start3A_93, %dma_start3A_94] : memref<2x128x48xf32, #tpu.memory_space<vmem>> -> memref<1x128x48xf32, #tpu.memory_space<vmem>>
        %dma_start3A_96 = tpu.memref_squeeze %dma_start3A_95 : memref<1x128x48xf32, #tpu.memory_space<vmem>> -> memref<128x48xf32, #tpu.memory_space<vmem>>
        %dma_start3A_97 = arith.constant 0 : i32
        %dma_start3A_98 = tpu.memref_slice %arg8[%add3A_91, %dma_start3A_97] : memref<80x128xi32, #tpu.memory_space<vmem>> -> memref<1x128xi32, #tpu.memory_space<vmem>>
        %dma_start3A_99 = tpu.memref_squeeze %dma_start3A_98 : memref<1x128xi32, #tpu.memory_space<vmem>> -> memref<128xi32, #tpu.memory_space<vmem>>
        %dma_start3A_100 = arith.constant 0 : i32
        %dma_start3A_101 = arith.constant 0 : i32
        %dma_start3A_102 = tpu.memref_slice %arg12[%dma_start3A_100, %dma_start3A_101] : memref<10000x48xf32, #tpu.memory_space<vmem_shared>> -> memref<10000x48xf32, #tpu.memory_space<vmem_shared>>
        tpu.enqueue_indirect_dma source(%dma_start3A_102 : memref<10000x48xf32, #tpu.memory_space<vmem_shared>>) target(%dma_start3A_96 : memref<128x48xf32, #tpu.memory_space<vmem>>) offsets(%dma_start3A_99 : memref<128xi32, #tpu.memory_space<vmem>>) semaphore(%arg13 : memref<!tpu.dma_semaphore, #tpu.memory_space<semaphore_mem>>)
      } else {
      }
      %add3A_74 = arith.constant 1 : i32
      %add3A_75 = arith.addi %mul3A_45, %add3A_74 : i32
      %dma_wait3A_76 = arith.constant 1 : i32
      %dma_wait3A_77 = arith.constant 0 : i32
      %dma_wait3A_78 = arith.constant 0 : i32
      %dma_wait3A_79 = tpu.memref_slice %arg10[%dma_wait3A_76, %dma_wait3A_77, %dma_wait3A_78] : memref<2x128x48xf32, #tpu.memory_space<vmem>> -> memref<1x128x48xf32, #tpu.memory_space<vmem>>
      %dma_wait3A_80 = tpu.memref_squeeze %dma_wait3A_79 : memref<1x128x48xf32, #tpu.memory_space<vmem>> -> memref<128x48xf32, #tpu.memory_space<vmem>>
      %dma_wait3A_81 = arith.constant 0 : i32
      %dma_wait3A_82 = tpu.memref_slice %arg8[%add3A_75, %dma_wait3A_81] : memref<80x128xi32, #tpu.memory_space<vmem>> -> memref<1x128xi32, #tpu.memory_space<vmem>>
      %dma_wait3A_83 = tpu.memref_squeeze %dma_wait3A_82 : memref<1x128xi32, #tpu.memory_space<vmem>> -> memref<128xi32, #tpu.memory_space<vmem>>
      %dma_wait3A_84 = arith.constant 0 : i32
      %dma_wait3A_85 = arith.constant 0 : i32
      %dma_wait3A_86 = tpu.memref_slice %arg12[%dma_wait3A_84, %dma_wait3A_85] : memref<10000x48xf32, #tpu.memory_space<vmem_shared>> -> memref<10000x48xf32, #tpu.memory_space<vmem_shared>>
      tpu.wait_indirect_dma semaphore(%arg14 : memref<!tpu.dma_semaphore, #tpu.memory_space<semaphore_mem>>) src(%dma_wait3A_86 : memref<10000x48xf32, #tpu.memory_space<vmem_shared>>) dst(%dma_wait3A_80 : memref<128x48xf32, #tpu.memory_space<vmem>>)
      %add3A_87 = arith.constant 1 : i32
      %add3A_88 = arith.addi %mul3A_45, %add3A_87 : i32
      %run_scoped3A_89 = arith.constant 1 : i32
      "tpu.region"() ({
        %run_scoped3A_90 = tpu.sem_alloc : memref<!tpu.dma_semaphore, #tpu.memory_space<semaphore_mem>>
        %dma_start3A_91 = arith.constant 0 : i32
        %dma_start3A_92 = arith.constant 0 : i32
        %dma_start3A_93 = tpu.memref_slice %arg10[%run_scoped3A_89, %dma_start3A_91, %dma_start3A_92] : memref<2x128x48xf32, #tpu.memory_space<vmem>> -> memref<1x128x48xf32, #tpu.memory_space<vmem>>
        %dma_start3A_94 = tpu.memref_squeeze %dma_start3A_93 : memref<1x128x48xf32, #tpu.memory_space<vmem>> -> memref<128x48xf32, #tpu.memory_space<vmem>>
        %dma_start3A_95 = arith.constant 0 : i32
        %dma_start3A_96 = tpu.memref_slice %arg9[%add3A_88, %dma_start3A_95] : memref<80x128xi32, #tpu.memory_space<vmem>> -> memref<1x128xi32, #tpu.memory_space<vmem>>
        %dma_start3A_97 = tpu.memref_squeeze %dma_start3A_96 : memref<1x128xi32, #tpu.memory_space<vmem>> -> memref<128xi32, #tpu.memory_space<vmem>>
        %dma_start3A_98 = arith.constant 0 : i32
        %dma_start3A_99 = arith.constant 0 : i32
        %dma_start3A_100 = tpu.memref_slice %arg11[%dma_start3A_98, %dma_start3A_99] : memref<10112x48xf32, #tpu.memory_space<vmem_shared>> -> memref<10112x48xf32, #tpu.memory_space<vmem_shared>>
        tpu.enqueue_indirect_dma source(%dma_start3A_94 : memref<128x48xf32, #tpu.memory_space<vmem>>) target(%dma_start3A_100 : memref<10112x48xf32, #tpu.memory_space<vmem_shared>>) offsets(%dma_start3A_97 : memref<128xi32, #tpu.memory_space<vmem>>) semaphore(%run_scoped3A_90 : memref<!tpu.dma_semaphore, #tpu.memory_space<semaphore_mem>>) {add = true}
        %dma_wait3A_101 = arith.constant 0 : i32
        %dma_wait3A_102 = arith.constant 0 : i32
        %dma_wait3A_103 = tpu.memref_slice %arg10[%run_scoped3A_89, %dma_wait3A_101, %dma_wait3A_102] : memref<2x128x48xf32, #tpu.memory_space<vmem>> -> memref<1x128x48xf32, #tpu.memory_space<vmem>>
        %dma_wait3A_104 = tpu.memref_squeeze %dma_wait3A_103 : memref<1x128x48xf32, #tpu.memory_space<vmem>> -> memref<128x48xf32, #tpu.memory_space<vmem>>
        %dma_wait3A_105 = arith.constant 0 : i32
        %dma_wait3A_106 = tpu.memref_slice %arg9[%add3A_88, %dma_wait3A_105] : memref<80x128xi32, #tpu.memory_space<vmem>> -> memref<1x128xi32, #tpu.memory_space<vmem>>
        %dma_wait3A_107 = tpu.memref_squeeze %dma_wait3A_106 : memref<1x128xi32, #tpu.memory_space<vmem>> -> memref<128xi32, #tpu.memory_space<vmem>>
        %dma_wait3A_108 = arith.constant 0 : i32
        %dma_wait3A_109 = arith.constant 0 : i32
        %dma_wait3A_110 = tpu.memref_slice %arg11[%dma_wait3A_108, %dma_wait3A_109] : memref<10112x48xf32, #tpu.memory_space<vmem_shared>> -> memref<10112x48xf32, #tpu.memory_space<vmem_shared>>
        tpu.wait_indirect_dma semaphore(%run_scoped3A_90 : memref<!tpu.dma_semaphore, #tpu.memory_space<semaphore_mem>>) src(%dma_wait3A_104 : memref<128x48xf32, #tpu.memory_space<vmem>>) dst(%dma_wait3A_110 : memref<10112x48xf32, #tpu.memory_space<vmem_shared>>)
        tpu.yield
      }) : () -> ()
    }
    %scan3A_20 = arith.constant 40 : i32
    %barrier3A_21 = arith.constant 0 : index
    tpu.barrier barrier_id(%barrier3A_21)
    %run_scoped3A = arith.constant 0 : i32
    "tpu.region"() ({
      %run_scoped3A_43 = tpu.sem_alloc : memref<!tpu.dma_semaphore, #tpu.memory_space<semaphore_mem>>
      %dma_start3A_44 = arith.constant 0 : i32
      %dma_start3A_45 = tpu.memref_slice %arg7[%run_scoped3A, %arg0, %mul3A_4, %dma_start3A_44] : memref<2x2x10112x48xf32, #tpu.memory_space<hbm>> -> memref<1x1x632x48xf32, #tpu.memory_space<hbm>>
      %dma_start3A_46 = tpu.memref_squeeze %dma_start3A_45 : memref<1x1x632x48xf32, #tpu.memory_space<hbm>> -> memref<632x48xf32, #tpu.memory_space<hbm>>
      %dma_start3A_47 = arith.constant 0 : i32
      %dma_start3A_48 = tpu.memref_slice %arg11[%mul3A_4, %dma_start3A_47] : memref<10112x48xf32, #tpu.memory_space<vmem_shared>> -> memref<632x48xf32, #tpu.memory_space<vmem_shared>>
      tpu.enqueue_dma source(%dma_start3A_48 : memref<632x48xf32, #tpu.memory_space<vmem_shared>>) target(%dma_start3A_46 : memref<632x48xf32, #tpu.memory_space<hbm>>) target_semaphore(%run_scoped3A_43 : memref<!tpu.dma_semaphore, #tpu.memory_space<semaphore_mem>>)
      %dma_wait3A = arith.constant 0 : i32
      %dma_wait3A_49 = tpu.memref_slice %arg7[%run_scoped3A, %arg0, %mul3A_4, %dma_wait3A] : memref<2x2x10112x48xf32, #tpu.memory_space<hbm>> -> memref<1x1x632x48xf32, #tpu.memory_space<hbm>>
      %dma_wait3A_50 = tpu.memref_squeeze %dma_wait3A_49 : memref<1x1x632x48xf32, #tpu.memory_space<hbm>> -> memref<632x48xf32, #tpu.memory_space<hbm>>
      %dma_wait3A_51 = arith.constant 0 : i32
      %dma_wait3A_52 = tpu.memref_slice %arg11[%mul3A_4, %dma_wait3A_51] : memref<10112x48xf32, #tpu.memory_space<vmem_shared>> -> memref<632x48xf32, #tpu.memory_space<vmem_shared>>
      tpu.wait_dma2 semaphore(%run_scoped3A_43 : memref<!tpu.dma_semaphore, #tpu.memory_space<semaphore_mem>>) src(%dma_wait3A_52 : memref<632x48xf32, #tpu.memory_space<vmem_shared>>) dst(%dma_wait3A_50 : memref<632x48xf32, #tpu.memory_space<hbm>>)
      tpu.yield
    }) : () -> ()
    "tpu.region"() ({
      %run_scoped3A_43 = tpu.sem_alloc : memref<!tpu.dma_semaphore, #tpu.memory_space<semaphore_mem>>
      %dma_start3A_44 = arith.constant 0 : i32
      %dma_start3A_45 = tpu.memref_slice %arg12[%mul3A_2, %dma_start3A_44] : memref<10000x48xf32, #tpu.memory_space<vmem_shared>> -> memref<625x48xf32, #tpu.memory_space<vmem_shared>>
      %dma_start3A_46 = arith.constant 0 : i32
      %dma_start3A_47 = tpu.memref_slice %arg3[%mul3A_2, %dma_start3A_46] : memref<10000x48xf32, #tpu.memory_space<hbm>> -> memref<625x48xf32, #tpu.memory_space<hbm>>
      tpu.enqueue_dma source(%dma_start3A_47 : memref<625x48xf32, #tpu.memory_space<hbm>>) target(%dma_start3A_45 : memref<625x48xf32, #tpu.memory_space<vmem_shared>>) target_semaphore(%run_scoped3A_43 : memref<!tpu.dma_semaphore, #tpu.memory_space<semaphore_mem>>)
      %dma_wait3A = arith.constant 0 : i32
      %dma_wait3A_48 = tpu.memref_slice %arg12[%mul3A_2, %dma_wait3A] : memref<10000x48xf32, #tpu.memory_space<vmem_shared>> -> memref<625x48xf32, #tpu.memory_space<vmem_shared>>
      %dma_wait3A_49 = arith.constant 0 : i32
      %dma_wait3A_50 = tpu.memref_slice %arg3[%mul3A_2, %dma_wait3A_49] : memref<10000x48xf32, #tpu.memory_space<hbm>> -> memref<625x48xf32, #tpu.memory_space<hbm>>
      tpu.wait_dma2 semaphore(%run_scoped3A_43 : memref<!tpu.dma_semaphore, #tpu.memory_space<semaphore_mem>>) src(%dma_wait3A_50 : memref<625x48xf32, #tpu.memory_space<hbm>>) dst(%dma_wait3A_48 : memref<625x48xf32, #tpu.memory_space<vmem_shared>>)
      tpu.yield
    }) : () -> ()
    "tpu.region"() ({
      %run_scoped3A_43 = tpu.sem_alloc : memref<!tpu.dma_semaphore, #tpu.memory_space<semaphore_mem>>
      %dma_start3A_44 = arith.constant 0 : i32
      %dma_start3A_45 = tpu.memref_slice %arg11[%mul3A_4, %dma_start3A_44] : memref<10112x48xf32, #tpu.memory_space<vmem_shared>> -> memref<632x48xf32, #tpu.memory_space<vmem_shared>>
      %dma_start3A_46 = arith.constant 0 : i32
      %dma_start3A_47 = tpu.memref_slice %arg6[%mul3A_4, %dma_start3A_46] : memref<10112x48xf32, #tpu.memory_space<hbm>> -> memref<632x48xf32, #tpu.memory_space<hbm>>
      tpu.enqueue_dma source(%dma_start3A_47 : memref<632x48xf32, #tpu.memory_space<hbm>>) target(%dma_start3A_45 : memref<632x48xf32, #tpu.memory_space<vmem_shared>>) target_semaphore(%run_scoped3A_43 : memref<!tpu.dma_semaphore, #tpu.memory_space<semaphore_mem>>)
      %dma_wait3A = arith.constant 0 : i32
      %dma_wait3A_48 = tpu.memref_slice %arg11[%mul3A_4, %dma_wait3A] : memref<10112x48xf32, #tpu.memory_space<vmem_shared>> -> memref<632x48xf32, #tpu.memory_space<vmem_shared>>
      %dma_wait3A_49 = arith.constant 0 : i32
      %dma_wait3A_50 = tpu.memref_slice %arg6[%mul3A_4, %dma_wait3A_49] : memref<10112x48xf32, #tpu.memory_space<hbm>> -> memref<632x48xf32, #tpu.memory_space<hbm>>
      tpu.wait_dma2 semaphore(%run_scoped3A_43 : memref<!tpu.dma_semaphore, #tpu.memory_space<semaphore_mem>>) src(%dma_wait3A_50 : memref<632x48xf32, #tpu.memory_space<hbm>>) dst(%dma_wait3A_48 : memref<632x48xf32, #tpu.memory_space<vmem_shared>>)
      tpu.yield
    }) : () -> ()
    %barrier3A_22 = arith.constant 0 : index
    tpu.barrier barrier_id(%barrier3A_22)
    %dma_start3A_23 = arith.constant 0 : i32
    %dma_start3A_24 = arith.constant 0 : i32
    %dma_start3A_25 = arith.constant 0 : i32
    %dma_start3A_26 = arith.constant 0 : i32
    %dma_start3A_27 = tpu.memref_slice %arg10[%dma_start3A_24, %dma_start3A_25, %dma_start3A_26] : memref<2x128x48xf32, #tpu.memory_space<vmem>> -> memref<1x128x48xf32, #tpu.memory_space<vmem>>
    %dma_start3A_28 = tpu.memref_squeeze %dma_start3A_27 : memref<1x128x48xf32, #tpu.memory_space<vmem>> -> memref<128x48xf32, #tpu.memory_space<vmem>>
    %dma_start3A_29 = arith.constant 0 : i32
    %dma_start3A_30 = tpu.memref_slice %arg8[%dma_start3A_23, %dma_start3A_29] : memref<80x128xi32, #tpu.memory_space<vmem>> -> memref<1x128xi32, #tpu.memory_space<vmem>>
    %dma_start3A_31 = tpu.memref_squeeze %dma_start3A_30 : memref<1x128xi32, #tpu.memory_space<vmem>> -> memref<128xi32, #tpu.memory_space<vmem>>
    %dma_start3A_32 = arith.constant 0 : i32
    %dma_start3A_33 = arith.constant 0 : i32
    %dma_start3A_34 = tpu.memref_slice %arg12[%dma_start3A_32, %dma_start3A_33] : memref<10000x48xf32, #tpu.memory_space<vmem_shared>> -> memref<10000x48xf32, #tpu.memory_space<vmem_shared>>
    tpu.enqueue_indirect_dma source(%dma_start3A_34 : memref<10000x48xf32, #tpu.memory_space<vmem_shared>>) target(%dma_start3A_28 : memref<128x48xf32, #tpu.memory_space<vmem>>) offsets(%dma_start3A_31 : memref<128xi32, #tpu.memory_space<vmem>>) semaphore(%arg13 : memref<!tpu.dma_semaphore, #tpu.memory_space<semaphore_mem>>)
    %scan3A_35 = arith.constant 0 : i32
    %scan3A_36 = arith.constant 0 : i32
    %scan3A_37 = arith.constant 40 : i32
    %scan3A_38 = arith.addi %scan3A_36, %scan3A_37 : i32
    %scan3A_39 = arith.constant 1 : i32
    scf.for %scan3A_43 = %scan3A_36 to %scan3A_38 step %scan3A_39  : i32 {
      %mul3A_44 = arith.constant 2 : i32
      %mul3A_45 = arith.muli %mul3A_44, %scan3A_43 : i32
      %add3A_46 = arith.constant 1 : i32
      %add3A_47 = arith.addi %mul3A_45, %add3A_46 : i32
      %dma_start3A_48 = arith.constant 1 : i32
      %dma_start3A_49 = arith.constant 0 : i32
      %dma_start3A_50 = arith.constant 0 : i32
      %dma_start3A_51 = tpu.memref_slice %arg10[%dma_start3A_48, %dma_start3A_49, %dma_start3A_50] : memref<2x128x48xf32, #tpu.memory_space<vmem>> -> memref<1x128x48xf32, #tpu.memory_space<vmem>>
      %dma_start3A_52 = tpu.memref_squeeze %dma_start3A_51 : memref<1x128x48xf32, #tpu.memory_space<vmem>> -> memref<128x48xf32, #tpu.memory_space<vmem>>
      %dma_start3A_53 = arith.constant 0 : i32
      %dma_start3A_54 = tpu.memref_slice %arg8[%add3A_47, %dma_start3A_53] : memref<80x128xi32, #tpu.memory_space<vmem>> -> memref<1x128xi32, #tpu.memory_space<vmem>>
      %dma_start3A_55 = tpu.memref_squeeze %dma_start3A_54 : memref<1x128xi32, #tpu.memory_space<vmem>> -> memref<128xi32, #tpu.memory_space<vmem>>
      %dma_start3A_56 = arith.constant 0 : i32
      %dma_start3A_57 = arith.constant 0 : i32
      %dma_start3A_58 = tpu.memref_slice %arg12[%dma_start3A_56, %dma_start3A_57] : memref<10000x48xf32, #tpu.memory_space<vmem_shared>> -> memref<10000x48xf32, #tpu.memory_space<vmem_shared>>
      tpu.enqueue_indirect_dma source(%dma_start3A_58 : memref<10000x48xf32, #tpu.memory_space<vmem_shared>>) target(%dma_start3A_52 : memref<128x48xf32, #tpu.memory_space<vmem>>) offsets(%dma_start3A_55 : memref<128xi32, #tpu.memory_space<vmem>>) semaphore(%arg14 : memref<!tpu.dma_semaphore, #tpu.memory_space<semaphore_mem>>)
      %dma_wait3A = arith.constant 0 : i32
      %dma_wait3A_59 = arith.constant 0 : i32
      %dma_wait3A_60 = arith.constant 0 : i32
      %dma_wait3A_61 = tpu.memref_slice %arg10[%dma_wait3A, %dma_wait3A_59, %dma_wait3A_60] : memref<2x128x48xf32, #tpu.memory_space<vmem>> -> memref<1x128x48xf32, #tpu.memory_space<vmem>>
      %dma_wait3A_62 = tpu.memref_squeeze %dma_wait3A_61 : memref<1x128x48xf32, #tpu.memory_space<vmem>> -> memref<128x48xf32, #tpu.memory_space<vmem>>
      %dma_wait3A_63 = arith.constant 0 : i32
      %dma_wait3A_64 = tpu.memref_slice %arg8[%mul3A_45, %dma_wait3A_63] : memref<80x128xi32, #tpu.memory_space<vmem>> -> memref<1x128xi32, #tpu.memory_space<vmem>>
      %dma_wait3A_65 = tpu.memref_squeeze %dma_wait3A_64 : memref<1x128xi32, #tpu.memory_space<vmem>> -> memref<128xi32, #tpu.memory_space<vmem>>
      %dma_wait3A_66 = arith.constant 0 : i32
      %dma_wait3A_67 = arith.constant 0 : i32
      %dma_wait3A_68 = tpu.memref_slice %arg12[%dma_wait3A_66, %dma_wait3A_67] : memref<10000x48xf32, #tpu.memory_space<vmem_shared>> -> memref<10000x48xf32, #tpu.memory_space<vmem_shared>>
      tpu.wait_indirect_dma semaphore(%arg13 : memref<!tpu.dma_semaphore, #tpu.memory_space<semaphore_mem>>) src(%dma_wait3A_68 : memref<10000x48xf32, #tpu.memory_space<vmem_shared>>) dst(%dma_wait3A_62 : memref<128x48xf32, #tpu.memory_space<vmem>>)
      %run_scoped3A_69 = arith.constant 0 : i32
      "tpu.region"() ({
        %run_scoped3A_90 = tpu.sem_alloc : memref<!tpu.dma_semaphore, #tpu.memory_space<semaphore_mem>>
        %dma_start3A_91 = arith.constant 0 : i32
        %dma_start3A_92 = arith.constant 0 : i32
        %dma_start3A_93 = tpu.memref_slice %arg10[%run_scoped3A_69, %dma_start3A_91, %dma_start3A_92] : memref<2x128x48xf32, #tpu.memory_space<vmem>> -> memref<1x128x48xf32, #tpu.memory_space<vmem>>
        %dma_start3A_94 = tpu.memref_squeeze %dma_start3A_93 : memref<1x128x48xf32, #tpu.memory_space<vmem>> -> memref<128x48xf32, #tpu.memory_space<vmem>>
        %dma_start3A_95 = arith.constant 0 : i32
        %dma_start3A_96 = tpu.memref_slice %arg9[%mul3A_45, %dma_start3A_95] : memref<80x128xi32, #tpu.memory_space<vmem>> -> memref<1x128xi32, #tpu.memory_space<vmem>>
        %dma_start3A_97 = tpu.memref_squeeze %dma_start3A_96 : memref<1x128xi32, #tpu.memory_space<vmem>> -> memref<128xi32, #tpu.memory_space<vmem>>
        %dma_start3A_98 = arith.constant 0 : i32
        %dma_start3A_99 = arith.constant 0 : i32
        %dma_start3A_100 = tpu.memref_slice %arg11[%dma_start3A_98, %dma_start3A_99] : memref<10112x48xf32, #tpu.memory_space<vmem_shared>> -> memref<10112x48xf32, #tpu.memory_space<vmem_shared>>
        tpu.enqueue_indirect_dma source(%dma_start3A_94 : memref<128x48xf32, #tpu.memory_space<vmem>>) target(%dma_start3A_100 : memref<10112x48xf32, #tpu.memory_space<vmem_shared>>) offsets(%dma_start3A_97 : memref<128xi32, #tpu.memory_space<vmem>>) semaphore(%run_scoped3A_90 : memref<!tpu.dma_semaphore, #tpu.memory_space<semaphore_mem>>) {add = true}
        %dma_wait3A_101 = arith.constant 0 : i32
        %dma_wait3A_102 = arith.constant 0 : i32
        %dma_wait3A_103 = tpu.memref_slice %arg10[%run_scoped3A_69, %dma_wait3A_101, %dma_wait3A_102] : memref<2x128x48xf32, #tpu.memory_space<vmem>> -> memref<1x128x48xf32, #tpu.memory_space<vmem>>
        %dma_wait3A_104 = tpu.memref_squeeze %dma_wait3A_103 : memref<1x128x48xf32, #tpu.memory_space<vmem>> -> memref<128x48xf32, #tpu.memory_space<vmem>>
        %dma_wait3A_105 = arith.constant 0 : i32
        %dma_wait3A_106 = tpu.memref_slice %arg9[%mul3A_45, %dma_wait3A_105] : memref<80x128xi32, #tpu.memory_space<vmem>> -> memref<1x128xi32, #tpu.memory_space<vmem>>
        %dma_wait3A_107 = tpu.memref_squeeze %dma_wait3A_106 : memref<1x128xi32, #tpu.memory_space<vmem>> -> memref<128xi32, #tpu.memory_space<vmem>>
        %dma_wait3A_108 = arith.constant 0 : i32
        %dma_wait3A_109 = arith.constant 0 : i32
        %dma_wait3A_110 = tpu.memref_slice %arg11[%dma_wait3A_108, %dma_wait3A_109] : memref<10112x48xf32, #tpu.memory_space<vmem_shared>> -> memref<10112x48xf32, #tpu.memory_space<vmem_shared>>
        tpu.wait_indirect_dma semaphore(%run_scoped3A_90 : memref<!tpu.dma_semaphore, #tpu.memory_space<semaphore_mem>>) src(%dma_wait3A_104 : memref<128x48xf32, #tpu.memory_space<vmem>>) dst(%dma_wait3A_110 : memref<10112x48xf32, #tpu.memory_space<vmem_shared>>)
        tpu.yield
      }) : () -> ()
      %add3A_70 = arith.constant 2 : i32
      %add3A_71 = arith.addi %mul3A_45, %add3A_70 : i32
      %lt3A = arith.constant 80 : i32
      %lt3A_72 = arith.cmpi slt, %add3A_71, %lt3A : i32
      %convert_element_type3A = arith.extui %lt3A_72 : i1 to i32
      %cond3A = arith.constant 0 : i32
      %cond3A_73 = arith.cmpi ne, %convert_element_type3A, %cond3A : i32
      scf.if %cond3A_73 {
        %add3A_90 = arith.constant 2 : i32
        %add3A_91 = arith.addi %mul3A_45, %add3A_90 : i32
        %dma_start3A_92 = arith.constant 0 : i32
        %dma_start3A_93 = arith.constant 0 : i32
        %dma_start3A_94 = arith.constant 0 : i32
        %dma_start3A_95 = tpu.memref_slice %arg10[%dma_start3A_92, %dma_start3A_93, %dma_start3A_94] : memref<2x128x48xf32, #tpu.memory_space<vmem>> -> memref<1x128x48xf32, #tpu.memory_space<vmem>>
        %dma_start3A_96 = tpu.memref_squeeze %dma_start3A_95 : memref<1x128x48xf32, #tpu.memory_space<vmem>> -> memref<128x48xf32, #tpu.memory_space<vmem>>
        %dma_start3A_97 = arith.constant 0 : i32
        %dma_start3A_98 = tpu.memref_slice %arg8[%add3A_91, %dma_start3A_97] : memref<80x128xi32, #tpu.memory_space<vmem>> -> memref<1x128xi32, #tpu.memory_space<vmem>>
        %dma_start3A_99 = tpu.memref_squeeze %dma_start3A_98 : memref<1x128xi32, #tpu.memory_space<vmem>> -> memref<128xi32, #tpu.memory_space<vmem>>
        %dma_start3A_100 = arith.constant 0 : i32
        %dma_start3A_101 = arith.constant 0 : i32
        %dma_start3A_102 = tpu.memref_slice %arg12[%dma_start3A_100, %dma_start3A_101] : memref<10000x48xf32, #tpu.memory_space<vmem_shared>> -> memref<10000x48xf32, #tpu.memory_space<vmem_shared>>
        tpu.enqueue_indirect_dma source(%dma_start3A_102 : memref<10000x48xf32, #tpu.memory_space<vmem_shared>>) target(%dma_start3A_96 : memref<128x48xf32, #tpu.memory_space<vmem>>) offsets(%dma_start3A_99 : memref<128xi32, #tpu.memory_space<vmem>>) semaphore(%arg13 : memref<!tpu.dma_semaphore, #tpu.memory_space<semaphore_mem>>)
      } else {
      }
      %add3A_74 = arith.constant 1 : i32
      %add3A_75 = arith.addi %mul3A_45, %add3A_74 : i32
      %dma_wait3A_76 = arith.constant 1 : i32
      %dma_wait3A_77 = arith.constant 0 : i32
      %dma_wait3A_78 = arith.constant 0 : i32
      %dma_wait3A_79 = tpu.memref_slice %arg10[%dma_wait3A_76, %dma_wait3A_77, %dma_wait3A_78] : memref<2x128x48xf32, #tpu.memory_space<vmem>> -> memref<1x128x48xf32, #tpu.memory_space<vmem>>
      %dma_wait3A_80 = tpu.memref_squeeze %dma_wait3A_79 : memref<1x128x48xf32, #tpu.memory_space<vmem>> -> memref<128x48xf32, #tpu.memory_space<vmem>>
      %dma_wait3A_81 = arith.constant 0 : i32
      %dma_wait3A_82 = tpu.memref_slice %arg8[%add3A_75, %dma_wait3A_81] : memref<80x128xi32, #tpu.memory_space<vmem>> -> memref<1x128xi32, #tpu.memory_space<vmem>>
      %dma_wait3A_83 = tpu.memref_squeeze %dma_wait3A_82 : memref<1x128xi32, #tpu.memory_space<vmem>> -> memref<128xi32, #tpu.memory_space<vmem>>
      %dma_wait3A_84 = arith.constant 0 : i32
      %dma_wait3A_85 = arith.constant 0 : i32
      %dma_wait3A_86 = tpu.memref_slice %arg12[%dma_wait3A_84, %dma_wait3A_85] : memref<10000x48xf32, #tpu.memory_space<vmem_shared>> -> memref<10000x48xf32, #tpu.memory_space<vmem_shared>>
      tpu.wait_indirect_dma semaphore(%arg14 : memref<!tpu.dma_semaphore, #tpu.memory_space<semaphore_mem>>) src(%dma_wait3A_86 : memref<10000x48xf32, #tpu.memory_space<vmem_shared>>) dst(%dma_wait3A_80 : memref<128x48xf32, #tpu.memory_space<vmem>>)
      %add3A_87 = arith.constant 1 : i32
      %add3A_88 = arith.addi %mul3A_45, %add3A_87 : i32
      %run_scoped3A_89 = arith.constant 1 : i32
      "tpu.region"() ({
        %run_scoped3A_90 = tpu.sem_alloc : memref<!tpu.dma_semaphore, #tpu.memory_space<semaphore_mem>>
        %dma_start3A_91 = arith.constant 0 : i32
        %dma_start3A_92 = arith.constant 0 : i32
        %dma_start3A_93 = tpu.memref_slice %arg10[%run_scoped3A_89, %dma_start3A_91, %dma_start3A_92] : memref<2x128x48xf32, #tpu.memory_space<vmem>> -> memref<1x128x48xf32, #tpu.memory_space<vmem>>
        %dma_start3A_94 = tpu.memref_squeeze %dma_start3A_93 : memref<1x128x48xf32, #tpu.memory_space<vmem>> -> memref<128x48xf32, #tpu.memory_space<vmem>>
        %dma_start3A_95 = arith.constant 0 : i32
        %dma_start3A_96 = tpu.memref_slice %arg9[%add3A_88, %dma_start3A_95] : memref<80x128xi32, #tpu.memory_space<vmem>> -> memref<1x128xi32, #tpu.memory_space<vmem>>
        %dma_start3A_97 = tpu.memref_squeeze %dma_start3A_96 : memref<1x128xi32, #tpu.memory_space<vmem>> -> memref<128xi32, #tpu.memory_space<vmem>>
        %dma_start3A_98 = arith.constant 0 : i32
        %dma_start3A_99 = arith.constant 0 : i32
        %dma_start3A_100 = tpu.memref_slice %arg11[%dma_start3A_98, %dma_start3A_99] : memref<10112x48xf32, #tpu.memory_space<vmem_shared>> -> memref<10112x48xf32, #tpu.memory_space<vmem_shared>>
        tpu.enqueue_indirect_dma source(%dma_start3A_94 : memref<128x48xf32, #tpu.memory_space<vmem>>) target(%dma_start3A_100 : memref<10112x48xf32, #tpu.memory_space<vmem_shared>>) offsets(%dma_start3A_97 : memref<128xi32, #tpu.memory_space<vmem>>) semaphore(%run_scoped3A_90 : memref<!tpu.dma_semaphore, #tpu.memory_space<semaphore_mem>>) {add = true}
        %dma_wait3A_101 = arith.constant 0 : i32
        %dma_wait3A_102 = arith.constant 0 : i32
        %dma_wait3A_103 = tpu.memref_slice %arg10[%run_scoped3A_89, %dma_wait3A_101, %dma_wait3A_102] : memref<2x128x48xf32, #tpu.memory_space<vmem>> -> memref<1x128x48xf32, #tpu.memory_space<vmem>>
        %dma_wait3A_104 = tpu.memref_squeeze %dma_wait3A_103 : memref<1x128x48xf32, #tpu.memory_space<vmem>> -> memref<128x48xf32, #tpu.memory_space<vmem>>
        %dma_wait3A_105 = arith.constant 0 : i32
        %dma_wait3A_106 = tpu.memref_slice %arg9[%add3A_88, %dma_wait3A_105] : memref<80x128xi32, #tpu.memory_space<vmem>> -> memref<1x128xi32, #tpu.memory_space<vmem>>
        %dma_wait3A_107 = tpu.memref_squeeze %dma_wait3A_106 : memref<1x128xi32, #tpu.memory_space<vmem>> -> memref<128xi32, #tpu.memory_space<vmem>>
        %dma_wait3A_108 = arith.constant 0 : i32
        %dma_wait3A_109 = arith.constant 0 : i32
        %dma_wait3A_110 = tpu.memref_slice %arg11[%dma_wait3A_108, %dma_wait3A_109] : memref<10112x48xf32, #tpu.memory_space<vmem_shared>> -> memref<10112x48xf32, #tpu.memory_space<vmem_shared>>
        tpu.wait_indirect_dma semaphore(%run_scoped3A_90 : memref<!tpu.dma_semaphore, #tpu.memory_space<semaphore_mem>>) src(%dma_wait3A_104 : memref<128x48xf32, #tpu.memory_space<vmem>>) dst(%dma_wait3A_110 : memref<10112x48xf32, #tpu.memory_space<vmem_shared>>)
        tpu.yield
      }) : () -> ()
    }
    %scan3A_40 = arith.constant 40 : i32
    %barrier3A_41 = arith.constant 0 : index
    tpu.barrier barrier_id(%barrier3A_41)
    %run_scoped3A_42 = arith.constant 1 : i32
    "tpu.region"() ({
      %run_scoped3A_43 = tpu.sem_alloc : memref<!tpu.dma_semaphore, #tpu.memory_space<semaphore_mem>>
      %dma_start3A_44 = arith.constant 0 : i32
      %dma_start3A_45 = tpu.memref_slice %arg7[%run_scoped3A_42, %arg0, %mul3A_4, %dma_start3A_44] : memref<2x2x10112x48xf32, #tpu.memory_space<hbm>> -> memref<1x1x632x48xf32, #tpu.memory_space<hbm>>
      %dma_start3A_46 = tpu.memref_squeeze %dma_start3A_45 : memref<1x1x632x48xf32, #tpu.memory_space<hbm>> -> memref<632x48xf32, #tpu.memory_space<hbm>>
      %dma_start3A_47 = arith.constant 0 : i32
      %dma_start3A_48 = tpu.memref_slice %arg11[%mul3A_4, %dma_start3A_47] : memref<10112x48xf32, #tpu.memory_space<vmem_shared>> -> memref<632x48xf32, #tpu.memory_space<vmem_shared>>
      tpu.enqueue_dma source(%dma_start3A_48 : memref<632x48xf32, #tpu.memory_space<vmem_shared>>) target(%dma_start3A_46 : memref<632x48xf32, #tpu.memory_space<hbm>>) target_semaphore(%run_scoped3A_43 : memref<!tpu.dma_semaphore, #tpu.memory_space<semaphore_mem>>)
      %dma_wait3A = arith.constant 0 : i32
      %dma_wait3A_49 = tpu.memref_slice %arg7[%run_scoped3A_42, %arg0, %mul3A_4, %dma_wait3A] : memref<2x2x10112x48xf32, #tpu.memory_space<hbm>> -> memref<1x1x632x48xf32, #tpu.memory_space<hbm>>
      %dma_wait3A_50 = tpu.memref_squeeze %dma_wait3A_49 : memref<1x1x632x48xf32, #tpu.memory_space<hbm>> -> memref<632x48xf32, #tpu.memory_space<hbm>>
      %dma_wait3A_51 = arith.constant 0 : i32
      %dma_wait3A_52 = tpu.memref_slice %arg11[%mul3A_4, %dma_wait3A_51] : memref<10112x48xf32, #tpu.memory_space<vmem_shared>> -> memref<632x48xf32, #tpu.memory_space<vmem_shared>>
      tpu.wait_dma2 semaphore(%run_scoped3A_43 : memref<!tpu.dma_semaphore, #tpu.memory_space<semaphore_mem>>) src(%dma_wait3A_52 : memref<632x48xf32, #tpu.memory_space<vmem_shared>>) dst(%dma_wait3A_50 : memref<632x48xf32, #tpu.memory_space<hbm>>)
      tpu.yield
    }) : () -> ()
    return
  }
}

module attributes {stable_mosaic.version = 14 : i64} {
  func.func @body(%arg0: memref<10000x48xf32, #tpu.memory_space<vmem>>, %arg1: memref<10000x48xf32, #tpu.memory_space<vmem>>, %arg2: memref<10000x48xf32, #tpu.memory_space<vmem>>, %arg3: memref<10000x48xf32, #tpu.memory_space<vmem>>, %arg4: memref<10000x32xf32, #tpu.memory_space<vmem>>, %arg5: memref<10000x32xf32, #tpu.memory_space<vmem>>, %arg6: memref<10000x128xf32, #tpu.memory_space<vmem>>, %arg7: memref<48x32xf32, #tpu.memory_space<vmem>>, %arg8: memref<48x32xf32, #tpu.memory_space<vmem>>, %arg9: memref<32x32xf32, #tpu.memory_space<vmem>>, %arg10: memref<1x32xf32, #tpu.memory_space<vmem>>, %arg11: memref<128x32xf32, #tpu.memory_space<vmem>>, %arg12: memref<1x32xf32, #tpu.memory_space<vmem>>, %arg13: memref<1x32xf32, #tpu.memory_space<vmem>>, %arg14: memref<10000x32xf32, #tpu.memory_space<vmem>>) attributes {dimension_semantics = [], scalar_prefetch = 0 : i64, scratch_operands = 0 : i64, tpu.core_type = #tpu.core_type<tc>} {
    %get3A = arith.constant 0 : index
    %get3A_0 = arith.constant 0 : index
    %get3A_1 = vector.load %arg0[%get3A, %get3A_0] : memref<10000x48xf32, #tpu.memory_space<vmem>>, vector<10000x48xf32>
    %get3A_2 = arith.constant 0 : index
    %get3A_3 = arith.constant 0 : index
    %get3A_4 = vector.load %arg1[%get3A_2, %get3A_3] : memref<10000x48xf32, #tpu.memory_space<vmem>>, vector<10000x48xf32>
    %add3A = arith.addf %get3A_1, %get3A_4 : vector<10000x48xf32>
    %get3A_5 = arith.constant 0 : index
    %get3A_6 = arith.constant 0 : index
    %get3A_7 = vector.load %arg7[%get3A_5, %get3A_6] : memref<48x32xf32, #tpu.memory_space<vmem>>, vector<48x32xf32>
    %dot_general3A = arith.constant dense<0.000000e+00> : vector<10000x32xf32>
    %dot_general3A_8 = tpu.matmul %add3A, %get3A_7, %dot_general3A {dimension_numbers = #tpu.dot_dimension_numbers<[1], [0], [0], [1], [0, 0, 1, 1], [], []>, transpose_lhs_hint = false} : vector<10000x48xf32>, vector<48x32xf32>, vector<10000x32xf32> -> vector<10000x32xf32>
    %get3A_9 = arith.constant 0 : index
    %get3A_10 = arith.constant 0 : index
    %get3A_11 = vector.load %arg2[%get3A_9, %get3A_10] : memref<10000x48xf32, #tpu.memory_space<vmem>>, vector<10000x48xf32>
    %get3A_12 = arith.constant 0 : index
    %get3A_13 = arith.constant 0 : index
    %get3A_14 = vector.load %arg3[%get3A_12, %get3A_13] : memref<10000x48xf32, #tpu.memory_space<vmem>>, vector<10000x48xf32>
    %add3A_15 = arith.addf %get3A_11, %get3A_14 : vector<10000x48xf32>
    %get3A_16 = arith.constant 0 : index
    %get3A_17 = arith.constant 0 : index
    %get3A_18 = vector.load %arg8[%get3A_16, %get3A_17] : memref<48x32xf32, #tpu.memory_space<vmem>>, vector<48x32xf32>
    %dot_general3A_19 = arith.constant dense<0.000000e+00> : vector<10000x32xf32>
    %dot_general3A_20 = tpu.matmul %add3A_15, %get3A_18, %dot_general3A_19 {dimension_numbers = #tpu.dot_dimension_numbers<[1], [0], [0], [1], [0, 0, 1, 1], [], []>, transpose_lhs_hint = false} : vector<10000x48xf32>, vector<48x32xf32>, vector<10000x32xf32> -> vector<10000x32xf32>
    %add3A_21 = arith.addf %dot_general3A_8, %dot_general3A_20 : vector<10000x32xf32>
    %get3A_22 = arith.constant 0 : index
    %get3A_23 = arith.constant 0 : index
    %get3A_24 = vector.load %arg4[%get3A_22, %get3A_23] : memref<10000x32xf32, #tpu.memory_space<vmem>>, vector<10000x32xf32>
    %get3A_25 = arith.constant 0 : index
    %get3A_26 = arith.constant 0 : index
    %get3A_27 = vector.load %arg5[%get3A_25, %get3A_26] : memref<10000x32xf32, #tpu.memory_space<vmem>>, vector<10000x32xf32>
    %add3A_28 = arith.addf %get3A_24, %get3A_27 : vector<10000x32xf32>
    %get3A_29 = arith.constant 0 : index
    %get3A_30 = arith.constant 0 : index
    %get3A_31 = vector.load %arg9[%get3A_29, %get3A_30] : memref<32x32xf32, #tpu.memory_space<vmem>>, vector<32x32xf32>
    %dot_general3A_32 = arith.constant dense<0.000000e+00> : vector<10000x32xf32>
    %dot_general3A_33 = tpu.matmul %add3A_28, %get3A_31, %dot_general3A_32 {dimension_numbers = #tpu.dot_dimension_numbers<[1], [0], [0], [1], [0, 0, 1, 1], [], []>, transpose_lhs_hint = false} : vector<10000x32xf32>, vector<32x32xf32>, vector<10000x32xf32> -> vector<10000x32xf32>
    %add3A_34 = arith.addf %add3A_21, %dot_general3A_33 : vector<10000x32xf32>
    %get3A_35 = arith.constant 0 : index
    %get3A_36 = arith.constant 0 : index
    %get3A_37 = vector.load %arg10[%get3A_35, %get3A_36] : memref<1x32xf32, #tpu.memory_space<vmem>>, vector<1x32xf32>
    %add3A_38 = vector.broadcast %get3A_37 : vector<1x32xf32> to vector<10000x32xf32>
    %add3A_39 = arith.addf %add3A_34, %add3A_38 : vector<10000x32xf32>
    %get3A_40 = arith.constant 0 : index
    %get3A_41 = arith.constant 0 : index
    %get3A_42 = vector.load %arg6[%get3A_40, %get3A_41] : memref<10000x128xf32, #tpu.memory_space<vmem>>, vector<10000x128xf32>
    %get3A_43 = arith.constant 0 : index
    %get3A_44 = arith.constant 0 : index
    %get3A_45 = vector.load %arg11[%get3A_43, %get3A_44] : memref<128x32xf32, #tpu.memory_space<vmem>>, vector<128x32xf32>
    %dot_general3A_46 = arith.constant dense<0.000000e+00> : vector<10000x32xf32>
    %dot_general3A_47 = tpu.matmul %get3A_42, %get3A_45, %dot_general3A_46 {dimension_numbers = #tpu.dot_dimension_numbers<[1], [0], [0], [1], [0, 0, 1, 1], [], []>, transpose_lhs_hint = false} : vector<10000x128xf32>, vector<128x32xf32>, vector<10000x32xf32> -> vector<10000x32xf32>
    %add3A_48 = arith.addf %add3A_39, %dot_general3A_47 : vector<10000x32xf32>
    %max3A = arith.constant 0.000000e+00 : f32
    %max3A_49 = vector.broadcast %max3A : f32 to vector<10000x32xf32>
    %max3A_50 = arith.maximumf %add3A_48, %max3A_49 : vector<10000x32xf32>
    %reduce_sum3A = arith.constant dense<0.000000e+00> : vector<32xf32>
    %reduce_sum3A_51 = vector.multi_reduction <add>, %max3A_50, %reduce_sum3A [0] : vector<10000x32xf32> to vector<32xf32>
    %broadcast_in_dim3A = vector.shape_cast %reduce_sum3A_51 : vector<32xf32> to vector<1x32xf32>
    %div3A = arith.constant 1.000000e+04 : f32
    %div3A_52 = vector.broadcast %div3A : f32 to vector<1x32xf32>
    %div3A_53 = arith.divf %broadcast_in_dim3A, %div3A_52 : vector<1x32xf32>
    %mul3A = arith.mulf %max3A_50, %max3A_50 : vector<10000x32xf32>
    %reduce_sum3A_54 = arith.constant dense<0.000000e+00> : vector<32xf32>
    %reduce_sum3A_55 = vector.multi_reduction <add>, %mul3A, %reduce_sum3A_54 [0] : vector<10000x32xf32> to vector<32xf32>
    %broadcast_in_dim3A_56 = vector.shape_cast %reduce_sum3A_55 : vector<32xf32> to vector<1x32xf32>
    %div3A_57 = arith.constant 1.000000e+04 : f32
    %div3A_58 = vector.broadcast %div3A_57 : f32 to vector<1x32xf32>
    %div3A_59 = arith.divf %broadcast_in_dim3A_56, %div3A_58 : vector<1x32xf32>
    %mul3A_60 = arith.mulf %div3A_53, %div3A_53 : vector<1x32xf32>
    %sub3A = arith.subf %div3A_59, %mul3A_60 : vector<1x32xf32>
    %sub3A_61 = vector.broadcast %div3A_53 : vector<1x32xf32> to vector<10000x32xf32>
    %sub3A_62 = arith.subf %max3A_50, %sub3A_61 : vector<10000x32xf32>
    %get3A_63 = arith.constant 0 : index
    %get3A_64 = arith.constant 0 : index
    %get3A_65 = vector.load %arg12[%get3A_63, %get3A_64] : memref<1x32xf32, #tpu.memory_space<vmem>>, vector<1x32xf32>
    %add3A_66 = arith.constant 9.99999974E-6 : f32
    %add3A_67 = vector.broadcast %add3A_66 : f32 to vector<1x32xf32>
    %add3A_68 = arith.addf %sub3A, %add3A_67 : vector<1x32xf32>
    %rsqrt3A = math.rsqrt %add3A_68 : vector<1x32xf32>
    %mul3A_69 = arith.mulf %get3A_65, %rsqrt3A : vector<1x32xf32>
    %mul3A_70 = vector.broadcast %mul3A_69 : vector<1x32xf32> to vector<10000x32xf32>
    %mul3A_71 = arith.mulf %sub3A_62, %mul3A_70 : vector<10000x32xf32>
    %get3A_72 = arith.constant 0 : index
    %get3A_73 = arith.constant 0 : index
    %get3A_74 = vector.load %arg13[%get3A_72, %get3A_73] : memref<1x32xf32, #tpu.memory_space<vmem>>, vector<1x32xf32>
    %add3A_75 = vector.broadcast %get3A_74 : vector<1x32xf32> to vector<10000x32xf32>
    %add3A_76 = arith.addf %mul3A_71, %add3A_75 : vector<10000x32xf32>
    %swap3A = arith.constant 0 : index
    %swap3A_77 = arith.constant 0 : index
    %swap3A_78 = vector.load %arg14[%swap3A, %swap3A_77] : memref<10000x32xf32, #tpu.memory_space<vmem>>, vector<10000x32xf32>
    tpu.vector_store %arg14[%swap3A, %swap3A_77], %add3A_76 {strides = array<i32>} : memref<10000x32xf32, #tpu.memory_space<vmem>>, vector<10000x32xf32>,
    return
  }
}

module attributes {stable_mosaic.version = 14 : i64} {
  func.func @body(%arg0: memref<10000x32xf32, #tpu.memory_space<vmem>>, %arg1: memref<10000x32xf32, #tpu.memory_space<vmem>>, %arg2: memref<10000x32xf32, #tpu.memory_space<vmem>>, %arg3: memref<32x32xf32, #tpu.memory_space<vmem>>, %arg4: memref<1x32xf32, #tpu.memory_space<vmem>>, %arg5: memref<32x32xf32, #tpu.memory_space<vmem>>, %arg6: memref<1x32xf32, #tpu.memory_space<vmem>>, %arg7: memref<1x32xf32, #tpu.memory_space<vmem>>, %arg8: memref<32x2048xf32, #tpu.memory_space<vmem>>, %arg9: memref<1x2048xf32, #tpu.memory_space<vmem>>, %arg10: memref<10000x32xf32, #tpu.memory_space<vmem>>, %arg11: memref<2x2048xf32, #tpu.memory_space<vmem>>) attributes {dimension_semantics = [], scalar_prefetch = 0 : i64, scratch_operands = 0 : i64, tpu.core_type = #tpu.core_type<tc>} {
    %get3A = arith.constant 0 : index
    %get3A_0 = arith.constant 0 : index
    %get3A_1 = vector.load %arg0[%get3A, %get3A_0] : memref<10000x32xf32, #tpu.memory_space<vmem>>, vector<10000x32xf32>
    %get3A_2 = arith.constant 0 : index
    %get3A_3 = arith.constant 0 : index
    %get3A_4 = vector.load %arg1[%get3A_2, %get3A_3] : memref<10000x32xf32, #tpu.memory_space<vmem>>, vector<10000x32xf32>
    %add3A = arith.addf %get3A_1, %get3A_4 : vector<10000x32xf32>
    %get3A_5 = arith.constant 0 : index
    %get3A_6 = arith.constant 0 : index
    %get3A_7 = vector.load %arg3[%get3A_5, %get3A_6] : memref<32x32xf32, #tpu.memory_space<vmem>>, vector<32x32xf32>
    %dot_general3A = arith.constant dense<0.000000e+00> : vector<10000x32xf32>
    %dot_general3A_8 = tpu.matmul %add3A, %get3A_7, %dot_general3A {dimension_numbers = #tpu.dot_dimension_numbers<[1], [0], [0], [1], [0, 0, 1, 1], [], []>, transpose_lhs_hint = false} : vector<10000x32xf32>, vector<32x32xf32>, vector<10000x32xf32> -> vector<10000x32xf32>
    %get3A_9 = arith.constant 0 : index
    %get3A_10 = arith.constant 0 : index
    %get3A_11 = vector.load %arg4[%get3A_9, %get3A_10] : memref<1x32xf32, #tpu.memory_space<vmem>>, vector<1x32xf32>
    %add3A_12 = vector.broadcast %get3A_11 : vector<1x32xf32> to vector<10000x32xf32>
    %add3A_13 = arith.addf %dot_general3A_8, %add3A_12 : vector<10000x32xf32>
    %get3A_14 = arith.constant 0 : index
    %get3A_15 = arith.constant 0 : index
    %get3A_16 = vector.load %arg2[%get3A_14, %get3A_15] : memref<10000x32xf32, #tpu.memory_space<vmem>>, vector<10000x32xf32>
    %get3A_17 = arith.constant 0 : index
    %get3A_18 = arith.constant 0 : index
    %get3A_19 = vector.load %arg5[%get3A_17, %get3A_18] : memref<32x32xf32, #tpu.memory_space<vmem>>, vector<32x32xf32>
    %dot_general3A_20 = arith.constant dense<0.000000e+00> : vector<10000x32xf32>
    %dot_general3A_21 = tpu.matmul %get3A_16, %get3A_19, %dot_general3A_20 {dimension_numbers = #tpu.dot_dimension_numbers<[1], [0], [0], [1], [0, 0, 1, 1], [], []>, transpose_lhs_hint = false} : vector<10000x32xf32>, vector<32x32xf32>, vector<10000x32xf32> -> vector<10000x32xf32>
    %add3A_22 = arith.addf %add3A_13, %dot_general3A_21 : vector<10000x32xf32>
    %max3A = arith.constant 0.000000e+00 : f32
    %max3A_23 = vector.broadcast %max3A : f32 to vector<10000x32xf32>
    %max3A_24 = arith.maximumf %add3A_22, %max3A_23 : vector<10000x32xf32>
    %reduce_sum3A = arith.constant dense<0.000000e+00> : vector<32xf32>
    %reduce_sum3A_25 = vector.multi_reduction <add>, %max3A_24, %reduce_sum3A [0] : vector<10000x32xf32> to vector<32xf32>
    %broadcast_in_dim3A = vector.shape_cast %reduce_sum3A_25 : vector<32xf32> to vector<1x32xf32>
    %div3A = arith.constant 1.000000e+04 : f32
    %div3A_26 = vector.broadcast %div3A : f32 to vector<1x32xf32>
    %div3A_27 = arith.divf %broadcast_in_dim3A, %div3A_26 : vector<1x32xf32>
    %mul3A = arith.mulf %max3A_24, %max3A_24 : vector<10000x32xf32>
    %reduce_sum3A_28 = arith.constant dense<0.000000e+00> : vector<32xf32>
    %reduce_sum3A_29 = vector.multi_reduction <add>, %mul3A, %reduce_sum3A_28 [0] : vector<10000x32xf32> to vector<32xf32>
    %broadcast_in_dim3A_30 = vector.shape_cast %reduce_sum3A_29 : vector<32xf32> to vector<1x32xf32>
    %div3A_31 = arith.constant 1.000000e+04 : f32
    %div3A_32 = vector.broadcast %div3A_31 : f32 to vector<1x32xf32>
    %div3A_33 = arith.divf %broadcast_in_dim3A_30, %div3A_32 : vector<1x32xf32>
    %mul3A_34 = arith.mulf %div3A_27, %div3A_27 : vector<1x32xf32>
    %sub3A = arith.subf %div3A_33, %mul3A_34 : vector<1x32xf32>
    %sub3A_35 = vector.broadcast %div3A_27 : vector<1x32xf32> to vector<10000x32xf32>
    %sub3A_36 = arith.subf %max3A_24, %sub3A_35 : vector<10000x32xf32>
    %get3A_37 = arith.constant 0 : index
    %get3A_38 = arith.constant 0 : index
    %get3A_39 = vector.load %arg6[%get3A_37, %get3A_38] : memref<1x32xf32, #tpu.memory_space<vmem>>, vector<1x32xf32>
    %add3A_40 = arith.constant 9.99999974E-6 : f32
    %add3A_41 = vector.broadcast %add3A_40 : f32 to vector<1x32xf32>
    %add3A_42 = arith.addf %sub3A, %add3A_41 : vector<1x32xf32>
    %rsqrt3A = math.rsqrt %add3A_42 : vector<1x32xf32>
    %mul3A_43 = arith.mulf %get3A_39, %rsqrt3A : vector<1x32xf32>
    %mul3A_44 = vector.broadcast %mul3A_43 : vector<1x32xf32> to vector<10000x32xf32>
    %mul3A_45 = arith.mulf %sub3A_36, %mul3A_44 : vector<10000x32xf32>
    %get3A_46 = arith.constant 0 : index
    %get3A_47 = arith.constant 0 : index
    %get3A_48 = vector.load %arg7[%get3A_46, %get3A_47] : memref<1x32xf32, #tpu.memory_space<vmem>>, vector<1x32xf32>
    %add3A_49 = vector.broadcast %get3A_48 : vector<1x32xf32> to vector<10000x32xf32>
    %add3A_50 = arith.addf %mul3A_45, %add3A_49 : vector<10000x32xf32>
    %swap3A = arith.constant 0 : index
    %swap3A_51 = arith.constant 0 : index
    %swap3A_52 = vector.load %arg10[%swap3A, %swap3A_51] : memref<10000x32xf32, #tpu.memory_space<vmem>>, vector<10000x32xf32>
    tpu.vector_store %arg10[%swap3A, %swap3A_51], %add3A_50 {strides = array<i32>} : memref<10000x32xf32, #tpu.memory_space<vmem>>, vector<10000x32xf32>,
    %get3A_53 = arith.constant 0 : index
    %get3A_54 = arith.constant 0 : index
    %get3A_55 = vector.load %arg8[%get3A_53, %get3A_54] : memref<32x2048xf32, #tpu.memory_space<vmem>>, vector<32x256xf32>
    %dot_general3A_56 = arith.constant dense<0.000000e+00> : vector<10000x256xf32>
    %dot_general3A_57 = tpu.matmul %add3A_50, %get3A_55, %dot_general3A_56 {dimension_numbers = #tpu.dot_dimension_numbers<[1], [0], [0], [1], [0, 0, 1, 1], [], []>, transpose_lhs_hint = false} : vector<10000x32xf32>, vector<32x256xf32>, vector<10000x256xf32> -> vector<10000x256xf32>
    %get3A_58 = arith.constant 0 : index
    %get3A_59 = arith.constant 0 : index
    %get3A_60 = vector.load %arg9[%get3A_58, %get3A_59] : memref<1x2048xf32, #tpu.memory_space<vmem>>, vector<1x256xf32>
    %add3A_61 = vector.broadcast %get3A_60 : vector<1x256xf32> to vector<10000x256xf32>
    %add3A_62 = arith.addf %dot_general3A_57, %add3A_61 : vector<10000x256xf32>
    %reduce_sum3A_63 = arith.constant dense<0.000000e+00> : vector<256xf32>
    %reduce_sum3A_64 = vector.multi_reduction <add>, %add3A_62, %reduce_sum3A_63 [0] : vector<10000x256xf32> to vector<256xf32>
    %broadcast_in_dim3A_65 = vector.shape_cast %reduce_sum3A_64 : vector<256xf32> to vector<1x256xf32>
    %mul3A_66 = arith.mulf %add3A_62, %add3A_62 : vector<10000x256xf32>
    %reduce_sum3A_67 = arith.constant dense<0.000000e+00> : vector<256xf32>
    %reduce_sum3A_68 = vector.multi_reduction <add>, %mul3A_66, %reduce_sum3A_67 [0] : vector<10000x256xf32> to vector<256xf32>
    %broadcast_in_dim3A_69 = vector.shape_cast %reduce_sum3A_68 : vector<256xf32> to vector<1x256xf32>
    %concatenate3A = tpu.concatenate %broadcast_in_dim3A_65, %broadcast_in_dim3A_69 in 0 : vector<1x256xf32>, vector<1x256xf32> -> vector<2x256xf32>
    %get3A_70 = arith.constant 0 : index
    %get3A_71 = arith.constant 256 : index
    %get3A_72 = vector.load %arg8[%get3A_70, %get3A_71] : memref<32x2048xf32, #tpu.memory_space<vmem>>, vector<32x256xf32>
    %dot_general3A_73 = arith.constant dense<0.000000e+00> : vector<10000x256xf32>
    %dot_general3A_74 = tpu.matmul %add3A_50, %get3A_72, %dot_general3A_73 {dimension_numbers = #tpu.dot_dimension_numbers<[1], [0], [0], [1], [0, 0, 1, 1], [], []>, transpose_lhs_hint = false} : vector<10000x32xf32>, vector<32x256xf32>, vector<10000x256xf32> -> vector<10000x256xf32>
    %get3A_75 = arith.constant 0 : index
    %get3A_76 = arith.constant 256 : index
    %get3A_77 = vector.load %arg9[%get3A_75, %get3A_76] : memref<1x2048xf32, #tpu.memory_space<vmem>>, vector<1x256xf32>
    %add3A_78 = vector.broadcast %get3A_77 : vector<1x256xf32> to vector<10000x256xf32>
    %add3A_79 = arith.addf %dot_general3A_74, %add3A_78 : vector<10000x256xf32>
    %reduce_sum3A_80 = arith.constant dense<0.000000e+00> : vector<256xf32>
    %reduce_sum3A_81 = vector.multi_reduction <add>, %add3A_79, %reduce_sum3A_80 [0] : vector<10000x256xf32> to vector<256xf32>
    %broadcast_in_dim3A_82 = vector.shape_cast %reduce_sum3A_81 : vector<256xf32> to vector<1x256xf32>
    %mul3A_83 = arith.mulf %add3A_79, %add3A_79 : vector<10000x256xf32>
    %reduce_sum3A_84 = arith.constant dense<0.000000e+00> : vector<256xf32>
    %reduce_sum3A_85 = vector.multi_reduction <add>, %mul3A_83, %reduce_sum3A_84 [0] : vector<10000x256xf32> to vector<256xf32>
    %broadcast_in_dim3A_86 = vector.shape_cast %reduce_sum3A_85 : vector<256xf32> to vector<1x256xf32>
    %concatenate3A_87 = tpu.concatenate %broadcast_in_dim3A_82, %broadcast_in_dim3A_86 in 0 : vector<1x256xf32>, vector<1x256xf32> -> vector<2x256xf32>
    %get3A_88 = arith.constant 0 : index
    %get3A_89 = arith.constant 512 : index
    %get3A_90 = vector.load %arg8[%get3A_88, %get3A_89] : memref<32x2048xf32, #tpu.memory_space<vmem>>, vector<32x256xf32>
    %dot_general3A_91 = arith.constant dense<0.000000e+00> : vector<10000x256xf32>
    %dot_general3A_92 = tpu.matmul %add3A_50, %get3A_90, %dot_general3A_91 {dimension_numbers = #tpu.dot_dimension_numbers<[1], [0], [0], [1], [0, 0, 1, 1], [], []>, transpose_lhs_hint = false} : vector<10000x32xf32>, vector<32x256xf32>, vector<10000x256xf32> -> vector<10000x256xf32>
    %get3A_93 = arith.constant 0 : index
    %get3A_94 = arith.constant 512 : index
    %get3A_95 = vector.load %arg9[%get3A_93, %get3A_94] : memref<1x2048xf32, #tpu.memory_space<vmem>>, vector<1x256xf32>
    %add3A_96 = vector.broadcast %get3A_95 : vector<1x256xf32> to vector<10000x256xf32>
    %add3A_97 = arith.addf %dot_general3A_92, %add3A_96 : vector<10000x256xf32>
    %reduce_sum3A_98 = arith.constant dense<0.000000e+00> : vector<256xf32>
    %reduce_sum3A_99 = vector.multi_reduction <add>, %add3A_97, %reduce_sum3A_98 [0] : vector<10000x256xf32> to vector<256xf32>
    %broadcast_in_dim3A_100 = vector.shape_cast %reduce_sum3A_99 : vector<256xf32> to vector<1x256xf32>
    %mul3A_101 = arith.mulf %add3A_97, %add3A_97 : vector<10000x256xf32>
    %reduce_sum3A_102 = arith.constant dense<0.000000e+00> : vector<256xf32>
    %reduce_sum3A_103 = vector.multi_reduction <add>, %mul3A_101, %reduce_sum3A_102 [0] : vector<10000x256xf32> to vector<256xf32>
    %broadcast_in_dim3A_104 = vector.shape_cast %reduce_sum3A_103 : vector<256xf32> to vector<1x256xf32>
    %concatenate3A_105 = tpu.concatenate %broadcast_in_dim3A_100, %broadcast_in_dim3A_104 in 0 : vector<1x256xf32>, vector<1x256xf32> -> vector<2x256xf32>
    %get3A_106 = arith.constant 0 : index
    %get3A_107 = arith.constant 768 : index
    %get3A_108 = vector.load %arg8[%get3A_106, %get3A_107] : memref<32x2048xf32, #tpu.memory_space<vmem>>, vector<32x256xf32>
    %dot_general3A_109 = arith.constant dense<0.000000e+00> : vector<10000x256xf32>
    %dot_general3A_110 = tpu.matmul %add3A_50, %get3A_108, %dot_general3A_109 {dimension_numbers = #tpu.dot_dimension_numbers<[1], [0], [0], [1], [0, 0, 1, 1], [], []>, transpose_lhs_hint = false} : vector<10000x32xf32>, vector<32x256xf32>, vector<10000x256xf32> -> vector<10000x256xf32>
    %get3A_111 = arith.constant 0 : index
    %get3A_112 = arith.constant 768 : index
    %get3A_113 = vector.load %arg9[%get3A_111, %get3A_112] : memref<1x2048xf32, #tpu.memory_space<vmem>>, vector<1x256xf32>
    %add3A_114 = vector.broadcast %get3A_113 : vector<1x256xf32> to vector<10000x256xf32>
    %add3A_115 = arith.addf %dot_general3A_110, %add3A_114 : vector<10000x256xf32>
    %reduce_sum3A_116 = arith.constant dense<0.000000e+00> : vector<256xf32>
    %reduce_sum3A_117 = vector.multi_reduction <add>, %add3A_115, %reduce_sum3A_116 [0] : vector<10000x256xf32> to vector<256xf32>
    %broadcast_in_dim3A_118 = vector.shape_cast %reduce_sum3A_117 : vector<256xf32> to vector<1x256xf32>
    %mul3A_119 = arith.mulf %add3A_115, %add3A_115 : vector<10000x256xf32>
    %reduce_sum3A_120 = arith.constant dense<0.000000e+00> : vector<256xf32>
    %reduce_sum3A_121 = vector.multi_reduction <add>, %mul3A_119, %reduce_sum3A_120 [0] : vector<10000x256xf32> to vector<256xf32>
    %broadcast_in_dim3A_122 = vector.shape_cast %reduce_sum3A_121 : vector<256xf32> to vector<1x256xf32>
    %concatenate3A_123 = tpu.concatenate %broadcast_in_dim3A_118, %broadcast_in_dim3A_122 in 0 : vector<1x256xf32>, vector<1x256xf32> -> vector<2x256xf32>
    %get3A_124 = arith.constant 0 : index
    %get3A_125 = arith.constant 1024 : index
    %get3A_126 = vector.load %arg8[%get3A_124, %get3A_125] : memref<32x2048xf32, #tpu.memory_space<vmem>>, vector<32x256xf32>
    %dot_general3A_127 = arith.constant dense<0.000000e+00> : vector<10000x256xf32>
    %dot_general3A_128 = tpu.matmul %add3A_50, %get3A_126, %dot_general3A_127 {dimension_numbers = #tpu.dot_dimension_numbers<[1], [0], [0], [1], [0, 0, 1, 1], [], []>, transpose_lhs_hint = false} : vector<10000x32xf32>, vector<32x256xf32>, vector<10000x256xf32> -> vector<10000x256xf32>
    %get3A_129 = arith.constant 0 : index
    %get3A_130 = arith.constant 1024 : index
    %get3A_131 = vector.load %arg9[%get3A_129, %get3A_130] : memref<1x2048xf32, #tpu.memory_space<vmem>>, vector<1x256xf32>
    %add3A_132 = vector.broadcast %get3A_131 : vector<1x256xf32> to vector<10000x256xf32>
    %add3A_133 = arith.addf %dot_general3A_128, %add3A_132 : vector<10000x256xf32>
    %reduce_sum3A_134 = arith.constant dense<0.000000e+00> : vector<256xf32>
    %reduce_sum3A_135 = vector.multi_reduction <add>, %add3A_133, %reduce_sum3A_134 [0] : vector<10000x256xf32> to vector<256xf32>
    %broadcast_in_dim3A_136 = vector.shape_cast %reduce_sum3A_135 : vector<256xf32> to vector<1x256xf32>
    %mul3A_137 = arith.mulf %add3A_133, %add3A_133 : vector<10000x256xf32>
    %reduce_sum3A_138 = arith.constant dense<0.000000e+00> : vector<256xf32>
    %reduce_sum3A_139 = vector.multi_reduction <add>, %mul3A_137, %reduce_sum3A_138 [0] : vector<10000x256xf32> to vector<256xf32>
    %broadcast_in_dim3A_140 = vector.shape_cast %reduce_sum3A_139 : vector<256xf32> to vector<1x256xf32>
    %concatenate3A_141 = tpu.concatenate %broadcast_in_dim3A_136, %broadcast_in_dim3A_140 in 0 : vector<1x256xf32>, vector<1x256xf32> -> vector<2x256xf32>
    %get3A_142 = arith.constant 0 : index
    %get3A_143 = arith.constant 1280 : index
    %get3A_144 = vector.load %arg8[%get3A_142, %get3A_143] : memref<32x2048xf32, #tpu.memory_space<vmem>>, vector<32x256xf32>
    %dot_general3A_145 = arith.constant dense<0.000000e+00> : vector<10000x256xf32>
    %dot_general3A_146 = tpu.matmul %add3A_50, %get3A_144, %dot_general3A_145 {dimension_numbers = #tpu.dot_dimension_numbers<[1], [0], [0], [1], [0, 0, 1, 1], [], []>, transpose_lhs_hint = false} : vector<10000x32xf32>, vector<32x256xf32>, vector<10000x256xf32> -> vector<10000x256xf32>
    %get3A_147 = arith.constant 0 : index
    %get3A_148 = arith.constant 1280 : index
    %get3A_149 = vector.load %arg9[%get3A_147, %get3A_148] : memref<1x2048xf32, #tpu.memory_space<vmem>>, vector<1x256xf32>
    %add3A_150 = vector.broadcast %get3A_149 : vector<1x256xf32> to vector<10000x256xf32>
    %add3A_151 = arith.addf %dot_general3A_146, %add3A_150 : vector<10000x256xf32>
    %reduce_sum3A_152 = arith.constant dense<0.000000e+00> : vector<256xf32>
    %reduce_sum3A_153 = vector.multi_reduction <add>, %add3A_151, %reduce_sum3A_152 [0] : vector<10000x256xf32> to vector<256xf32>
    %broadcast_in_dim3A_154 = vector.shape_cast %reduce_sum3A_153 : vector<256xf32> to vector<1x256xf32>
    %mul3A_155 = arith.mulf %add3A_151, %add3A_151 : vector<10000x256xf32>
    %reduce_sum3A_156 = arith.constant dense<0.000000e+00> : vector<256xf32>
    %reduce_sum3A_157 = vector.multi_reduction <add>, %mul3A_155, %reduce_sum3A_156 [0] : vector<10000x256xf32> to vector<256xf32>
    %broadcast_in_dim3A_158 = vector.shape_cast %reduce_sum3A_157 : vector<256xf32> to vector<1x256xf32>
    %concatenate3A_159 = tpu.concatenate %broadcast_in_dim3A_154, %broadcast_in_dim3A_158 in 0 : vector<1x256xf32>, vector<1x256xf32> -> vector<2x256xf32>
    %get3A_160 = arith.constant 0 : index
    %get3A_161 = arith.constant 1536 : index
    %get3A_162 = vector.load %arg8[%get3A_160, %get3A_161] : memref<32x2048xf32, #tpu.memory_space<vmem>>, vector<32x256xf32>
    %dot_general3A_163 = arith.constant dense<0.000000e+00> : vector<10000x256xf32>
    %dot_general3A_164 = tpu.matmul %add3A_50, %get3A_162, %dot_general3A_163 {dimension_numbers = #tpu.dot_dimension_numbers<[1], [0], [0], [1], [0, 0, 1, 1], [], []>, transpose_lhs_hint = false} : vector<10000x32xf32>, vector<32x256xf32>, vector<10000x256xf32> -> vector<10000x256xf32>
    %get3A_165 = arith.constant 0 : index
    %get3A_166 = arith.constant 1536 : index
    %get3A_167 = vector.load %arg9[%get3A_165, %get3A_166] : memref<1x2048xf32, #tpu.memory_space<vmem>>, vector<1x256xf32>
    %add3A_168 = vector.broadcast %get3A_167 : vector<1x256xf32> to vector<10000x256xf32>
    %add3A_169 = arith.addf %dot_general3A_164, %add3A_168 : vector<10000x256xf32>
    %reduce_sum3A_170 = arith.constant dense<0.000000e+00> : vector<256xf32>
    %reduce_sum3A_171 = vector.multi_reduction <add>, %add3A_169, %reduce_sum3A_170 [0] : vector<10000x256xf32> to vector<256xf32>
    %broadcast_in_dim3A_172 = vector.shape_cast %reduce_sum3A_171 : vector<256xf32> to vector<1x256xf32>
    %mul3A_173 = arith.mulf %add3A_169, %add3A_169 : vector<10000x256xf32>
    %reduce_sum3A_174 = arith.constant dense<0.000000e+00> : vector<256xf32>
    %reduce_sum3A_175 = vector.multi_reduction <add>, %mul3A_173, %reduce_sum3A_174 [0] : vector<10000x256xf32> to vector<256xf32>
    %broadcast_in_dim3A_176 = vector.shape_cast %reduce_sum3A_175 : vector<256xf32> to vector<1x256xf32>
    %concatenate3A_177 = tpu.concatenate %broadcast_in_dim3A_172, %broadcast_in_dim3A_176 in 0 : vector<1x256xf32>, vector<1x256xf32> -> vector<2x256xf32>
    %get3A_178 = arith.constant 0 : index
    %get3A_179 = arith.constant 1792 : index
    %get3A_180 = vector.load %arg8[%get3A_178, %get3A_179] : memref<32x2048xf32, #tpu.memory_space<vmem>>, vector<32x256xf32>
    %dot_general3A_181 = arith.constant dense<0.000000e+00> : vector<10000x256xf32>
    %dot_general3A_182 = tpu.matmul %add3A_50, %get3A_180, %dot_general3A_181 {dimension_numbers = #tpu.dot_dimension_numbers<[1], [0], [0], [1], [0, 0, 1, 1], [], []>, transpose_lhs_hint = false} : vector<10000x32xf32>, vector<32x256xf32>, vector<10000x256xf32> -> vector<10000x256xf32>
    %get3A_183 = arith.constant 0 : index
    %get3A_184 = arith.constant 1792 : index
    %get3A_185 = vector.load %arg9[%get3A_183, %get3A_184] : memref<1x2048xf32, #tpu.memory_space<vmem>>, vector<1x256xf32>
    %add3A_186 = vector.broadcast %get3A_185 : vector<1x256xf32> to vector<10000x256xf32>
    %add3A_187 = arith.addf %dot_general3A_182, %add3A_186 : vector<10000x256xf32>
    %reduce_sum3A_188 = arith.constant dense<0.000000e+00> : vector<256xf32>
    %reduce_sum3A_189 = vector.multi_reduction <add>, %add3A_187, %reduce_sum3A_188 [0] : vector<10000x256xf32> to vector<256xf32>
    %broadcast_in_dim3A_190 = vector.shape_cast %reduce_sum3A_189 : vector<256xf32> to vector<1x256xf32>
    %mul3A_191 = arith.mulf %add3A_187, %add3A_187 : vector<10000x256xf32>
    %reduce_sum3A_192 = arith.constant dense<0.000000e+00> : vector<256xf32>
    %reduce_sum3A_193 = vector.multi_reduction <add>, %mul3A_191, %reduce_sum3A_192 [0] : vector<10000x256xf32> to vector<256xf32>
    %broadcast_in_dim3A_194 = vector.shape_cast %reduce_sum3A_193 : vector<256xf32> to vector<1x256xf32>
    %concatenate3A_195 = tpu.concatenate %broadcast_in_dim3A_190, %broadcast_in_dim3A_194 in 0 : vector<1x256xf32>, vector<1x256xf32> -> vector<2x256xf32>
    %concatenate3A_196 = tpu.concatenate %concatenate3A, %concatenate3A_87, %concatenate3A_105, %concatenate3A_123, %concatenate3A_141, %concatenate3A_159, %concatenate3A_177, %concatenate3A_195 in 1 : vector<2x256xf32>, vector<2x256xf32>, vector<2x256xf32>, vector<2x256xf32>, vector<2x256xf32>, vector<2x256xf32>, vector<2x256xf32>, vector<2x256xf32> -> vector<2x2048xf32>
    %swap3A_197 = arith.constant 0 : index
    %swap3A_198 = arith.constant 0 : index
    %swap3A_199 = vector.load %arg11[%swap3A_197, %swap3A_198] : memref<2x2048xf32, #tpu.memory_space<vmem>>, vector<2x2048xf32>
    tpu.vector_store %arg11[%swap3A_197, %swap3A_198], %concatenate3A_196 {strides = array<i32>} : memref<2x2048xf32, #tpu.memory_space<vmem>>, vector<2x2048xf32>,
    return
  }
}

module attributes {stable_mosaic.version = 14 : i64} {
  func.func @body(%arg0: i32, %arg1: memref<200x32xf32, #tpu.memory_space<vmem>>, %arg2: memref<32x2048xf32, #tpu.memory_space<vmem>>, %arg3: memref<1x2048xf32, #tpu.memory_space<vmem>>, %arg4: memref<2x2048xf32, #tpu.memory_space<vmem>>, %arg5: memref<1x2048xf32, #tpu.memory_space<vmem>>, %arg6: memref<1x2048xf32, #tpu.memory_space<vmem>>, %arg7: memref<2048x1024xf32, #tpu.memory_space<vmem>>, %arg8: memref<1x1024xf32, #tpu.memory_space<vmem>>, %arg9: memref<200x1024xf32, #tpu.memory_space<vmem>>, %arg10: memref<2x1024xf32, #tpu.memory_space<vmem>>, %arg11: memref<2x1024xf32, #tpu.memory_space<vmem>>) attributes {dimension_semantics = [#tpu.dimension_semantics<arbitrary>], iteration_bounds = array<i64: 50>, scalar_prefetch = 0 : i64, scratch_operands = 1 : i64, tpu.core_type = #tpu.core_type<tc>, window_params = [{transform_indices = @transform_0, window_bounds = array<i64: 200, 32>}, {pipeline_mode = #tpu.pipeline_mode<synchronous>, transform_indices = @transform_1, window_bounds = array<i64: 32, 2048>}, {pipeline_mode = #tpu.pipeline_mode<synchronous>, transform_indices = @transform_2, window_bounds = array<i64: 1, 2048>}, {pipeline_mode = #tpu.pipeline_mode<synchronous>, transform_indices = @transform_3, window_bounds = array<i64: 2, 2048>}, {pipeline_mode = #tpu.pipeline_mode<synchronous>, transform_indices = @transform_4, window_bounds = array<i64: 1, 2048>}, {pipeline_mode = #tpu.pipeline_mode<synchronous>, transform_indices = @transform_5, window_bounds = array<i64: 1, 2048>}, {pipeline_mode = #tpu.pipeline_mode<synchronous>, transform_indices = @transform_6, window_bounds = array<i64: 2048, 1024>}, {pipeline_mode = #tpu.pipeline_mode<synchronous>, transform_indices = @transform_7, window_bounds = array<i64: 1, 1024>}, {transform_indices = @transform_8, window_bounds = array<i64: 200, 1024>}, {pipeline_mode = #tpu.pipeline_mode<synchronous>, transform_indices = @transform_9, window_bounds = array<i64: 2, 1024>}]} {
    %get3A = arith.constant 0 : index
    %get3A_0 = arith.constant 0 : index
    %get3A_1 = vector.load %arg1[%get3A, %get3A_0] : memref<200x32xf32, #tpu.memory_space<vmem>>, vector<200x32xf32>
    %get3A_2 = arith.constant 0 : index
    %get3A_3 = arith.constant 0 : index
    %get3A_4 = vector.load %arg2[%get3A_2, %get3A_3] : memref<32x2048xf32, #tpu.memory_space<vmem>>, vector<32x2048xf32>
    %dot_general3A = arith.constant dense<0.000000e+00> : vector<200x2048xf32>
    %dot_general3A_5 = tpu.matmul %get3A_1, %get3A_4, %dot_general3A {dimension_numbers = #tpu.dot_dimension_numbers<[1], [0], [0], [1], [0, 0, 1, 1], [], []>, transpose_lhs_hint = false} : vector<200x32xf32>, vector<32x2048xf32>, vector<200x2048xf32> -> vector<200x2048xf32>
    %get3A_6 = arith.constant 0 : index
    %get3A_7 = arith.constant 0 : index
    %get3A_8 = vector.load %arg3[%get3A_6, %get3A_7] : memref<1x2048xf32, #tpu.memory_space<vmem>>, vector<1x2048xf32>
    %add3A = vector.broadcast %get3A_8 : vector<1x2048xf32> to vector<200x2048xf32>
    %add3A_9 = arith.addf %dot_general3A_5, %add3A : vector<200x2048xf32>
    %get3A_10 = arith.constant 0 : index
    %get3A_11 = arith.constant 0 : index
    %get3A_12 = vector.load %arg4[%get3A_10, %get3A_11] : memref<2x2048xf32, #tpu.memory_space<vmem>>, vector<1x2048xf32>
    %mul3A = arith.constant 9.99999974E-5 : f32
    %mul3A_13 = vector.broadcast %mul3A : f32 to vector<1x2048xf32>
    %mul3A_14 = arith.mulf %get3A_12, %mul3A_13 : vector<1x2048xf32>
    %get3A_15 = arith.constant 1 : index
    %get3A_16 = arith.constant 0 : index
    %get3A_17 = vector.load %arg4[%get3A_15, %get3A_16] : memref<2x2048xf32, #tpu.memory_space<vmem>>, vector<1x2048xf32>
    %mul3A_18 = arith.constant 9.99999974E-5 : f32
    %mul3A_19 = vector.broadcast %mul3A_18 : f32 to vector<1x2048xf32>
    %mul3A_20 = arith.mulf %get3A_17, %mul3A_19 : vector<1x2048xf32>
    %mul3A_21 = arith.mulf %mul3A_14, %mul3A_14 : vector<1x2048xf32>
    %sub3A = arith.subf %mul3A_20, %mul3A_21 : vector<1x2048xf32>
    %sub3A_22 = vector.broadcast %mul3A_14 : vector<1x2048xf32> to vector<200x2048xf32>
    %sub3A_23 = arith.subf %add3A_9, %sub3A_22 : vector<200x2048xf32>
    %get3A_24 = arith.constant 0 : index
    %get3A_25 = arith.constant 0 : index
    %get3A_26 = vector.load %arg5[%get3A_24, %get3A_25] : memref<1x2048xf32, #tpu.memory_space<vmem>>, vector<1x2048xf32>
    %add3A_27 = arith.constant 9.99999974E-6 : f32
    %add3A_28 = vector.broadcast %add3A_27 : f32 to vector<1x2048xf32>
    %add3A_29 = arith.addf %sub3A, %add3A_28 : vector<1x2048xf32>
    %rsqrt3A = math.rsqrt %add3A_29 : vector<1x2048xf32>
    %mul3A_30 = arith.mulf %get3A_26, %rsqrt3A : vector<1x2048xf32>
    %mul3A_31 = vector.broadcast %mul3A_30 : vector<1x2048xf32> to vector<200x2048xf32>
    %mul3A_32 = arith.mulf %sub3A_23, %mul3A_31 : vector<200x2048xf32>
    %get3A_33 = arith.constant 0 : index
    %get3A_34 = arith.constant 0 : index
    %get3A_35 = vector.load %arg6[%get3A_33, %get3A_34] : memref<1x2048xf32, #tpu.memory_space<vmem>>, vector<1x2048xf32>
    %add3A_36 = vector.broadcast %get3A_35 : vector<1x2048xf32> to vector<200x2048xf32>
    %add3A_37 = arith.addf %mul3A_32, %add3A_36 : vector<200x2048xf32>
    %max3A = arith.constant 0.000000e+00 : f32
    %max3A_38 = vector.broadcast %max3A : f32 to vector<200x2048xf32>
    %max3A_39 = arith.maximumf %add3A_37, %max3A_38 : vector<200x2048xf32>
    %get3A_40 = arith.constant 0 : index
    %get3A_41 = arith.constant 0 : index
    %get3A_42 = vector.load %arg7[%get3A_40, %get3A_41] : memref<2048x1024xf32, #tpu.memory_space<vmem>>, vector<2048x1024xf32>
    %dot_general3A_43 = arith.constant dense<0.000000e+00> : vector<200x1024xf32>
    %dot_general3A_44 = tpu.matmul %max3A_39, %get3A_42, %dot_general3A_43 {dimension_numbers = #tpu.dot_dimension_numbers<[1], [0], [0], [1], [0, 0, 1, 1], [], []>, transpose_lhs_hint = false} : vector<200x2048xf32>, vector<2048x1024xf32>, vector<200x1024xf32> -> vector<200x1024xf32>
    %get3A_45 = arith.constant 0 : index
    %get3A_46 = arith.constant 0 : index
    %get3A_47 = vector.load %arg8[%get3A_45, %get3A_46] : memref<1x1024xf32, #tpu.memory_space<vmem>>, vector<1x1024xf32>
    %add3A_48 = vector.broadcast %get3A_47 : vector<1x1024xf32> to vector<200x1024xf32>
    %add3A_49 = arith.addf %dot_general3A_44, %add3A_48 : vector<200x1024xf32>
    %swap3A = arith.constant 0 : index
    %swap3A_50 = arith.constant 0 : index
    %swap3A_51 = vector.load %arg9[%swap3A, %swap3A_50] : memref<200x1024xf32, #tpu.memory_space<vmem>>, vector<200x1024xf32>
    tpu.vector_store %arg9[%swap3A, %swap3A_50], %add3A_49 {strides = array<i32>} : memref<200x1024xf32, #tpu.memory_space<vmem>>, vector<200x1024xf32>,
    %eq3A = arith.constant 0 : i32
    %eq3A_52 = arith.cmpi eq, %arg0, %eq3A : i32
    %convert_element_type3A = arith.extui %eq3A_52 : i1 to i32
    %cond3A = arith.constant 0 : i32
    %cond3A_53 = arith.cmpi ne, %convert_element_type3A, %cond3A : i32
    scf.if %cond3A_53 {
      %broadcast_in_dim3A_79 = arith.constant 0.000000e+00 : f32
      %broadcast_in_dim3A_80 = vector.broadcast %broadcast_in_dim3A_79 : f32 to vector<2x1024xf32>
      %swap3A_81 = arith.constant 0 : index
      %swap3A_82 = arith.constant 0 : index
      %swap3A_83 = vector.load %arg11[%swap3A_81, %swap3A_82] : memref<2x1024xf32, #tpu.memory_space<vmem>>, vector<2x1024xf32>
      tpu.vector_store %arg11[%swap3A_81, %swap3A_82], %broadcast_in_dim3A_80 {strides = array<i32>} : memref<2x1024xf32, #tpu.memory_space<vmem>>, vector<2x1024xf32>,
    } else {
    }
    %get3A_54 = arith.constant 0 : index
    %get3A_55 = arith.constant 0 : index
    %get3A_56 = vector.load %arg11[%get3A_54, %get3A_55] : memref<2x1024xf32, #tpu.memory_space<vmem>>, vector<1x1024xf32>
    %reduce_sum3A = arith.constant dense<0.000000e+00> : vector<1024xf32>
    %reduce_sum3A_57 = vector.multi_reduction <add>, %add3A_49, %reduce_sum3A [0] : vector<200x1024xf32> to vector<1024xf32>
    %broadcast_in_dim3A = vector.shape_cast %reduce_sum3A_57 : vector<1024xf32> to vector<1x1024xf32>
    %add3A_58 = arith.addf %get3A_56, %broadcast_in_dim3A : vector<1x1024xf32>
    %swap3A_59 = arith.constant 0 : index
    %swap3A_60 = arith.constant 0 : index
    %swap3A_61 = vector.load %arg11[%swap3A_59, %swap3A_60] : memref<2x1024xf32, #tpu.memory_space<vmem>>, vector<1x1024xf32>
    tpu.vector_store %arg11[%swap3A_59, %swap3A_60], %add3A_58 {strides = array<i32>} : memref<2x1024xf32, #tpu.memory_space<vmem>>, vector<1x1024xf32>,
    %get3A_62 = arith.constant 1 : index
    %get3A_63 = arith.constant 0 : index
    %get3A_64 = vector.load %arg11[%get3A_62, %get3A_63] : memref<2x1024xf32, #tpu.memory_space<vmem>>, vector<1x1024xf32>
    %mul3A_65 = arith.mulf %add3A_49, %add3A_49 : vector<200x1024xf32>
    %reduce_sum3A_66 = arith.constant dense<0.000000e+00> : vector<1024xf32>
    %reduce_sum3A_67 = vector.multi_reduction <add>, %mul3A_65, %reduce_sum3A_66 [0] : vector<200x1024xf32> to vector<1024xf32>
    %broadcast_in_dim3A_68 = vector.shape_cast %reduce_sum3A_67 : vector<1024xf32> to vector<1x1024xf32>
    %add3A_69 = arith.addf %get3A_64, %broadcast_in_dim3A_68 : vector<1x1024xf32>
    %swap3A_70 = arith.constant 1 : index
    %swap3A_71 = arith.constant 0 : index
    %swap3A_72 = vector.load %arg11[%swap3A_70, %swap3A_71] : memref<2x1024xf32, #tpu.memory_space<vmem>>, vector<1x1024xf32>
    tpu.vector_store %arg11[%swap3A_70, %swap3A_71], %add3A_69 {strides = array<i32>} : memref<2x1024xf32, #tpu.memory_space<vmem>>, vector<1x1024xf32>,
    %get3A_73 = arith.constant 0 : index
    %get3A_74 = arith.constant 0 : index
    %get3A_75 = vector.load %arg11[%get3A_73, %get3A_74] : memref<2x1024xf32, #tpu.memory_space<vmem>>, vector<2x1024xf32>
    %swap3A_76 = arith.constant 0 : index
    %swap3A_77 = arith.constant 0 : index
    %swap3A_78 = vector.load %arg10[%swap3A_76, %swap3A_77] : memref<2x1024xf32, #tpu.memory_space<vmem>>, vector<2x1024xf32>
    tpu.vector_store %arg10[%swap3A_76, %swap3A_77], %get3A_75 {strides = array<i32>} : memref<2x1024xf32, #tpu.memory_space<vmem>>, vector<2x1024xf32>,
    return
  }
  func.func @transform_0(%arg0: i32) -> (i32, i32) {
    %c0_i32 = arith.constant 0 : i32
    %c0_i32_0 = arith.constant 0 : i32
    return %arg0, %c0_i32 : i32, i32
  }
  func.func @transform_1(%arg0: i32) -> (i32, i32) {
    %c0_i32 = arith.constant 0 : i32
    %c0_i32_0 = arith.constant 0 : i32
    %c0_i32_1 = arith.constant 0 : i32
    return %c0_i32, %c0_i32_0 : i32, i32
  }
  func.func @transform_2(%arg0: i32) -> (i32, i32) {
    %c0_i32 = arith.constant 0 : i32
    %c0_i32_0 = arith.constant 0 : i32
    %c0_i32_1 = arith.constant 0 : i32
    return %c0_i32, %c0_i32_0 : i32, i32
  }
  func.func @transform_3(%arg0: i32) -> (i32, i32) {
    %c0_i32 = arith.constant 0 : i32
    %c0_i32_0 = arith.constant 0 : i32
    %c0_i32_1 = arith.constant 0 : i32
    return %c0_i32, %c0_i32_0 : i32, i32
  }
  func.func @transform_4(%arg0: i32) -> (i32, i32) {
    %c0_i32 = arith.constant 0 : i32
    %c0_i32_0 = arith.constant 0 : i32
    %c0_i32_1 = arith.constant 0 : i32
    return %c0_i32, %c0_i32_0 : i32, i32
  }
  func.func @transform_5(%arg0: i32) -> (i32, i32) {
    %c0_i32 = arith.constant 0 : i32
    %c0_i32_0 = arith.constant 0 : i32
    %c0_i32_1 = arith.constant 0 : i32
    return %c0_i32, %c0_i32_0 : i32, i32
  }
  func.func @transform_6(%arg0: i32) -> (i32, i32) {
    %c0_i32 = arith.constant 0 : i32
    %c0_i32_0 = arith.constant 0 : i32
    %c0_i32_1 = arith.constant 0 : i32
    return %c0_i32, %c0_i32_0 : i32, i32
  }
  func.func @transform_7(%arg0: i32) -> (i32, i32) {
    %c0_i32 = arith.constant 0 : i32
    %c0_i32_0 = arith.constant 0 : i32
    %c0_i32_1 = arith.constant 0 : i32
    return %c0_i32, %c0_i32_0 : i32, i32
  }
  func.func @transform_8(%arg0: i32) -> (i32, i32) {
    %c0_i32 = arith.constant 0 : i32
    %c0_i32_0 = arith.constant 0 : i32
    return %arg0, %c0_i32 : i32, i32
  }
  func.func @transform_9(%arg0: i32) -> (i32, i32) {
    %c0_i32 = arith.constant 0 : i32
    %c0_i32_0 = arith.constant 0 : i32
    %c0_i32_1 = arith.constant 0 : i32
    return %c0_i32, %c0_i32_0 : i32, i32
  }
}

module attributes {stable_mosaic.version = 14 : i64} {
  func.func @body(%arg0: i32, %arg1: i32, %arg2: memref<200x1024xf32, #tpu.memory_space<vmem>>, %arg3: memref<2x1024xf32, #tpu.memory_space<vmem>>, %arg4: memref<1x1024xf32, #tpu.memory_space<vmem>>, %arg5: memref<1x1024xf32, #tpu.memory_space<vmem>>, %arg6: memref<1024x32xf32, #tpu.memory_space<vmem>>, %arg7: memref<1x32xf32, #tpu.memory_space<vmem>>, %arg8: memref<1x32xf32, #tpu.memory_space<vmem>>, %arg9: memref<1x32xf32, #tpu.memory_space<vmem>>, %arg10: memref<32x1xf32, #tpu.memory_space<vmem>>, %arg11: memref<1x1xf32, #tpu.memory_space<vmem>>, %arg12: memref<200x1xf32, #tpu.memory_space<vmem>>, %arg13: memref<10000x32xf32, #tpu.memory_space<vmem>>, %arg14: memref<2x32xf32, #tpu.memory_space<vmem>>) attributes {dimension_semantics = [#tpu.dimension_semantics<arbitrary>, #tpu.dimension_semantics<arbitrary>], iteration_bounds = array<i64: 2, 50>, scalar_prefetch = 0 : i64, scratch_operands = 2 : i64, tpu.core_type = #tpu.core_type<tc>, window_params = [{transform_indices = @transform_0, window_bounds = array<i64: 200, 1024>}, {pipeline_mode = #tpu.pipeline_mode<synchronous>, transform_indices = @transform_1, window_bounds = array<i64: 2, 1024>}, {pipeline_mode = #tpu.pipeline_mode<synchronous>, transform_indices = @transform_2, window_bounds = array<i64: 1, 1024>}, {pipeline_mode = #tpu.pipeline_mode<synchronous>, transform_indices = @transform_3, window_bounds = array<i64: 1, 1024>}, {pipeline_mode = #tpu.pipeline_mode<synchronous>, transform_indices = @transform_4, window_bounds = array<i64: 1024, 32>}, {pipeline_mode = #tpu.pipeline_mode<synchronous>, transform_indices = @transform_5, window_bounds = array<i64: 1, 32>}, {pipeline_mode = #tpu.pipeline_mode<synchronous>, transform_indices = @transform_6, window_bounds = array<i64: 1, 32>}, {pipeline_mode = #tpu.pipeline_mode<synchronous>, transform_indices = @transform_7, window_bounds = array<i64: 1, 32>}, {pipeline_mode = #tpu.pipeline_mode<synchronous>, transform_indices = @transform_8, window_bounds = array<i64: 32, 1>}, {pipeline_mode = #tpu.pipeline_mode<synchronous>, transform_indices = @transform_9, window_bounds = array<i64: 1, 1>}, {transform_indices = @transform_10, window_bounds = array<i64: 200, 1>}]} {
    %eq3A = arith.constant 0 : i32
    %eq3A_0 = arith.cmpi eq, %arg0, %eq3A : i32
    %eq3A_1 = arith.constant 0 : i32
    %eq3A_2 = arith.cmpi eq, %arg1, %eq3A_1 : i32
    %and3A = arith.andi %eq3A_0, %eq3A_2 : i1
    %convert_element_type3A = arith.extui %and3A : i1 to i32
    %cond3A = arith.constant 0 : i32
    %cond3A_3 = arith.cmpi ne, %convert_element_type3A, %cond3A : i32
    scf.if %cond3A_3 {
      %broadcast_in_dim3A = arith.constant 0.000000e+00 : f32
      %broadcast_in_dim3A_14 = vector.broadcast %broadcast_in_dim3A : f32 to vector<2x32xf32>
      %swap3A = arith.constant 0 : index
      %swap3A_15 = arith.constant 0 : index
      %swap3A_16 = vector.load %arg14[%swap3A, %swap3A_15] : memref<2x32xf32, #tpu.memory_space<vmem>>, vector<2x32xf32>
      tpu.vector_store %arg14[%swap3A, %swap3A_15], %broadcast_in_dim3A_14 {strides = array<i32>} : memref<2x32xf32, #tpu.memory_space<vmem>>, vector<2x32xf32>,
    } else {
    }
    %eq3A_4 = arith.constant 0 : i32
    %eq3A_5 = arith.cmpi eq, %arg0, %eq3A_4 : i32
    %convert_element_type3A_6 = arith.extui %eq3A_5 : i1 to i32
    %cond3A_7 = arith.constant 0 : i32
    %cond3A_8 = arith.cmpi ne, %convert_element_type3A_6, %cond3A_7 : i32
    scf.if %cond3A_8 {
      %get3A = arith.constant 0 : index
      %get3A_14 = arith.constant 0 : index
      %get3A_15 = vector.load %arg3[%get3A, %get3A_14] : memref<2x1024xf32, #tpu.memory_space<vmem>>, vector<1x1024xf32>
      %mul3A = arith.constant 9.99999974E-5 : f32
      %mul3A_16 = vector.broadcast %mul3A : f32 to vector<1x1024xf32>
      %mul3A_17 = arith.mulf %get3A_15, %mul3A_16 : vector<1x1024xf32>
      %get3A_18 = arith.constant 1 : index
      %get3A_19 = arith.constant 0 : index
      %get3A_20 = vector.load %arg3[%get3A_18, %get3A_19] : memref<2x1024xf32, #tpu.memory_space<vmem>>, vector<1x1024xf32>
      %mul3A_21 = arith.constant 9.99999974E-5 : f32
      %mul3A_22 = vector.broadcast %mul3A_21 : f32 to vector<1x1024xf32>
      %mul3A_23 = arith.mulf %get3A_20, %mul3A_22 : vector<1x1024xf32>
      %mul3A_24 = arith.mulf %mul3A_17, %mul3A_17 : vector<1x1024xf32>
      %sub3A = arith.subf %mul3A_23, %mul3A_24 : vector<1x1024xf32>
      %get3A_25 = arith.constant 0 : index
      %get3A_26 = arith.constant 0 : index
      %get3A_27 = vector.load %arg2[%get3A_25, %get3A_26] : memref<200x1024xf32, #tpu.memory_space<vmem>>, vector<200x1024xf32>
      %sub3A_28 = vector.broadcast %mul3A_17 : vector<1x1024xf32> to vector<200x1024xf32>
      %sub3A_29 = arith.subf %get3A_27, %sub3A_28 : vector<200x1024xf32>
      %get3A_30 = arith.constant 0 : index
      %get3A_31 = arith.constant 0 : index
      %get3A_32 = vector.load %arg4[%get3A_30, %get3A_31] : memref<1x1024xf32, #tpu.memory_space<vmem>>, vector<1x1024xf32>
      %add3A = arith.constant 9.99999974E-6 : f32
      %add3A_33 = vector.broadcast %add3A : f32 to vector<1x1024xf32>
      %add3A_34 = arith.addf %sub3A, %add3A_33 : vector<1x1024xf32>
      %rsqrt3A = math.rsqrt %add3A_34 : vector<1x1024xf32>
      %mul3A_35 = arith.mulf %get3A_32, %rsqrt3A : vector<1x1024xf32>
      %mul3A_36 = vector.broadcast %mul3A_35 : vector<1x1024xf32> to vector<200x1024xf32>
      %mul3A_37 = arith.mulf %sub3A_29, %mul3A_36 : vector<200x1024xf32>
      %get3A_38 = arith.constant 0 : index
      %get3A_39 = arith.constant 0 : index
      %get3A_40 = vector.load %arg5[%get3A_38, %get3A_39] : memref<1x1024xf32, #tpu.memory_space<vmem>>, vector<1x1024xf32>
      %add3A_41 = vector.broadcast %get3A_40 : vector<1x1024xf32> to vector<200x1024xf32>
      %add3A_42 = arith.addf %mul3A_37, %add3A_41 : vector<200x1024xf32>
      %max3A = arith.constant 0.000000e+00 : f32
      %max3A_43 = vector.broadcast %max3A : f32 to vector<200x1024xf32>
      %max3A_44 = arith.maximumf %add3A_42, %max3A_43 : vector<200x1024xf32>
      %get3A_45 = arith.constant 0 : index
      %get3A_46 = arith.constant 0 : index
      %get3A_47 = vector.load %arg6[%get3A_45, %get3A_46] : memref<1024x32xf32, #tpu.memory_space<vmem>>, vector<1024x32xf32>
      %dot_general3A = arith.constant dense<0.000000e+00> : vector<200x32xf32>
      %dot_general3A_48 = tpu.matmul %max3A_44, %get3A_47, %dot_general3A {dimension_numbers = #tpu.dot_dimension_numbers<[1], [0], [0], [1], [0, 0, 1, 1], [], []>, transpose_lhs_hint = false} : vector<200x1024xf32>, vector<1024x32xf32>, vector<200x32xf32> -> vector<200x32xf32>
      %get3A_49 = arith.constant 0 : index
      %get3A_50 = arith.constant 0 : index
      %get3A_51 = vector.load %arg7[%get3A_49, %get3A_50] : memref<1x32xf32, #tpu.memory_space<vmem>>, vector<1x32xf32>
      %add3A_52 = vector.broadcast %get3A_51 : vector<1x32xf32> to vector<200x32xf32>
      %add3A_53 = arith.addf %dot_general3A_48, %add3A_52 : vector<200x32xf32>
      %mul3A_54 = arith.constant 200 : i32
      %mul3A_55 = arith.muli %arg1, %mul3A_54 : i32
      %swap3A = arith.index_cast %mul3A_55 : i32 to index
      %swap3A_56 = arith.constant 0 : index
      %swap3A_57 = vector.load %arg13[%swap3A, %swap3A_56] : memref<10000x32xf32, #tpu.memory_space<vmem>>, vector<200x32xf32>
      tpu.vector_store %arg13[%swap3A, %swap3A_56], %add3A_53 {strides = array<i32>} : memref<10000x32xf32, #tpu.memory_space<vmem>>, vector<200x32xf32>,
      %get3A_58 = arith.constant 0 : index
      %get3A_59 = arith.constant 0 : index
      %get3A_60 = vector.load %arg14[%get3A_58, %get3A_59] : memref<2x32xf32, #tpu.memory_space<vmem>>, vector<1x32xf32>
      %reduce_sum3A = arith.constant dense<0.000000e+00> : vector<32xf32>
      %reduce_sum3A_61 = vector.multi_reduction <add>, %add3A_53, %reduce_sum3A [0] : vector<200x32xf32> to vector<32xf32>
      %broadcast_in_dim3A = vector.shape_cast %reduce_sum3A_61 : vector<32xf32> to vector<1x32xf32>
      %add3A_62 = arith.addf %get3A_60, %broadcast_in_dim3A : vector<1x32xf32>
      %swap3A_63 = arith.constant 0 : index
      %swap3A_64 = arith.constant 0 : index
      %swap3A_65 = vector.load %arg14[%swap3A_63, %swap3A_64] : memref<2x32xf32, #tpu.memory_space<vmem>>, vector<1x32xf32>
      tpu.vector_store %arg14[%swap3A_63, %swap3A_64], %add3A_62 {strides = array<i32>} : memref<2x32xf32, #tpu.memory_space<vmem>>, vector<1x32xf32>,
      %get3A_66 = arith.constant 1 : index
      %get3A_67 = arith.constant 0 : index
      %get3A_68 = vector.load %arg14[%get3A_66, %get3A_67] : memref<2x32xf32, #tpu.memory_space<vmem>>, vector<1x32xf32>
      %mul3A_69 = arith.mulf %add3A_53, %add3A_53 : vector<200x32xf32>
      %reduce_sum3A_70 = arith.constant dense<0.000000e+00> : vector<32xf32>
      %reduce_sum3A_71 = vector.multi_reduction <add>, %mul3A_69, %reduce_sum3A_70 [0] : vector<200x32xf32> to vector<32xf32>
      %broadcast_in_dim3A_72 = vector.shape_cast %reduce_sum3A_71 : vector<32xf32> to vector<1x32xf32>
      %add3A_73 = arith.addf %get3A_68, %broadcast_in_dim3A_72 : vector<1x32xf32>
      %swap3A_74 = arith.constant 1 : index
      %swap3A_75 = arith.constant 0 : index
      %swap3A_76 = vector.load %arg14[%swap3A_74, %swap3A_75] : memref<2x32xf32, #tpu.memory_space<vmem>>, vector<1x32xf32>
      tpu.vector_store %arg14[%swap3A_74, %swap3A_75], %add3A_73 {strides = array<i32>} : memref<2x32xf32, #tpu.memory_space<vmem>>, vector<1x32xf32>,
    } else {
    }
    %eq3A_9 = arith.constant 1 : i32
    %eq3A_10 = arith.cmpi eq, %arg0, %eq3A_9 : i32
    %convert_element_type3A_11 = arith.extui %eq3A_10 : i1 to i32
    %cond3A_12 = arith.constant 0 : i32
    %cond3A_13 = arith.cmpi ne, %convert_element_type3A_11, %cond3A_12 : i32
    scf.if %cond3A_13 {
      %get3A = arith.constant 0 : index
      %get3A_14 = arith.constant 0 : index
      %get3A_15 = vector.load %arg14[%get3A, %get3A_14] : memref<2x32xf32, #tpu.memory_space<vmem>>, vector<1x32xf32>
      %mul3A = arith.constant 9.99999974E-5 : f32
      %mul3A_16 = vector.broadcast %mul3A : f32 to vector<1x32xf32>
      %mul3A_17 = arith.mulf %get3A_15, %mul3A_16 : vector<1x32xf32>
      %get3A_18 = arith.constant 1 : index
      %get3A_19 = arith.constant 0 : index
      %get3A_20 = vector.load %arg14[%get3A_18, %get3A_19] : memref<2x32xf32, #tpu.memory_space<vmem>>, vector<1x32xf32>
      %mul3A_21 = arith.constant 9.99999974E-5 : f32
      %mul3A_22 = vector.broadcast %mul3A_21 : f32 to vector<1x32xf32>
      %mul3A_23 = arith.mulf %get3A_20, %mul3A_22 : vector<1x32xf32>
      %mul3A_24 = arith.mulf %mul3A_17, %mul3A_17 : vector<1x32xf32>
      %sub3A = arith.subf %mul3A_23, %mul3A_24 : vector<1x32xf32>
      %mul3A_25 = arith.constant 200 : i32
      %mul3A_26 = arith.muli %arg1, %mul3A_25 : i32
      %get3A_27 = arith.index_cast %mul3A_26 : i32 to index
      %get3A_28 = arith.constant 0 : index
      %get3A_29 = vector.load %arg13[%get3A_27, %get3A_28] : memref<10000x32xf32, #tpu.memory_space<vmem>>, vector<200x32xf32>
      %sub3A_30 = vector.broadcast %mul3A_17 : vector<1x32xf32> to vector<200x32xf32>
      %sub3A_31 = arith.subf %get3A_29, %sub3A_30 : vector<200x32xf32>
      %get3A_32 = arith.constant 0 : index
      %get3A_33 = arith.constant 0 : index
      %get3A_34 = vector.load %arg8[%get3A_32, %get3A_33] : memref<1x32xf32, #tpu.memory_space<vmem>>, vector<1x32xf32>
      %add3A = arith.constant 9.99999974E-6 : f32
      %add3A_35 = vector.broadcast %add3A : f32 to vector<1x32xf32>
      %add3A_36 = arith.addf %sub3A, %add3A_35 : vector<1x32xf32>
      %rsqrt3A = math.rsqrt %add3A_36 : vector<1x32xf32>
      %mul3A_37 = arith.mulf %get3A_34, %rsqrt3A : vector<1x32xf32>
      %mul3A_38 = vector.broadcast %mul3A_37 : vector<1x32xf32> to vector<200x32xf32>
      %mul3A_39 = arith.mulf %sub3A_31, %mul3A_38 : vector<200x32xf32>
      %get3A_40 = arith.constant 0 : index
      %get3A_41 = arith.constant 0 : index
      %get3A_42 = vector.load %arg9[%get3A_40, %get3A_41] : memref<1x32xf32, #tpu.memory_space<vmem>>, vector<1x32xf32>
      %add3A_43 = vector.broadcast %get3A_42 : vector<1x32xf32> to vector<200x32xf32>
      %add3A_44 = arith.addf %mul3A_39, %add3A_43 : vector<200x32xf32>
      %max3A = arith.constant 0.000000e+00 : f32
      %max3A_45 = vector.broadcast %max3A : f32 to vector<200x32xf32>
      %max3A_46 = arith.maximumf %add3A_44, %max3A_45 : vector<200x32xf32>
      %get3A_47 = arith.constant 0 : index
      %get3A_48 = arith.constant 0 : index
      %get3A_49 = vector.load %arg10[%get3A_47, %get3A_48] : memref<32x1xf32, #tpu.memory_space<vmem>>, vector<32x1xf32>
      %dot_general3A = arith.constant dense<0.000000e+00> : vector<200x1xf32>
      %dot_general3A_50 = tpu.matmul %max3A_46, %get3A_49, %dot_general3A {dimension_numbers = #tpu.dot_dimension_numbers<[1], [0], [0], [1], [0, 0, 1, 1], [], []>, transpose_lhs_hint = false} : vector<200x32xf32>, vector<32x1xf32>, vector<200x1xf32> -> vector<200x1xf32>
      %get3A_51 = arith.constant 0 : index
      %get3A_52 = arith.constant 0 : index
      %get3A_53 = vector.load %arg11[%get3A_51, %get3A_52] : memref<1x1xf32, #tpu.memory_space<vmem>>, vector<1x1xf32>
      %add3A_54 = vector.broadcast %get3A_53 : vector<1x1xf32> to vector<200x1xf32>
      %add3A_55 = arith.addf %dot_general3A_50, %add3A_54 : vector<200x1xf32>
      %swap3A = arith.constant 0 : index
      %swap3A_56 = arith.constant 0 : index
      %swap3A_57 = vector.load %arg12[%swap3A, %swap3A_56] : memref<200x1xf32, #tpu.memory_space<vmem>>, vector<200x1xf32>
      tpu.vector_store %arg12[%swap3A, %swap3A_56], %add3A_55 {strides = array<i32>} : memref<200x1xf32, #tpu.memory_space<vmem>>, vector<200x1xf32>,
    } else {
    }
    return
  }
  func.func @transform_0(%arg0: i32, %arg1: i32) -> (i32, i32) {
    %eq3A = arith.constant 0 : i32
    %eq3A_0 = arith.cmpi eq, %arg0, %eq3A : i32
    %jit3A = arith.constant 0 : i32
    %select_n3A = arith.select %eq3A_0, %arg1, %jit3A : i32
    %c0_i32 = arith.constant 0 : i32
    %c0_i32_1 = arith.constant 0 : i32
    return %select_n3A, %c0_i32 : i32, i32
  }
  func.func @transform_1(%arg0: i32, %arg1: i32) -> (i32, i32) {
    %c0_i32 = arith.constant 0 : i32
    %c0_i32_0 = arith.constant 0 : i32
    %c0_i32_1 = arith.constant 0 : i32
    return %c0_i32, %c0_i32_0 : i32, i32
  }
  func.func @transform_2(%arg0: i32, %arg1: i32) -> (i32, i32) {
    %c0_i32 = arith.constant 0 : i32
    %c0_i32_0 = arith.constant 0 : i32
    %c0_i32_1 = arith.constant 0 : i32
    return %c0_i32, %c0_i32_0 : i32, i32
  }
  func.func @transform_3(%arg0: i32, %arg1: i32) -> (i32, i32) {
    %c0_i32 = arith.constant 0 : i32
    %c0_i32_0 = arith.constant 0 : i32
    %c0_i32_1 = arith.constant 0 : i32
    return %c0_i32, %c0_i32_0 : i32, i32
  }
  func.func @transform_4(%arg0: i32, %arg1: i32) -> (i32, i32) {
    %c0_i32 = arith.constant 0 : i32
    %c0_i32_0 = arith.constant 0 : i32
    %c0_i32_1 = arith.constant 0 : i32
    return %c0_i32, %c0_i32_0 : i32, i32
  }
  func.func @transform_5(%arg0: i32, %arg1: i32) -> (i32, i32) {
    %c0_i32 = arith.constant 0 : i32
    %c0_i32_0 = arith.constant 0 : i32
    %c0_i32_1 = arith.constant 0 : i32
    return %c0_i32, %c0_i32_0 : i32, i32
  }
  func.func @transform_6(%arg0: i32, %arg1: i32) -> (i32, i32) {
    %c0_i32 = arith.constant 0 : i32
    %c0_i32_0 = arith.constant 0 : i32
    %c0_i32_1 = arith.constant 0 : i32
    return %c0_i32, %c0_i32_0 : i32, i32
  }
  func.func @transform_7(%arg0: i32, %arg1: i32) -> (i32, i32) {
    %c0_i32 = arith.constant 0 : i32
    %c0_i32_0 = arith.constant 0 : i32
    %c0_i32_1 = arith.constant 0 : i32
    return %c0_i32, %c0_i32_0 : i32, i32
  }
  func.func @transform_8(%arg0: i32, %arg1: i32) -> (i32, i32) {
    %c0_i32 = arith.constant 0 : i32
    %c0_i32_0 = arith.constant 0 : i32
    %c0_i32_1 = arith.constant 0 : i32
    return %c0_i32, %c0_i32_0 : i32, i32
  }
  func.func @transform_9(%arg0: i32, %arg1: i32) -> (i32, i32) {
    %c0_i32 = arith.constant 0 : i32
    %c0_i32_0 = arith.constant 0 : i32
    %c0_i32_1 = arith.constant 0 : i32
    return %c0_i32, %c0_i32_0 : i32, i32
  }
  func.func @transform_10(%arg0: i32, %arg1: i32) -> (i32, i32) {
    %c0_i32 = arith.constant 0 : i32
    %c0_i32_0 = arith.constant 0 : i32
    return %arg1, %c0_i32 : i32, i32
  }
}

</mosaic_0001>

<sc_bundles>
// kernel: kernel.12.cloned.1.call-start
scs
__scs_entry_jumppad:
0x0: {  	(pc) =	sbr.rel $0x88, $3  }
0x1: {  	(tag) =	ssettag $0x0;
	lr =	simm.s32 $0x1  }
0x2: {  	[smem:$0x3F87] =	sst lr;
	_ =	strace $0xD0000000  }
0x3: {  	_ = 	snop  }
0x4: {  	_ = 	snop  }
0x5: {  	_ = 	snop  }
0x6: {  	_ = 	snop  }
0x7: {  	_ = 	snop  }
__scs_overlays_trampoline_lowered:
0x8: {  	[smem:$0x3F96] =	sst s0  }
0x9: {  	[smem:$0x3F97] =	sst s1  }
0xa: {  	[smem:$0x3F98] =	sst s2  }
0xb: {  	[smem:$0x3F99] =	sst s3  }
0xc: {  	[smem:$0x3F9A] =	sst s4  }
0xd: {  	[smem:$0x3F9B] =	sst s5  }
0xe: {  	[smem:$0x3F9C] =	sst s6  }
0xf: {  	[smem:$0x3F9D] =	sst s7  }
0x10: {  	[smem:$0x3F9E] =	sst s8  }
0x11: {  	[smem:$0x3F9F] =	sst s9;
	s0 =	simm.s32 @!p0 $0x0  }
0x12: {  	s1 =	sld [smem:$0x3F85];
	s0 =	simm.s32 @p0 $0x1  }
0x13: {  	[smem:$0x3FA0] =	sst s0;
	s0 =	simm.s32 @!p1 $0x0  }
0x14: {  	s2 =	sld [smem:$0x3F84];
	s0 =	simm.s32 @p1 $0x1  }
0x15: {  	[smem:$0x3FA1] =	sst s0;
	s0 =	simm.s32 @!p2 $0x0  }
0x16: {  	s3 =	sld [smem:$0x3FDB];
	s0 =	simm.s32 @p2 $0x1  }
0x17: {  	s4 =	simm.s32 $0x1BF5;
	[smem:$0x3FA3] =	sst s0  }
0x18: {  	s0 =	sld [smem:$0x3F86];
	_ =	swait.ge [sflag:s4], $0x0  }
0x19: {  	s7 =	sld [smem:$0x3F87]  }
0x1a: {  	s8 =	sadd.s32 $0xFFFFE003, lr  }
0x1b: {  	s9 =	sadd.s32 $0xFFFFFEF7, lr;
	s5 =	simm.s32 $0xFFFFFFFF;
	p2 =	slt.u32 s8, $0xFFFFF086  }
0x1c: {  	p1 =	slt.u32 s9, $0xF7A;
	s5 =	simm.s32 @!p2 $0x0  }
0x1d: {  	s5 =	simm.s32 @p1 $0x1;
	p0 =	seq.s32 s7, s2  }
0x1e: {  	s7 =	smul.u32 @!p0 $0xF7A, s2;
	p2 =	seq.s32 @!p0 s5, $0x0  }
0x1f: {  	s9 =	smul.u32 $0xF7A, s1;
	s8 =	simm.s32 @!p0 $0x1BF5;
	p2 =	por !p2, p0  }
0x20: {  	[sflag:s8] =	ssyncset.s32 @!p0 $0xFFFFF086;
	s6 =	sadd.s32 @!p0 s3, s7;
	s7 =	simm.s32 @!p0 $0x108  }
0x21: {  	s3 =	sadd.s32 s3, s9;
	s6 =	sadd.s32 @!p0 $0x88, s6;
	s7 =	simm.s32 @p2 $0x1082  }
0x22: {  	[simem:s7], [sflag:s8] =	dma.local @!p0 [hbm:s6], $0xF7A  }
0x23: {  	s9 =	sor.u32 $0xD0000000, s2;
	s6 =	simm.s32 $0x108;
	_ =	swait.ge @!p0 [sflag:s8], $0x0  }
0x24: {  	s3 =	sadd.s32 $0x88, s3;
	s6 =	simm.s32 @!p1 $0x1082;
	[sflag:s4] =	ssyncset.s32 $0xFFFFF086  }
0x25: {  	[simem:s6], [sflag:s4] =	dma.local [hbm:s3], $0xF7A  }
0x26: {  	[smem:$0x3F87] =	sst s1;
	(tag) =	ssettag s2;
	_ =	strace s9  }
0x27: {  	s1 =	sld [smem:$0x3F97]  }
0x28: {  	s2 =	sld [smem:$0x3F98]  }
0x29: {  	s4 =	sld [smem:$0x3F9A]  }
0x2a: {  	p0 =	seq.s32 s5, $0x0;
	s5 =	sld [smem:$0x3F9B]  }
0x2b: {  	s6 =	sld [smem:$0x3F9C]  }
0x2c: {  	s7 =	sld [smem:$0x3F9D]  }
0x2d: {  	s3 =	simm.s32 $0x108;
	s8 =	sld [smem:$0x3F9E]  }
0x2e: {  	s3 =	simm.s32 @!p0 $0x1082;
	s9 =	sld [smem:$0x3F9F]  }
0x2f: {  	lr =	sadd.s32 s0, s3;
	s0 =	sld [smem:$0x3F96]  }
0x30: {  	s3 =	sld [smem:$0x3F99]  }
0x31: {  	[smem:$0x3FA2] =	sst s10  }
0x32: {  	s10 =	sld [smem:$0x3FA0];
	_ =	sdelay $0x3  }
0x33: {  	p0 =	seq.s32 s10, $0x1;
	s10 =	sld [smem:$0x3FA2];
	_ =	sdelay $0x3  }
0x34: {  	[smem:$0x3FA2] =	sst s10  }
0x35: {  	s10 =	sld [smem:$0x3FA1];
	_ =	sdelay $0x3  }
0x36: {  	p1 =	seq.s32 s10, $0x1;
	s10 =	sld [smem:$0x3FA2];
	_ =	sdelay $0x3  }
0x37: {  	[smem:$0x3FA2] =	sst s10  }
0x38: {  	s10 =	sld [smem:$0x3FA3]  }
0x39: {  	_ = 	snop;
	(pc) =	sbr.ind lr, $3  }
0x3a: {  	_ = 	snop  }
0x3b: {  	_ = 	snop  }
0x3c: {  	p2 =	seq.s32 s10, $0x1;
	s10 =	sld [smem:$0x3FA2]  }
0x3d: {  	_ =	shalt  }
0x3e: {  	_ =	shalt  }
0x3f: {  	_ =	shalt  }
0x40: {  	_ =	shalt  }
0x41: {  	_ =	shalt  }
0x42: {  	_ =	shalt  }
0x43: {  	_ =	shalt  }
0x44: {  	_ =	shalt  }
0x45: {  	_ =	shalt  }
0x46: {  	_ =	shalt  }
0x47: {  	_ =	shalt  }
0x48: {  	_ =	shalt  }
0x49: {  	_ =	shalt  }
0x4a: {  	_ =	shalt  }
0x4b: {  	_ =	shalt  }
0x4c: {  	_ =	shalt  }
0x4d: {  	_ =	shalt  }
0x4e: {  	_ =	shalt  }
0x4f: {  	_ =	shalt  }
0x50: {  	_ =	shalt  }
0x51: {  	_ =	shalt  }
0x52: {  	_ =	shalt  }
0x53: {  	_ =	shalt  }
0x54: {  	_ =	shalt  }
0x55: {  	_ =	shalt  }
0x56: {  	_ =	shalt  }
0x57: {  	_ =	shalt  }
0x58: {  	_ =	shalt  }
0x59: {  	_ =	shalt  }
0x5a: {  	_ =	shalt  }
0x5b: {  	_ =	shalt  }
0x5c: {  	_ =	shalt  }
0x5d: {  	_ =	shalt  }
0x5e: {  	_ =	shalt  }
0x5f: {  	_ =	shalt  }
0x60: {  	_ =	shalt  }
0x61: {  	_ =	shalt  }
0x62: {  	_ =	shalt  }
0x63: {  	_ =	shalt  }
0x64: {  	_ =	shalt  }
0x65: {  	_ =	shalt  }
0x66: {  	_ =	shalt  }
0x67: {  	_ =	shalt  }
0x68: {  	_ =	shalt  }
0x69: {  	_ =	shalt  }
0x6a: {  	_ =	shalt  }
0x6b: {  	_ =	shalt  }
0x6c: {  	_ =	shalt  }
0x6d: {  	_ =	shalt  }
0x6e: {  	_ =	shalt  }
0x6f: {  	_ =	shalt  }
0x70: {  	_ =	shalt  }
0x71: {  	_ =	shalt  }
0x72: {  	_ =	shalt  }
0x73: {  	_ =	shalt  }
0x74: {  	_ =	shalt  }
0x75: {  	_ =	shalt  }
0x76: {  	_ =	shalt  }
0x77: {  	_ =	shalt  }
0x78: {  	_ =	shalt  }
0x79: {  	_ =	shalt  }
0x7a: {  	_ =	shalt  }
0x7b: {  	_ =	shalt  }
0x7c: {  	_ =	shalt  }
0x7d: {  	_ =	shalt  }
0x7e: {  	_ =	shalt  }
0x7f: {  	_ =	shalt  }
0x80: {  	_ =	shalt  }
0x81: {  	_ =	shalt  }
0x82: {  	_ =	shalt  }
0x83: {  	_ =	shalt  }
0x84: {  	_ =	shalt  }
0x85: {  	_ =	shalt  }
0x86: {  	_ =	shalt  }
0x87: {  	_ =	shalt  }
.Lfunc_end0:
.L_simem_size_0:
called_computation.1_lowered:
.L_overlay_start_0:
0x88: {  	s2 =	sld [smem:$0x3FD9]  }
0x89: {  	s3 =	sld [smem:$0x3FFE];
	_ =	sdelay $0x1  }
0x8a: {  	s1 =	srdreg.scid  }
0x8b: {  	s0 =	sand.u32 $0x1, s1  }
0x8c: {  	s17 =	sshll.u32 s0, $0xA;
	s2 =	sadd.s32 s3, s2  }
0x8d: {  	s2 =	sadd.s32 s2, s17  }
0x8e: {  	[smem:$0x3FAE] =	sst s2  }
0x8f: {  	_ = 	snop  }
0x90: {  	(tm) =	ssettm $0x1  }
0x91: {  	s18 =	sld [smem:$0x3FFB];
	_ =	sdelay $0x3  }
0x92: {  	_ =	strace s18  }
0x93: {  	s2 =	sld [smem:$0x3FFC];
	_ =	sdelay $0x3  }
0x94: {  	_ =	strace s2  }
0x95: {  	s2 =	sld [smem:$0x3FFD];
	_ =	sdelay $0x3  }
0x96: {  	_ =	strace s2  }
0x97: {  	_ =	strace $0x8FFFFFFF  }
0x98: {  	s19 =	sld [smem:$0x3FDB];
	_ =	sdelay $0x1  }
0x99: {  	s20 =	simm.s32 $_scs_section_size  }
0x9a: {  	s4 =	simm.s32 $_size__tile_overlayer_lowered;
	s5 =	simm.s32 $_tile_overlayer_lowered  }
0x9b: {  	s6 =	simm.s32 $0x1BFF;
	s21 =	sshll.u32 s5, $0x1;
	s3 =	sadd.s32 s20, s19  }
0x9c: {  	s22 =	simm.s32 $0x0;
	s4 =	sshll.u32 s4, $0x1;
	s5 =	sadd.s32 s21, s3  }
0x9d: {  	[timem:s22], [sflag:s6] =	dma.local [hbm:s5], s4  }
0x9e: {  	_ =	swait.ge [sflag:s6], s4  }
0x9f: {  	s4 =	ssub.s32 $0x0, s4;
	[sflag:s6] =	ssyncset.done $0x0  }
0xa0: {  	[sflag:s6] =	ssyncadd.s32 s4;
	_ =	sdelay $0x1  }
0xa1: {  	s23 =	simm.s32 $0x1B8B  }
0xa2: {  	_ =	swait.ge [sflag:s23], $0x1  }
0xa3: {  	[sflag:s23] =	ssyncset.done $0x0  }
0xa4: {  	[sflag:s23] =	ssyncadd.s32 $0xFFFFFFFF  }
0xa5: {  	s4 =	sld [smem:$0x0]  }
0xa6: {  	s5 =	sand.u32 $0xFFFFFFFE, s1  }
0xa7: {  	p0 =	sne.s32 s1, s5  }
0xa8: {  	s5 =	sshll.u32 @p0 s5, $0xE  }
0xa9: {  	s5 =	sadd.s32 @p0 $0x11B8D, s5;
	s6 =	sshll.u32 @p0 s4, $0x11  }
0xaa: {  	s5 =	sor.u32 @p0 s6, s5  }
0xab: {  	[sflag:s5] =	ssyncadd.remote.s32 @p0 $0x1;
	_ =	sdelay $0x1  }
0xac: {  	s5 =	simm.s32 @p0 $0x1B8D  }
0xad: {  	_ =	swait.eq @p0 [sflag:s5], $0x1  }
0xae: {  	[sflag:s5] =	ssyncadd.s32 @p0 $0xFFFFFFFF  }
0xaf: {  	s6 =	sshll.u32 @!p0 s1, $0xE  }
0xb0: {  	s6 =	sor.u32 @!p0 $0x4000, s6;
	s5 =	simm.s32 @!p0 $0x1B8D  }
0xb1: {  	s4 =	sshll.u32 @!p0 s4, $0x11;
	s6 =	sadd.s32 @!p0 $0x11B8D, s6;
	_ =	swait.eq @!p0 [sflag:s5], $0x1  }
0xb2: {  	s4 =	sor.u32 @!p0 s4, s6;
	[sflag:s5] =	ssyncadd.s32 @!p0 $0xFFFFFFFF  }
0xb3: {  	s25 =	simm.s32 $0x1B8E;
	s24 =	sld [smem:$0x3FFE];
	[sflag:s4] =	ssyncadd.remote.s32 @!p0 $0x1  }
0xb4: {  	s26 =	simm.s32 $execute0_lowered;
	[smem:$0x3FD2] =	sst s25  }
0xb5: {  	s5 =	sshll.u32 s26, $0x1;
	_ =	strace $0x80000049;
	[dreg:$0x1] =	wrdreg $0xFFFFFFFF  }
0xb6: {  	s28 =	simm.s32 $_size_execute0_lowered;
	s3 =	sadd.s32 s3, s5;
	[dreg:$0x0] =	wrdreg $0x0  }
0xb7: {  	s5 =	sshll.u32 s28, $0x1;
	[dreg:$0x2] =	wrdreg s3  }
0xb8: {  	[dreg:$0x3] =	wrdreg s5  }
0xb9: {  	[dreg:$0x4] =	wrdreg $0xC0  }
0xba: {  	_ =	task [dreg:s22], $0x5FFFF  }
0xbb: {  	[dreg:$0x1] =	wrdreg $0xFFFFFFFF  }
0xbc: {  	[dreg:$0x0] =	wrdreg $0x60  }
0xbd: {  	[dreg:$0x2] =	wrdreg s24  }
0xbe: {  	[dreg:$0x3] =	wrdreg $0xBF000  }
0xbf: {  	[dreg:$0x4] =	wrdreg $0x70000  }
0xc0: {  	[dreg:$0x5] =	wrdreg $0xA  }
0xc1: {  	_ =	task.clear_ibuf [dreg:s22], $0x6FFFF;
	_ =	strace $0x90000049  }
0xc2: {  	s29 =	simm.s32 $0xA;
	_ =	strace $0x8000004B  }
0xc3: {  	_ =	swait.ge [sflag:s29], $0x1  }
0xc4: {  	[sflag:s29] =	ssyncadd.s32 $0xFFFFFFFF  }
0xc5: {  	_ =	strace $0x9000004B  }
0xc6: {  	_ =	sfence  }
0xc7: {  	s30 =	sld [smem:$0x0];
	_ =	sdelay $0x2  }
0xc8: {  	s31 =	sshll.u32 s1, $0xD;
	s1 =	sshrl.u32 s1, $0x2  }
0xc9: {  	s4 =	sand.u32 $0x4000, s31;
	s1 =	sadd.s32 s1, s30  }
0xca: {  	s0 =	sor.u32 s4, s0;
	s1 =	sshll.u32 s1, $0x11  }
0xcb: {  	s0 =	sor.u32 s1, s0  }
0xcc: {  	s0 =	sadd.s32 $0x8F2B, s0  }
0xcd: {  	[sflag:s0] =	ssyncadd.remote.s32 $0x1  }
0xce: {  	_ =	sfence.sel $0xFFFF  }
0xcf: {  	[dreg:$0x0] =	wrdreg $0xFFFFFFFF;
	(pc) =	sbr.abs _section_cstart, $3  }
0xd0: {  	[dreg:$0x1] =	wrdreg $0xFFFFFFFF  }
0xd1: {  	_ =	task.clear_ibuf [dreg:s22], $0x2FFFF;
	_ =	strace $0x9FFFFFFF  }
0xd2: {  	(tm) =	ssettm $0x7FFFFFFF  }
0xd3: {  	_ =	shalt  }
tec
execute0_lowered:
.L_overlay_start_1:
0x0: {  	(tag) =	ssettag $0x1  }
0x1: {  	s6 =	rddreg [dreg:$0x0]  }
0x2: {  	s2 =	rddreg [dreg:$0x1]  }
0x3: {  	s0 =	srdreg.scid;
	s3 =	rddreg [dreg:$0x2];
	s4 =	simm.s32 $0x0  }
0x4: {  	s16 =	simm.s32 $0x80;
	s17 =	simm.s32 $0x5000;
	s18 =	simm.s32 $0x6000  }
0x5: {  	s19 =	simm.s32 $0x1;
	s20 =	simm.s32 $0x2;
	s21 =	simm.s32 $0x2780  }
0x6: {  	s22 =	simm.s32 $0x4F00;
	s5 =	sand.u32 $0x1, s0;
	s0 =	stileid.u32  }
0x7: {  	s23 =	simm.s32 $0x4F80;
	s24 =	simm.s32 $0x0;
	s7 =	smul.u32 $0x4E20, s0  }
0x8: {  	[smem:$0x7FF] =	sst s4;
	s1 =	sshll.u32 s5, $0x4;
	s9 =	smul.u32 $0x4F00, s0  }
0x9: {  	s10 =	smul.u32 $0x4F000, s5;
	s5 =	ssub.s32 $0x2, s5;
	s1 =	sor.u32 s0, s1  }
0xa: {  	s31 =	sshll.u32 s0, $0x6;
	s30 =	sshrl.u32 s5, $0x1;
	s8 =	smul.u32 $0x500, s1  }
0xb: {  	s1 =	rddreg [dreg:$0x3];
	_ =	strace $0x8000004A;
	s11 =	sshrl.u32 s7, $0x3  }
0xc: {  	s10 =	sadd.s32 s9, s10;
	s12 =	sshrl.u32 s9, $0x3;
	s13 =	ssub.s32 s5, s30  }
0xd: {  	s14 =	sadd.s32 s7, s2;
	s15 =	sadd.s32 s9, s3;
	s11 =	sadd.s32 s11, s6  }
0xe: {  	s10 =	sshrl.u32 s10, $0x3;
	s12 =	sadd.s32 s12, s6;
	s14 =	sshrl.u32 s14, $0x3  }
0xf: {  	s15 =	sshrl.u32 s15, $0x3;
	s8 =	sadd.s32 s8, s6;
	s10 =	sadd.s32 s10, s6  }
0x10: {  	s7 =	sadd.s32 $0x7FC00, s11;
	s11 =	simm.s32 $0x3;
	s5 =	sadd.s32 $0x2BA00, s8  }
0x11: {  	s6 =	sadd.s32 $0x21A00, s8;
	s8 =	sadd.s32 $0x89A00, s12;
	s9 =	sadd.s32 $0x93800, s10  }
0x12: {  	s10 =	smax.u32 s13, $0x1;
	s12 =	simm.s32 $0x2800;
	s13 =	sor.u32 $0x1C03, s31  }
.LBB2_1:
0x13: {  	[tilespmem:s4], [sflag:$0x3] =	stream.linear.gather [hbm4b:s5+s4], $0x2800, $0x38;
	[tilespmem:$0x10D20] =	vst v63  }
0x14: {  	_ =	swait.ge [sflag:s11], $0x2800  }
0x15: {  	[sflag:s11] =	ssyncset.done $0x0  }
0x16: {  	[sflag:s11] =	ssyncadd.s32 $0xFFFFD800  }
0x17: {  	[tilespmem:s12], [sflag:$0x3] =	stream.linear.gather [hbm4b:s6+s4], $0x2800, $0x38;
	[tilespmem:$0x10D20] =	vst v63  }
0x18: {  	_ =	swait.ge [sflag:s11], $0x2800  }
0x19: {  	[sflag:s11] =	ssyncset.done $0x0  }
0x1a: {  	[sflag:s11] =	ssyncadd.s32 $0xFFFFD800  }
0x1b: {  	[spmem:s14], [sflag:s13] =	dma.local [hbm:s7], $0x9C4  }
0x1c: {  	_ =	swait.ge [sflag:s11], $0x9C4  }
0x1d: {  	[sflag:s11] =	ssyncset.done $0x0  }
0x1e: {  	[sflag:s11] =	ssyncadd.s32 $0xFFFFF63C  }
0x1f: {  	[spmem:s15], [sflag:s13] =	dma.local [hbm:s8], $0x9E0  }
0x20: {  	_ =	swait.ge [sflag:s11], $0x9E0  }
0x21: {  	[sflag:s11] =	ssyncset.done $0x0  }
0x22: {  	[sflag:s11] =	ssyncadd.s32 $0xFFFFF620  }
0x23: {  	[bflag:$0x0] =	sbarrier.arrive $0xFFFF  }
0x24: {  	[tilespmem:s17], [sflag:$0x1] =	stream.indirect.gather [spmem:s2], $0x20, s4, s16, $0xb8;
	[tilespmem:$0x10D20] =	vst v63  }
0x25: {  	s25 =	simm.s32 $0x80  }
0x26: {  	[tilespmem:s18], [sflag:$0x2] =	stream.indirect.gather [spmem:s2], $0x20, s25, s16, $0xb8;
	[tilespmem:$0x10D20] =	vst v63  }
0x27: {  	_ =	swait.ge [sflag:s19], $0x1000  }
0x28: {  	[sflag:s19] =	ssyncset.done $0x0  }
0x29: {  	s29 =	simm.s32 $0x2800;
	[sflag:s19] =	ssyncadd.s32 $0xFFFFF000  }
0x2a: {  	[spmem:s3] =	stream.indirect.scatter.add.f32 [tilespmem:s17], [sflag:$0x3], $0x20, s29, s16, $0xb8;
	[tilespmem:$0x10D20] =	vst v63  }
0x2b: {  	_ =	swait.ge [sflag:s11], $0x1000  }
0x2c: {  	[sflag:s11] =	ssyncset.done $0x0  }
0x2d: {  	s30 =	simm.s32 $0x100;
	[sflag:s11] =	ssyncadd.s32 $0xFFFFF000  }
0x2e: {  	[tilespmem:s17], [sflag:$0x1] =	stream.indirect.gather [spmem:s2], $0x20, s30, s16, $0xb8;
	[tilespmem:$0x10D20] =	vst v63  }
0x2f: {  	_ =	swait.ge [sflag:s20], $0x1000  }
0x30: {  	[sflag:s20] =	ssyncset.done $0x0  }
0x31: {  	s31 =	simm.s32 $0x2880;
	[sflag:s20] =	ssyncadd.s32 $0xFFFFF000  }
0x32: {  	[spmem:s3] =	stream.indirect.scatter.add.f32 [tilespmem:s18], [sflag:$0x3], $0x20, s31, s16, $0xb8;
	[tilespmem:$0x10D20] =	vst v63  }
0x33: {  	_ =	swait.ge [sflag:s11], $0x1000  }
0x34: {  	s26 =	simm.s32 $0x800;
	s25 =	simm.s32 $0x100;
	[sflag:s11] =	ssyncset.done $0x0  }
.LBB2_2:
0x35: {  	s28 =	sadd.s32 $0x80, s25  }
0x36: {  	[sflag:s11] =	ssyncadd.s32 $0xFFFFF000;
	s29 =	smov.u32 s26;
	s30 =	sadd.s32 $0x400, s26  }
0x37: {  	[tilespmem:s18], [sflag:$0x2] =	stream.indirect.gather [spmem:s2], $0x20, s28, s16, $0xb8;
	[tilespmem:$0x10D20] =	vst v63  }
0x38: {  	p0 =	sne.s32 s26, $0x9800;
	_ =	swait.ge [sflag:s19], $0x1000  }
0x39: {  	[sflag:s19] =	ssyncset.done $0x0  }
0x3a: {  	s26 =	sadd.s32 $0x2800, s25;
	[sflag:s19] =	ssyncadd.s32 $0xFFFFF000  }
0x3b: {  	[spmem:s3] =	stream.indirect.scatter.add.f32 [tilespmem:s17], [sflag:$0x3], $0x20, s26, s16, $0xb8;
	[tilespmem:$0x10D20] =	vst v63  }
0x3c: {  	_ =	swait.ge [sflag:s11], $0x1000  }
0x3d: {  	[sflag:s11] =	ssyncset.done $0x0  }
0x3e: {  	s26 =	sadd.s32 $0x100, s25;
	[sflag:s11] =	ssyncadd.s32 $0xFFFFF000  }
0x3f: {  	[tilespmem:s17], [sflag:$0x1] =	stream.indirect.gather [spmem:s2], $0x20, s26, s16, $0xb8;
	[tilespmem:$0x10D20] =	vst v63  }
0x40: {  	_ =	swait.ge [sflag:s20], $0x1000  }
.Ltmp0:
0x41: {  	[sflag:s20] =	ssyncset.done $0x0;
	(pc) =	sbr.rel @p0 .LBB2_2-.Ltmp0, $4  }
0x42: {  	s25 =	sadd.s32 $0x2880, s25;
	[sflag:s20] =	ssyncadd.s32 $0xFFFFF000  }
0x43: {  	[spmem:s3] =	stream.indirect.scatter.add.f32 [tilespmem:s18], [sflag:$0x3], $0x20, s25, s16, $0xb8;
	[tilespmem:$0x10D20] =	vst v63  }
0x44: {  	_ =	swait.ge [sflag:s11], $0x1000  }
0x45: {  	s26 =	smov.u32 s30;
	s25 =	sshra.s32 s29, $0x2;
	[sflag:s11] =	ssyncset.done $0x0  }
0x46: {  	s26 =	sadd.s32 $0x80, s25;
	[sflag:s11] =	ssyncadd.s32 $0xFFFFF000  }
0x47: {  	[tilespmem:s18], [sflag:$0x2] =	stream.indirect.gather [spmem:s2], $0x20, s26, s16, $0xb8;
	[tilespmem:$0x10D20] =	vst v63  }
0x48: {  	_ =	swait.ge [sflag:s19], $0x1000  }
0x49: {  	[sflag:s19] =	ssyncset.done $0x0  }
0x4a: {  	s29 =	sadd.s32 $0x2800, s25;
	[sflag:s19] =	ssyncadd.s32 $0xFFFFF000  }
0x4b: {  	[spmem:s3] =	stream.indirect.scatter.add.f32 [tilespmem:s17], [sflag:$0x3], $0x20, s29, s16, $0xb8;
	[tilespmem:$0x10D20] =	vst v63  }
0x4c: {  	_ =	swait.ge [sflag:s11], $0x1000  }
0x4d: {  	[sflag:s11] =	ssyncset.done $0x0  }
0x4e: {  	s30 =	sadd.s32 $0x100, s25;
	[sflag:s11] =	ssyncadd.s32 $0xFFFFF000  }
0x4f: {  	[tilespmem:s17], [sflag:$0x1] =	stream.indirect.gather [spmem:s2], $0x20, s30, s16, $0xb8;
	[tilespmem:$0x10D20] =	vst v63  }
0x50: {  	_ =	swait.ge [sflag:s20], $0x1000  }
0x51: {  	[sflag:s20] =	ssyncset.done $0x0  }
0x52: {  	s31 =	sadd.s32 $0x2880, s25;
	[sflag:s20] =	ssyncadd.s32 $0xFFFFF000  }
0x53: {  	[spmem:s3] =	stream.indirect.scatter.add.f32 [tilespmem:s18], [sflag:$0x3], $0x20, s31, s16, $0xb8;
	[tilespmem:$0x10D20] =	vst v63  }
0x54: {  	_ =	swait.ge [sflag:s11], $0x1000  }
0x55: {  	[sflag:s11] =	ssyncset.done $0x0  }
0x56: {  	[sflag:s11] =	ssyncadd.s32 $0xFFFFF000  }
0x57: {  	[tilespmem:s18], [sflag:$0x2] =	stream.indirect.gather [spmem:s2], $0x20, s21, s16, $0xb8;
	[tilespmem:$0x10D20] =	vst v63  }
0x58: {  	_ =	swait.ge [sflag:s19], $0x1000  }
0x59: {  	[sflag:s19] =	ssyncset.done $0x0  }
0x5a: {  	[sflag:s19] =	ssyncadd.s32 $0xFFFFF000  }
0x5b: {  	[spmem:s3] =	stream.indirect.scatter.add.f32 [tilespmem:s17], [sflag:$0x3], $0x20, s22, s16, $0xb8;
	[tilespmem:$0x10D20] =	vst v63  }
0x5c: {  	_ =	swait.ge [sflag:s11], $0x1000  }
0x5d: {  	[sflag:s11] =	ssyncset.done $0x0  }
0x5e: {  	[sflag:s11] =	ssyncadd.s32 $0xFFFFF000  }
0x5f: {  	_ =	swait.ge [sflag:s20], $0x1000  }
0x60: {  	[sflag:s20] =	ssyncset.done $0x0  }
0x61: {  	[sflag:s20] =	ssyncadd.s32 $0xFFFFF000  }
0x62: {  	[spmem:s3] =	stream.indirect.scatter.add.f32 [tilespmem:s18], [sflag:$0x3], $0x20, s23, s16, $0xb8;
	[tilespmem:$0x10D20] =	vst v63  }
0x63: {  	_ =	swait.ge [sflag:s11], $0x1000  }
0x64: {  	s24 =	sadd.s32 $0x1, s24;
	[sflag:s11] =	ssyncset.done $0x0  }
0x65: {  	p0 =	sne.s32 s24, s10;
	[sflag:s11] =	ssyncadd.s32 $0xFFFFF000  }
.Ltmp1:
0x66: {  	[bflag:$0x0] =	sbarrier.arrive $0xFFFF;
	(pc) =	sbr.rel @p0 .LBB2_1-.Ltmp1, $4  }
0x67: {  	[hbm:s9], [sflag:s13] =	dma.local [spmem:s15], $0x9E0  }
0x68: {  	_ =	swait.ge [sflag:s11], $0x9E0  }
0x69: {  	[sflag:s11] =	ssyncset.done $0x0  }
0x6a: {  	[sflag:s11] =	ssyncadd.s32 $0xFFFFF620  }
0x6b: {  	_ =	sfence.sel $0x180000  }
0x6c: {  	[bflag:$0x0] =	sbarrier.arrive $0xFFFF  }
0x6d: {  	p0 =	sne.s32 s0, $0x0;
	_ =	strace $0x9000004A  }
0x6e: {  	s0 =	sadd.s32 @!p0 $0x100000, s1;
	[bflag:$0x2] =	sbarrier.arrive $0xFFFF  }
0x6f: {  	[sflag:s0] =	ssyncadd.tile.s32 @!p0 $0x1;
	_ =	shalt  }
.Lfunc_end2:
_tile_overlayer_lowered:
.L_overlay_start_2:
0x70: {  	(tag) =	ssettag $0x2  }
0x71: {  	s0 =	rddreg [dreg:$0x0];
	s2 =	stileid.u32  }
0x72: {  	s1 =	rddreg [dreg:$0x1];
	p0 =	sne.s32 s2, $0x0  }
0x73: {  	s3 =	rddreg [dreg:$0x2];
	[bflag:$0x3] =	sbarrier.arrive $0xFFFF;
	s2 =	simm.s32 @!p0 $0x1C03  }
0x74: {  	[timem:s3], [sflag:s2] =	dma.local @!p0 [hbm:s0], s1  }
0x75: {  	s0 =	simm.s32 @!p0 $0x3  }
0x76: {  	_ =	swait.ge @!p0 [sflag:s0], s1  }
0x77: {  	s1 =	ssub.s32 @!p0 $0x0, s1;
	[sflag:s0] =	ssyncset.done @!p0 $0x0  }
0x78: {  	[sflag:s0] =	ssyncadd.s32 @!p0 s1  }
0x79: {  	[bflag:$0x3] =	sbarrier.arrive $0xFFFF  }
0x7a: {  	_ =	shalt  }

// kernel: kernel.15.cloned.1.call-start
scs
__scs_entry_jumppad:
0x0: {  	(pc) =	sbr.rel $0x88, $3  }
0x1: {  	(tag) =	ssettag $0x0;
	lr =	simm.s32 $0x1  }
0x2: {  	[smem:$0x3F87] =	sst lr;
	_ =	strace $0xD0000000  }
0x3: {  	_ = 	snop  }
0x4: {  	_ = 	snop  }
0x5: {  	_ = 	snop  }
0x6: {  	_ = 	snop  }
0x7: {  	_ = 	snop  }
__scs_overlays_trampoline_lowered:
0x8: {  	[smem:$0x3F96] =	sst s0  }
0x9: {  	[smem:$0x3F97] =	sst s1  }
0xa: {  	[smem:$0x3F98] =	sst s2  }
0xb: {  	[smem:$0x3F99] =	sst s3  }
0xc: {  	[smem:$0x3F9A] =	sst s4  }
0xd: {  	[smem:$0x3F9B] =	sst s5  }
0xe: {  	[smem:$0x3F9C] =	sst s6  }
0xf: {  	[smem:$0x3F9D] =	sst s7  }
0x10: {  	[smem:$0x3F9E] =	sst s8  }
0x11: {  	[smem:$0x3F9F] =	sst s9;
	s0 =	simm.s32 @!p0 $0x0  }
0x12: {  	s1 =	sld [smem:$0x3F85];
	s0 =	simm.s32 @p0 $0x1  }
0x13: {  	[smem:$0x3FA0] =	sst s0;
	s0 =	simm.s32 @!p1 $0x0  }
0x14: {  	s2 =	sld [smem:$0x3F84];
	s0 =	simm.s32 @p1 $0x1  }
0x15: {  	[smem:$0x3FA1] =	sst s0;
	s0 =	simm.s32 @!p2 $0x0  }
0x16: {  	s3 =	sld [smem:$0x3FDB];
	s0 =	simm.s32 @p2 $0x1  }
0x17: {  	s4 =	simm.s32 $0x1BF5;
	[smem:$0x3FA3] =	sst s0  }
0x18: {  	s0 =	sld [smem:$0x3F86];
	_ =	swait.ge [sflag:s4], $0x0  }
0x19: {  	s7 =	sld [smem:$0x3F87]  }
0x1a: {  	s8 =	sadd.s32 $0xFFFFE003, lr  }
0x1b: {  	s9 =	sadd.s32 $0xFFFFFEF7, lr;
	s5 =	simm.s32 $0xFFFFFFFF;
	p2 =	slt.u32 s8, $0xFFFFF086  }
0x1c: {  	p1 =	slt.u32 s9, $0xF7A;
	s5 =	simm.s32 @!p2 $0x0  }
0x1d: {  	s5 =	simm.s32 @p1 $0x1;
	p0 =	seq.s32 s7, s2  }
0x1e: {  	s7 =	smul.u32 @!p0 $0xF7A, s2;
	p2 =	seq.s32 @!p0 s5, $0x0  }
0x1f: {  	s9 =	smul.u32 $0xF7A, s1;
	s8 =	simm.s32 @!p0 $0x1BF5;
	p2 =	por !p2, p0  }
0x20: {  	[sflag:s8] =	ssyncset.s32 @!p0 $0xFFFFF086;
	s6 =	sadd.s32 @!p0 s3, s7;
	s7 =	simm.s32 @!p0 $0x108  }
0x21: {  	s3 =	sadd.s32 s3, s9;
	s6 =	sadd.s32 @!p0 $0x88, s6;
	s7 =	simm.s32 @p2 $0x1082  }
0x22: {  	[simem:s7], [sflag:s8] =	dma.local @!p0 [hbm:s6], $0xF7A  }
0x23: {  	s9 =	sor.u32 $0xD0000000, s2;
	s6 =	simm.s32 $0x108;
	_ =	swait.ge @!p0 [sflag:s8], $0x0  }
0x24: {  	s3 =	sadd.s32 $0x88, s3;
	s6 =	simm.s32 @!p1 $0x1082;
	[sflag:s4] =	ssyncset.s32 $0xFFFFF086  }
0x25: {  	[simem:s6], [sflag:s4] =	dma.local [hbm:s3], $0xF7A  }
0x26: {  	[smem:$0x3F87] =	sst s1;
	(tag) =	ssettag s2;
	_ =	strace s9  }
0x27: {  	s1 =	sld [smem:$0x3F97]  }
0x28: {  	s2 =	sld [smem:$0x3F98]  }
0x29: {  	s4 =	sld [smem:$0x3F9A]  }
0x2a: {  	p0 =	seq.s32 s5, $0x0;
	s5 =	sld [smem:$0x3F9B]  }
0x2b: {  	s6 =	sld [smem:$0x3F9C]  }
0x2c: {  	s7 =	sld [smem:$0x3F9D]  }
0x2d: {  	s3 =	simm.s32 $0x108;
	s8 =	sld [smem:$0x3F9E]  }
0x2e: {  	s3 =	simm.s32 @!p0 $0x1082;
	s9 =	sld [smem:$0x3F9F]  }
0x2f: {  	lr =	sadd.s32 s0, s3;
	s0 =	sld [smem:$0x3F96]  }
0x30: {  	s3 =	sld [smem:$0x3F99]  }
0x31: {  	[smem:$0x3FA2] =	sst s10  }
0x32: {  	s10 =	sld [smem:$0x3FA0];
	_ =	sdelay $0x3  }
0x33: {  	p0 =	seq.s32 s10, $0x1;
	s10 =	sld [smem:$0x3FA2];
	_ =	sdelay $0x3  }
0x34: {  	[smem:$0x3FA2] =	sst s10  }
0x35: {  	s10 =	sld [smem:$0x3FA1];
	_ =	sdelay $0x3  }
0x36: {  	p1 =	seq.s32 s10, $0x1;
	s10 =	sld [smem:$0x3FA2];
	_ =	sdelay $0x3  }
0x37: {  	[smem:$0x3FA2] =	sst s10  }
0x38: {  	s10 =	sld [smem:$0x3FA3]  }
0x39: {  	_ = 	snop;
	(pc) =	sbr.ind lr, $3  }
0x3a: {  	_ = 	snop  }
0x3b: {  	_ = 	snop  }
0x3c: {  	p2 =	seq.s32 s10, $0x1;
	s10 =	sld [smem:$0x3FA2]  }
0x3d: {  	_ =	shalt  }
0x3e: {  	_ =	shalt  }
0x3f: {  	_ =	shalt  }
0x40: {  	_ =	shalt  }
0x41: {  	_ =	shalt  }
0x42: {  	_ =	shalt  }
0x43: {  	_ =	shalt  }
0x44: {  	_ =	shalt  }
0x45: {  	_ =	shalt  }
0x46: {  	_ =	shalt  }
0x47: {  	_ =	shalt  }
0x48: {  	_ =	shalt  }
0x49: {  	_ =	shalt  }
0x4a: {  	_ =	shalt  }
0x4b: {  	_ =	shalt  }
0x4c: {  	_ =	shalt  }
0x4d: {  	_ =	shalt  }
0x4e: {  	_ =	shalt  }
0x4f: {  	_ =	shalt  }
0x50: {  	_ =	shalt  }
0x51: {  	_ =	shalt  }
0x52: {  	_ =	shalt  }
0x53: {  	_ =	shalt  }
0x54: {  	_ =	shalt  }
0x55: {  	_ =	shalt  }
0x56: {  	_ =	shalt  }
0x57: {  	_ =	shalt  }
0x58: {  	_ =	shalt  }
0x59: {  	_ =	shalt  }
0x5a: {  	_ =	shalt  }
0x5b: {  	_ =	shalt  }
0x5c: {  	_ =	shalt  }
0x5d: {  	_ =	shalt  }
0x5e: {  	_ =	shalt  }
0x5f: {  	_ =	shalt  }
0x60: {  	_ =	shalt  }
0x61: {  	_ =	shalt  }
0x62: {  	_ =	shalt  }
0x63: {  	_ =	shalt  }
0x64: {  	_ =	shalt  }
0x65: {  	_ =	shalt  }
0x66: {  	_ =	shalt  }
0x67: {  	_ =	shalt  }
0x68: {  	_ =	shalt  }
0x69: {  	_ =	shalt  }
0x6a: {  	_ =	shalt  }
0x6b: {  	_ =	shalt  }
0x6c: {  	_ =	shalt  }
0x6d: {  	_ =	shalt  }
0x6e: {  	_ =	shalt  }
0x6f: {  	_ =	shalt  }
0x70: {  	_ =	shalt  }
0x71: {  	_ =	shalt  }
0x72: {  	_ =	shalt  }
0x73: {  	_ =	shalt  }
0x74: {  	_ =	shalt  }
0x75: {  	_ =	shalt  }
0x76: {  	_ =	shalt  }
0x77: {  	_ =	shalt  }
0x78: {  	_ =	shalt  }
0x79: {  	_ =	shalt  }
0x7a: {  	_ =	shalt  }
0x7b: {  	_ =	shalt  }
0x7c: {  	_ =	shalt  }
0x7d: {  	_ =	shalt  }
0x7e: {  	_ =	shalt  }
0x7f: {  	_ =	shalt  }
0x80: {  	_ =	shalt  }
0x81: {  	_ =	shalt  }
0x82: {  	_ =	shalt  }
0x83: {  	_ =	shalt  }
0x84: {  	_ =	shalt  }
0x85: {  	_ =	shalt  }
0x86: {  	_ =	shalt  }
0x87: {  	_ =	shalt  }
.Lfunc_end0:
.L_simem_size_0:
called_computation.2_lowered:
.L_overlay_start_0:
0x88: {  	s2 =	sld [smem:$0x3FD9]  }
0x89: {  	s3 =	sld [smem:$0x3FFE];
	_ =	sdelay $0x1  }
0x8a: {  	s1 =	srdreg.scid  }
0x8b: {  	s0 =	sand.u32 $0x1, s1  }
0x8c: {  	s16 =	sshll.u32 s0, $0xA;
	s2 =	sadd.s32 s3, s2  }
0x8d: {  	s2 =	sadd.s32 s2, s16  }
0x8e: {  	[smem:$0x3FAE] =	sst s2  }
0x8f: {  	_ = 	snop  }
0x90: {  	(tm) =	ssettm $0x1  }
0x91: {  	s17 =	sld [smem:$0x3FFB];
	_ =	sdelay $0x3  }
0x92: {  	_ =	strace s17  }
0x93: {  	s2 =	sld [smem:$0x3FFC];
	_ =	sdelay $0x3  }
0x94: {  	_ =	strace s2  }
0x95: {  	s2 =	sld [smem:$0x3FFD];
	_ =	sdelay $0x3  }
0x96: {  	_ =	strace s2  }
0x97: {  	_ =	strace $0x8FFFFFFF  }
0x98: {  	s18 =	sld [smem:$0x3FDB];
	_ =	sdelay $0x1  }
0x99: {  	s19 =	simm.s32 $_scs_section_size  }
0x9a: {  	s4 =	simm.s32 $_size__tile_overlayer_lowered;
	s5 =	simm.s32 $_tile_overlayer_lowered  }
0x9b: {  	s22 =	simm.s32 $0x1BFF;
	s21 =	sshll.u32 s5, $0x1;
	s2 =	sadd.s32 s19, s18  }
0x9c: {  	s6 =	simm.s32 $0x0;
	s20 =	sshll.u32 s4, $0x1;
	s4 =	sadd.s32 s21, s2  }
0x9d: {  	[timem:s6], [sflag:s22] =	dma.local [hbm:s4], s20  }
0x9e: {  	_ =	swait.ge [sflag:s22], s20  }
0x9f: {  	s3 =	ssub.s32 $0x0, s20;
	[sflag:s22] =	ssyncset.done $0x0  }
0xa0: {  	[sflag:s22] =	ssyncadd.s32 s3;
	_ =	sdelay $0x1  }
0xa1: {  	s23 =	simm.s32 $0x1B8B  }
0xa2: {  	_ =	swait.ge [sflag:s23], $0x1  }
0xa3: {  	[sflag:s23] =	ssyncset.done $0x0  }
0xa4: {  	s25 =	simm.s32 $0x1B8E;
	s24 =	sld [smem:$0x3FFE];
	[sflag:s23] =	ssyncadd.s32 $0xFFFFFFFF  }
0xa5: {  	s26 =	simm.s32 $execute0_lowered;
	[smem:$0x3FD2] =	sst s25  }
0xa6: {  	s4 =	sshll.u32 s26, $0x1;
	_ =	strace $0x8000004C;
	[dreg:$0x1] =	wrdreg $0xFFFFFFFF  }
0xa7: {  	s28 =	simm.s32 $_size_execute0_lowered;
	s2 =	sadd.s32 s2, s4;
	[dreg:$0x0] =	wrdreg $0x0  }
0xa8: {  	s4 =	sshll.u32 s28, $0x1;
	[dreg:$0x2] =	wrdreg s2  }
0xa9: {  	[dreg:$0x3] =	wrdreg s4  }
0xaa: {  	[dreg:$0x4] =	wrdreg $0xC0  }
0xab: {  	_ =	task [dreg:s6], $0x5FFFF  }
0xac: {  	[dreg:$0x1] =	wrdreg $0xFFFFFFFF  }
0xad: {  	[dreg:$0x0] =	wrdreg $0x60  }
0xae: {  	[dreg:$0x2] =	wrdreg s24  }
0xaf: {  	[dreg:$0x3] =	wrdreg $0xBF000  }
0xb0: {  	[dreg:$0x4] =	wrdreg $0x70000  }
0xb1: {  	[dreg:$0x5] =	wrdreg $0x9  }
0xb2: {  	_ =	task.clear_ibuf [dreg:s6], $0x6FFFF;
	_ =	strace $0x9000004C  }
0xb3: {  	s29 =	simm.s32 $0x9;
	_ =	strace $0x8000004E  }
0xb4: {  	_ =	swait.ge [sflag:s29], $0x1  }
0xb5: {  	[sflag:s29] =	ssyncadd.s32 $0xFFFFFFFF  }
0xb6: {  	_ =	strace $0x9000004E  }
0xb7: {  	_ =	sfence  }
0xb8: {  	s30 =	sld [smem:$0x0];
	_ =	sdelay $0x2  }
0xb9: {  	s31 =	sshll.u32 s1, $0xD;
	s1 =	sshrl.u32 s1, $0x2  }
0xba: {  	s3 =	sand.u32 $0x4000, s31;
	s1 =	sadd.s32 s1, s30  }
0xbb: {  	s0 =	sor.u32 s3, s0;
	s1 =	sshll.u32 s1, $0x11  }
0xbc: {  	s0 =	sor.u32 s1, s0  }
0xbd: {  	s0 =	sadd.s32 $0x8F2B, s0  }
0xbe: {  	[sflag:s0] =	ssyncadd.remote.s32 $0x1  }
0xbf: {  	_ =	sfence.sel $0xFFFF  }
0xc0: {  	[dreg:$0x0] =	wrdreg $0xFFFFFFFF;
	(pc) =	sbr.abs _section_cstart, $3  }
0xc1: {  	[dreg:$0x1] =	wrdreg $0xFFFFFFFF  }
0xc2: {  	_ =	task.clear_ibuf [dreg:s6], $0x2FFFF;
	_ =	strace $0x9FFFFFFF  }
0xc3: {  	(tm) =	ssettm $0x7FFFFFFF  }
tec
execute0_lowered:
.L_overlay_start_1:
0x0: {  	(tag) =	ssettag $0x1  }
0x1: {  	s6 =	rddreg [dreg:$0x0]  }
0x2: {  	s2 =	rddreg [dreg:$0x1]  }
0x3: {  	s0 =	srdreg.scid;
	s3 =	rddreg [dreg:$0x2];
	s4 =	simm.s32 $0x0  }
0x4: {  	s16 =	simm.s32 $0x80;
	s17 =	simm.s32 $0x5000;
	s18 =	simm.s32 $0x6000  }
0x5: {  	s19 =	simm.s32 $0x1;
	s20 =	simm.s32 $0x2;
	s21 =	simm.s32 $0x2780  }
0x6: {  	s22 =	simm.s32 $0x4F00;
	s5 =	sand.u32 $0x1, s0;
	s0 =	stileid.u32  }
0x7: {  	s23 =	simm.s32 $0x4F80;
	s24 =	simm.s32 $0x0;
	s7 =	smul.u32 $0x4E20, s0  }
0x8: {  	[smem:$0x7FF] =	sst s4;
	s1 =	sshll.u32 s5, $0x4;
	s9 =	smul.u32 $0x4F00, s0  }
0x9: {  	s10 =	smul.u32 $0x4F000, s5;
	s5 =	ssub.s32 $0x2, s5;
	s1 =	sor.u32 s0, s1  }
0xa: {  	s31 =	sshll.u32 s0, $0x6;
	s30 =	sshrl.u32 s5, $0x1;
	s8 =	smul.u32 $0x500, s1  }
0xb: {  	s1 =	rddreg [dreg:$0x3];
	_ =	strace $0x8000004D;
	s11 =	sshrl.u32 s7, $0x3  }
0xc: {  	s10 =	sadd.s32 s9, s10;
	s12 =	sshrl.u32 s9, $0x3;
	s13 =	ssub.s32 s5, s30  }
0xd: {  	s14 =	sadd.s32 s7, s2;
	s15 =	sadd.s32 s9, s3;
	s11 =	sadd.s32 s11, s6  }
0xe: {  	s10 =	sshrl.u32 s10, $0x3;
	s12 =	sadd.s32 s12, s6;
	s14 =	sshrl.u32 s14, $0x3  }
0xf: {  	s15 =	sshrl.u32 s15, $0x3;
	s8 =	sadd.s32 s8, s6;
	s10 =	sadd.s32 s10, s6  }
0x10: {  	s7 =	sadd.s32 $0x4200, s11;
	s11 =	simm.s32 $0x3;
	s5 =	sadd.s32 $0x2BA00, s8  }
0x11: {  	s6 =	sadd.s32 $0x21A00, s8;
	s8 =	sadd.s32 $0x89A00, s12;
	s9 =	sadd.s32 $0x35A00, s10  }
0x12: {  	s10 =	smax.u32 s13, $0x1;
	s12 =	simm.s32 $0x2800;
	s13 =	sor.u32 $0x1C03, s31  }
.LBB2_1:
0x13: {  	[tilespmem:s4], [sflag:$0x3] =	stream.linear.gather [hbm4b:s5+s4], $0x2800, $0x38;
	[tilespmem:$0x10D20] =	vst v63  }
0x14: {  	_ =	swait.ge [sflag:s11], $0x2800  }
0x15: {  	[sflag:s11] =	ssyncset.done $0x0  }
0x16: {  	[sflag:s11] =	ssyncadd.s32 $0xFFFFD800  }
0x17: {  	[tilespmem:s12], [sflag:$0x3] =	stream.linear.gather [hbm4b:s6+s4], $0x2800, $0x38;
	[tilespmem:$0x10D20] =	vst v63  }
0x18: {  	_ =	swait.ge [sflag:s11], $0x2800  }
0x19: {  	[sflag:s11] =	ssyncset.done $0x0  }
0x1a: {  	[sflag:s11] =	ssyncadd.s32 $0xFFFFD800  }
0x1b: {  	[spmem:s14], [sflag:s13] =	dma.local [hbm:s7], $0x9C4  }
0x1c: {  	_ =	swait.ge [sflag:s11], $0x9C4  }
0x1d: {  	[sflag:s11] =	ssyncset.done $0x0  }
0x1e: {  	[sflag:s11] =	ssyncadd.s32 $0xFFFFF63C  }
0x1f: {  	[spmem:s15], [sflag:s13] =	dma.local [hbm:s8], $0x9E0  }
0x20: {  	_ =	swait.ge [sflag:s11], $0x9E0  }
0x21: {  	[sflag:s11] =	ssyncset.done $0x0  }
0x22: {  	[sflag:s11] =	ssyncadd.s32 $0xFFFFF620  }
0x23: {  	[bflag:$0x0] =	sbarrier.arrive $0xFFFF  }
0x24: {  	[tilespmem:s17], [sflag:$0x1] =	stream.indirect.gather [spmem:s2], $0x20, s4, s16, $0xb8;
	[tilespmem:$0x10D20] =	vst v63  }
0x25: {  	s25 =	simm.s32 $0x80  }
0x26: {  	[tilespmem:s18], [sflag:$0x2] =	stream.indirect.gather [spmem:s2], $0x20, s25, s16, $0xb8;
	[tilespmem:$0x10D20] =	vst v63  }
0x27: {  	_ =	swait.ge [sflag:s19], $0x1000  }
0x28: {  	[sflag:s19] =	ssyncset.done $0x0  }
0x29: {  	s29 =	simm.s32 $0x2800;
	[sflag:s19] =	ssyncadd.s32 $0xFFFFF000  }
0x2a: {  	[spmem:s3] =	stream.indirect.scatter.add.f32 [tilespmem:s17], [sflag:$0x3], $0x20, s29, s16, $0xb8;
	[tilespmem:$0x10D20] =	vst v63  }
0x2b: {  	_ =	swait.ge [sflag:s11], $0x1000  }
0x2c: {  	[sflag:s11] =	ssyncset.done $0x0  }
0x2d: {  	s30 =	simm.s32 $0x100;
	[sflag:s11] =	ssyncadd.s32 $0xFFFFF000  }
0x2e: {  	[tilespmem:s17], [sflag:$0x1] =	stream.indirect.gather [spmem:s2], $0x20, s30, s16, $0xb8;
	[tilespmem:$0x10D20] =	vst v63  }
0x2f: {  	_ =	swait.ge [sflag:s20], $0x1000  }
0x30: {  	[sflag:s20] =	ssyncset.done $0x0  }
0x31: {  	s31 =	simm.s32 $0x2880;
	[sflag:s20] =	ssyncadd.s32 $0xFFFFF000  }
0x32: {  	[spmem:s3] =	stream.indirect.scatter.add.f32 [tilespmem:s18], [sflag:$0x3], $0x20, s31, s16, $0xb8;
	[tilespmem:$0x10D20] =	vst v63  }
0x33: {  	_ =	swait.ge [sflag:s11], $0x1000  }
0x34: {  	s26 =	simm.s32 $0x800;
	s25 =	simm.s32 $0x100;
	[sflag:s11] =	ssyncset.done $0x0  }
.LBB2_2:
0x35: {  	s28 =	sadd.s32 $0x80, s25  }
0x36: {  	[sflag:s11] =	ssyncadd.s32 $0xFFFFF000;
	s29 =	smov.u32 s26;
	s30 =	sadd.s32 $0x400, s26  }
0x37: {  	[tilespmem:s18], [sflag:$0x2] =	stream.indirect.gather [spmem:s2], $0x20, s28, s16, $0xb8;
	[tilespmem:$0x10D20] =	vst v63  }
0x38: {  	p0 =	sne.s32 s26, $0x9800;
	_ =	swait.ge [sflag:s19], $0x1000  }
0x39: {  	[sflag:s19] =	ssyncset.done $0x0  }
0x3a: {  	s26 =	sadd.s32 $0x2800, s25;
	[sflag:s19] =	ssyncadd.s32 $0xFFFFF000  }
0x3b: {  	[spmem:s3] =	stream.indirect.scatter.add.f32 [tilespmem:s17], [sflag:$0x3], $0x20, s26, s16, $0xb8;
	[tilespmem:$0x10D20] =	vst v63  }
0x3c: {  	_ =	swait.ge [sflag:s11], $0x1000  }
0x3d: {  	[sflag:s11] =	ssyncset.done $0x0  }
0x3e: {  	s26 =	sadd.s32 $0x100, s25;
	[sflag:s11] =	ssyncadd.s32 $0xFFFFF000  }
0x3f: {  	[tilespmem:s17], [sflag:$0x1] =	stream.indirect.gather [spmem:s2], $0x20, s26, s16, $0xb8;
	[tilespmem:$0x10D20] =	vst v63  }
0x40: {  	_ =	swait.ge [sflag:s20], $0x1000  }
.Ltmp0:
0x41: {  	[sflag:s20] =	ssyncset.done $0x0;
	(pc) =	sbr.rel @p0 .LBB2_2-.Ltmp0, $4  }
0x42: {  	s25 =	sadd.s32 $0x2880, s25;
	[sflag:s20] =	ssyncadd.s32 $0xFFFFF000  }
0x43: {  	[spmem:s3] =	stream.indirect.scatter.add.f32 [tilespmem:s18], [sflag:$0x3], $0x20, s25, s16, $0xb8;
	[tilespmem:$0x10D20] =	vst v63  }
0x44: {  	_ =	swait.ge [sflag:s11], $0x1000  }
0x45: {  	s26 =	smov.u32 s30;
	s25 =	sshra.s32 s29, $0x2;
	[sflag:s11] =	ssyncset.done $0x0  }
0x46: {  	s26 =	sadd.s32 $0x80, s25;
	[sflag:s11] =	ssyncadd.s32 $0xFFFFF000  }
0x47: {  	[tilespmem:s18], [sflag:$0x2] =	stream.indirect.gather [spmem:s2], $0x20, s26, s16, $0xb8;
	[tilespmem:$0x10D20] =	vst v63  }
0x48: {  	_ =	swait.ge [sflag:s19], $0x1000  }
0x49: {  	[sflag:s19] =	ssyncset.done $0x0  }
0x4a: {  	s29 =	sadd.s32 $0x2800, s25;
	[sflag:s19] =	ssyncadd.s32 $0xFFFFF000  }
0x4b: {  	[spmem:s3] =	stream.indirect.scatter.add.f32 [tilespmem:s17], [sflag:$0x3], $0x20, s29, s16, $0xb8;
	[tilespmem:$0x10D20] =	vst v63  }
0x4c: {  	_ =	swait.ge [sflag:s11], $0x1000  }
0x4d: {  	[sflag:s11] =	ssyncset.done $0x0  }
0x4e: {  	s30 =	sadd.s32 $0x100, s25;
	[sflag:s11] =	ssyncadd.s32 $0xFFFFF000  }
0x4f: {  	[tilespmem:s17], [sflag:$0x1] =	stream.indirect.gather [spmem:s2], $0x20, s30, s16, $0xb8;
	[tilespmem:$0x10D20] =	vst v63  }
0x50: {  	_ =	swait.ge [sflag:s20], $0x1000  }
0x51: {  	[sflag:s20] =	ssyncset.done $0x0  }
0x52: {  	s31 =	sadd.s32 $0x2880, s25;
	[sflag:s20] =	ssyncadd.s32 $0xFFFFF000  }
0x53: {  	[spmem:s3] =	stream.indirect.scatter.add.f32 [tilespmem:s18], [sflag:$0x3], $0x20, s31, s16, $0xb8;
	[tilespmem:$0x10D20] =	vst v63  }
0x54: {  	_ =	swait.ge [sflag:s11], $0x1000  }
0x55: {  	[sflag:s11] =	ssyncset.done $0x0  }
0x56: {  	[sflag:s11] =	ssyncadd.s32 $0xFFFFF000  }
0x57: {  	[tilespmem:s18], [sflag:$0x2] =	stream.indirect.gather [spmem:s2], $0x20, s21, s16, $0xb8;
	[tilespmem:$0x10D20] =	vst v63  }
0x58: {  	_ =	swait.ge [sflag:s19], $0x1000  }
0x59: {  	[sflag:s19] =	ssyncset.done $0x0  }
0x5a: {  	[sflag:s19] =	ssyncadd.s32 $0xFFFFF000  }
0x5b: {  	[spmem:s3] =	stream.indirect.scatter.add.f32 [tilespmem:s17], [sflag:$0x3], $0x20, s22, s16, $0xb8;
	[tilespmem:$0x10D20] =	vst v63  }
0x5c: {  	_ =	swait.ge [sflag:s11], $0x1000  }
0x5d: {  	[sflag:s11] =	ssyncset.done $0x0  }
0x5e: {  	[sflag:s11] =	ssyncadd.s32 $0xFFFFF000  }
0x5f: {  	_ =	swait.ge [sflag:s20], $0x1000  }
0x60: {  	[sflag:s20] =	ssyncset.done $0x0  }
0x61: {  	[sflag:s20] =	ssyncadd.s32 $0xFFFFF000  }
0x62: {  	[spmem:s3] =	stream.indirect.scatter.add.f32 [tilespmem:s18], [sflag:$0x3], $0x20, s23, s16, $0xb8;
	[tilespmem:$0x10D20] =	vst v63  }
0x63: {  	_ =	swait.ge [sflag:s11], $0x1000  }
0x64: {  	s24 =	sadd.s32 $0x1, s24;
	[sflag:s11] =	ssyncset.done $0x0  }
0x65: {  	p0 =	sne.s32 s24, s10;
	[sflag:s11] =	ssyncadd.s32 $0xFFFFF000  }
.Ltmp1:
0x66: {  	[bflag:$0x0] =	sbarrier.arrive $0xFFFF;
	(pc) =	sbr.rel @p0 .LBB2_1-.Ltmp1, $4  }
0x67: {  	[hbm:s9], [sflag:s13] =	dma.local [spmem:s15], $0x9E0  }
0x68: {  	_ =	swait.ge [sflag:s11], $0x9E0  }
0x69: {  	[sflag:s11] =	ssyncset.done $0x0  }
0x6a: {  	[sflag:s11] =	ssyncadd.s32 $0xFFFFF620  }
0x6b: {  	_ =	sfence.sel $0x180000  }
0x6c: {  	[bflag:$0x0] =	sbarrier.arrive $0xFFFF  }
0x6d: {  	p0 =	sne.s32 s0, $0x0;
	_ =	strace $0x9000004D  }
0x6e: {  	s0 =	sadd.s32 @!p0 $0x100000, s1;
	[bflag:$0x2] =	sbarrier.arrive $0xFFFF  }
0x6f: {  	[sflag:s0] =	ssyncadd.tile.s32 @!p0 $0x1;
	_ =	shalt  }
.Lfunc_end2:
_tile_overlayer_lowered:
.L_overlay_start_2:
0x70: {  	(tag) =	ssettag $0x2  }
0x71: {  	s0 =	rddreg [dreg:$0x0];
	s2 =	stileid.u32  }
0x72: {  	s1 =	rddreg [dreg:$0x1];
	p0 =	sne.s32 s2, $0x0  }
0x73: {  	s3 =	rddreg [dreg:$0x2];
	[bflag:$0x3] =	sbarrier.arrive $0xFFFF;
	s2 =	simm.s32 @!p0 $0x1C03  }
0x74: {  	[timem:s3], [sflag:s2] =	dma.local @!p0 [hbm:s0], s1  }
0x75: {  	s0 =	simm.s32 @!p0 $0x3  }
0x76: {  	_ =	swait.ge @!p0 [sflag:s0], s1  }
0x77: {  	s1 =	ssub.s32 @!p0 $0x0, s1;
	[sflag:s0] =	ssyncset.done @!p0 $0x0  }
0x78: {  	[sflag:s0] =	ssyncadd.s32 @!p0 s1  }
0x79: {  	[bflag:$0x3] =	sbarrier.arrive $0xFFFF  }
0x7a: {  	_ =	shalt  }

// kernel: kernel.9.cloned.1.call-start
scs
__scs_entry_jumppad:
0x0: {  	(pc) =	sbr.rel $0x88, $3  }
0x1: {  	(tag) =	ssettag $0x0;
	lr =	simm.s32 $0x1  }
0x2: {  	[smem:$0x3F87] =	sst lr;
	_ =	strace $0xD0000000  }
0x3: {  	_ = 	snop  }
0x4: {  	_ = 	snop  }
0x5: {  	_ = 	snop  }
0x6: {  	_ = 	snop  }
0x7: {  	_ = 	snop  }
__scs_overlays_trampoline_lowered:
0x8: {  	[smem:$0x3F96] =	sst s0  }
0x9: {  	[smem:$0x3F97] =	sst s1  }
0xa: {  	[smem:$0x3F98] =	sst s2  }
0xb: {  	[smem:$0x3F99] =	sst s3  }
0xc: {  	[smem:$0x3F9A] =	sst s4  }
0xd: {  	[smem:$0x3F9B] =	sst s5  }
0xe: {  	[smem:$0x3F9C] =	sst s6  }
0xf: {  	[smem:$0x3F9D] =	sst s7  }
0x10: {  	[smem:$0x3F9E] =	sst s8  }
0x11: {  	[smem:$0x3F9F] =	sst s9;
	s0 =	simm.s32 @!p0 $0x0  }
0x12: {  	s1 =	sld [smem:$0x3F85];
	s0 =	simm.s32 @p0 $0x1  }
0x13: {  	[smem:$0x3FA0] =	sst s0;
	s0 =	simm.s32 @!p1 $0x0  }
0x14: {  	s2 =	sld [smem:$0x3F84];
	s0 =	simm.s32 @p1 $0x1  }
0x15: {  	[smem:$0x3FA1] =	sst s0;
	s0 =	simm.s32 @!p2 $0x0  }
0x16: {  	s3 =	sld [smem:$0x3FDB];
	s0 =	simm.s32 @p2 $0x1  }
0x17: {  	s4 =	simm.s32 $0x1BF5;
	[smem:$0x3FA3] =	sst s0  }
0x18: {  	s0 =	sld [smem:$0x3F86];
	_ =	swait.ge [sflag:s4], $0x0  }
0x19: {  	s7 =	sld [smem:$0x3F87]  }
0x1a: {  	s8 =	sadd.s32 $0xFFFFE003, lr  }
0x1b: {  	s9 =	sadd.s32 $0xFFFFFEF7, lr;
	s5 =	simm.s32 $0xFFFFFFFF;
	p2 =	slt.u32 s8, $0xFFFFF086  }
0x1c: {  	p1 =	slt.u32 s9, $0xF7A;
	s5 =	simm.s32 @!p2 $0x0  }
0x1d: {  	s5 =	simm.s32 @p1 $0x1;
	p0 =	seq.s32 s7, s2  }
0x1e: {  	s7 =	smul.u32 @!p0 $0xF7A, s2;
	p2 =	seq.s32 @!p0 s5, $0x0  }
0x1f: {  	s9 =	smul.u32 $0xF7A, s1;
	s8 =	simm.s32 @!p0 $0x1BF5;
	p2 =	por !p2, p0  }
0x20: {  	[sflag:s8] =	ssyncset.s32 @!p0 $0xFFFFF086;
	s6 =	sadd.s32 @!p0 s3, s7;
	s7 =	simm.s32 @!p0 $0x108  }
0x21: {  	s3 =	sadd.s32 s3, s9;
	s6 =	sadd.s32 @!p0 $0x88, s6;
	s7 =	simm.s32 @p2 $0x1082  }
0x22: {  	[simem:s7], [sflag:s8] =	dma.local @!p0 [hbm:s6], $0xF7A  }
0x23: {  	s9 =	sor.u32 $0xD0000000, s2;
	s6 =	simm.s32 $0x108;
	_ =	swait.ge @!p0 [sflag:s8], $0x0  }
0x24: {  	s3 =	sadd.s32 $0x88, s3;
	s6 =	simm.s32 @!p1 $0x1082;
	[sflag:s4] =	ssyncset.s32 $0xFFFFF086  }
0x25: {  	[simem:s6], [sflag:s4] =	dma.local [hbm:s3], $0xF7A  }
0x26: {  	[smem:$0x3F87] =	sst s1;
	(tag) =	ssettag s2;
	_ =	strace s9  }
0x27: {  	s1 =	sld [smem:$0x3F97]  }
0x28: {  	s2 =	sld [smem:$0x3F98]  }
0x29: {  	s4 =	sld [smem:$0x3F9A]  }
0x2a: {  	p0 =	seq.s32 s5, $0x0;
	s5 =	sld [smem:$0x3F9B]  }
0x2b: {  	s6 =	sld [smem:$0x3F9C]  }
0x2c: {  	s7 =	sld [smem:$0x3F9D]  }
0x2d: {  	s3 =	simm.s32 $0x108;
	s8 =	sld [smem:$0x3F9E]  }
0x2e: {  	s3 =	simm.s32 @!p0 $0x1082;
	s9 =	sld [smem:$0x3F9F]  }
0x2f: {  	lr =	sadd.s32 s0, s3;
	s0 =	sld [smem:$0x3F96]  }
0x30: {  	s3 =	sld [smem:$0x3F99]  }
0x31: {  	[smem:$0x3FA2] =	sst s10  }
0x32: {  	s10 =	sld [smem:$0x3FA0];
	_ =	sdelay $0x3  }
0x33: {  	p0 =	seq.s32 s10, $0x1;
	s10 =	sld [smem:$0x3FA2];
	_ =	sdelay $0x3  }
0x34: {  	[smem:$0x3FA2] =	sst s10  }
0x35: {  	s10 =	sld [smem:$0x3FA1];
	_ =	sdelay $0x3  }
0x36: {  	p1 =	seq.s32 s10, $0x1;
	s10 =	sld [smem:$0x3FA2];
	_ =	sdelay $0x3  }
0x37: {  	[smem:$0x3FA2] =	sst s10  }
0x38: {  	s10 =	sld [smem:$0x3FA3]  }
0x39: {  	_ = 	snop;
	(pc) =	sbr.ind lr, $3  }
0x3a: {  	_ = 	snop  }
0x3b: {  	_ = 	snop  }
0x3c: {  	p2 =	seq.s32 s10, $0x1;
	s10 =	sld [smem:$0x3FA2]  }
0x3d: {  	_ =	shalt  }
0x3e: {  	_ =	shalt  }
0x3f: {  	_ =	shalt  }
0x40: {  	_ =	shalt  }
0x41: {  	_ =	shalt  }
0x42: {  	_ =	shalt  }
0x43: {  	_ =	shalt  }
0x44: {  	_ =	shalt  }
0x45: {  	_ =	shalt  }
0x46: {  	_ =	shalt  }
0x47: {  	_ =	shalt  }
0x48: {  	_ =	shalt  }
0x49: {  	_ =	shalt  }
0x4a: {  	_ =	shalt  }
0x4b: {  	_ =	shalt  }
0x4c: {  	_ =	shalt  }
0x4d: {  	_ =	shalt  }
0x4e: {  	_ =	shalt  }
0x4f: {  	_ =	shalt  }
0x50: {  	_ =	shalt  }
0x51: {  	_ =	shalt  }
0x52: {  	_ =	shalt  }
0x53: {  	_ =	shalt  }
0x54: {  	_ =	shalt  }
0x55: {  	_ =	shalt  }
0x56: {  	_ =	shalt  }
0x57: {  	_ =	shalt  }
0x58: {  	_ =	shalt  }
0x59: {  	_ =	shalt  }
0x5a: {  	_ =	shalt  }
0x5b: {  	_ =	shalt  }
0x5c: {  	_ =	shalt  }
0x5d: {  	_ =	shalt  }
0x5e: {  	_ =	shalt  }
0x5f: {  	_ =	shalt  }
0x60: {  	_ =	shalt  }
0x61: {  	_ =	shalt  }
0x62: {  	_ =	shalt  }
0x63: {  	_ =	shalt  }
0x64: {  	_ =	shalt  }
0x65: {  	_ =	shalt  }
0x66: {  	_ =	shalt  }
0x67: {  	_ =	shalt  }
0x68: {  	_ =	shalt  }
0x69: {  	_ =	shalt  }
0x6a: {  	_ =	shalt  }
0x6b: {  	_ =	shalt  }
0x6c: {  	_ =	shalt  }
0x6d: {  	_ =	shalt  }
0x6e: {  	_ =	shalt  }
0x6f: {  	_ =	shalt  }
0x70: {  	_ =	shalt  }
0x71: {  	_ =	shalt  }
0x72: {  	_ =	shalt  }
0x73: {  	_ =	shalt  }
0x74: {  	_ =	shalt  }
0x75: {  	_ =	shalt  }
0x76: {  	_ =	shalt  }
0x77: {  	_ =	shalt  }
0x78: {  	_ =	shalt  }
0x79: {  	_ =	shalt  }
0x7a: {  	_ =	shalt  }
0x7b: {  	_ =	shalt  }
0x7c: {  	_ =	shalt  }
0x7d: {  	_ =	shalt  }
0x7e: {  	_ =	shalt  }
0x7f: {  	_ =	shalt  }
0x80: {  	_ =	shalt  }
0x81: {  	_ =	shalt  }
0x82: {  	_ =	shalt  }
0x83: {  	_ =	shalt  }
0x84: {  	_ =	shalt  }
0x85: {  	_ =	shalt  }
0x86: {  	_ =	shalt  }
0x87: {  	_ =	shalt  }
.Lfunc_end0:
.L_simem_size_0:
called_computation_lowered:
.L_overlay_start_0:
0x88: {  	s2 =	sld [smem:$0x3FD9]  }
0x89: {  	s3 =	sld [smem:$0x3FFE];
	_ =	sdelay $0x1  }
0x8a: {  	s1 =	srdreg.scid  }
0x8b: {  	s0 =	sand.u32 $0x1, s1  }
0x8c: {  	s16 =	sshll.u32 s0, $0xA;
	s2 =	sadd.s32 s3, s2  }
0x8d: {  	s2 =	sadd.s32 s2, s16  }
0x8e: {  	[smem:$0x3FAE] =	sst s2  }
0x8f: {  	_ = 	snop  }
0x90: {  	(tm) =	ssettm $0x1  }
0x91: {  	s17 =	sld [smem:$0x3FFB];
	_ =	sdelay $0x3  }
0x92: {  	_ =	strace s17  }
0x93: {  	s2 =	sld [smem:$0x3FFC];
	_ =	sdelay $0x3  }
0x94: {  	_ =	strace s2  }
0x95: {  	s2 =	sld [smem:$0x3FFD];
	_ =	sdelay $0x3  }
0x96: {  	_ =	strace s2  }
0x97: {  	_ =	strace $0x8FFFFFFF  }
0x98: {  	s18 =	sld [smem:$0x3FDB];
	_ =	sdelay $0x1  }
0x99: {  	s19 =	simm.s32 $_scs_section_size  }
0x9a: {  	s4 =	simm.s32 $_size__tile_overlayer_lowered;
	s5 =	simm.s32 $_tile_overlayer_lowered  }
0x9b: {  	s22 =	simm.s32 $0x1BFF;
	s21 =	sshll.u32 s5, $0x1;
	s2 =	sadd.s32 s19, s18  }
0x9c: {  	s6 =	simm.s32 $0x0;
	s20 =	sshll.u32 s4, $0x1;
	s4 =	sadd.s32 s21, s2  }
0x9d: {  	[timem:s6], [sflag:s22] =	dma.local [hbm:s4], s20  }
0x9e: {  	_ =	swait.ge [sflag:s22], s20  }
0x9f: {  	s3 =	ssub.s32 $0x0, s20;
	[sflag:s22] =	ssyncset.done $0x0  }
0xa0: {  	[sflag:s22] =	ssyncadd.s32 s3;
	_ =	sdelay $0x1  }
0xa1: {  	s23 =	simm.s32 $0x1B8B  }
0xa2: {  	_ =	swait.ge [sflag:s23], $0x1  }
0xa3: {  	[sflag:s23] =	ssyncset.done $0x0  }
0xa4: {  	s25 =	simm.s32 $0x1B8E;
	s24 =	sld [smem:$0x3FFE];
	[sflag:s23] =	ssyncadd.s32 $0xFFFFFFFF  }
0xa5: {  	s26 =	simm.s32 $execute0_lowered;
	[smem:$0x3FD2] =	sst s25  }
0xa6: {  	s4 =	sshll.u32 s26, $0x1;
	_ =	strace $0x80000046;
	[dreg:$0x1] =	wrdreg $0xFFFFFFFF  }
0xa7: {  	s28 =	simm.s32 $_size_execute0_lowered;
	s2 =	sadd.s32 s2, s4;
	[dreg:$0x0] =	wrdreg $0x0  }
0xa8: {  	s4 =	sshll.u32 s28, $0x1;
	[dreg:$0x2] =	wrdreg s2  }
0xa9: {  	[dreg:$0x3] =	wrdreg s4  }
0xaa: {  	[dreg:$0x4] =	wrdreg $0xC0  }
0xab: {  	_ =	task [dreg:s6], $0x5FFFF  }
0xac: {  	[dreg:$0x1] =	wrdreg $0xFFFFFFFF  }
0xad: {  	[dreg:$0x0] =	wrdreg $0x60  }
0xae: {  	[dreg:$0x2] =	wrdreg s24  }
0xaf: {  	[dreg:$0x3] =	wrdreg $0xF6800  }
0xb0: {  	[dreg:$0x4] =	wrdreg $0x80000  }
0xb1: {  	[dreg:$0x5] =	wrdreg $0x9  }
0xb2: {  	_ =	task.clear_ibuf [dreg:s6], $0x6FFFF;
	_ =	strace $0x90000046  }
0xb3: {  	s29 =	simm.s32 $0x9;
	_ =	strace $0x80000048  }
0xb4: {  	_ =	swait.ge [sflag:s29], $0x1  }
0xb5: {  	[sflag:s29] =	ssyncadd.s32 $0xFFFFFFFF  }
0xb6: {  	_ =	strace $0x90000048  }
0xb7: {  	_ =	sfence  }
0xb8: {  	s30 =	sld [smem:$0x0];
	_ =	sdelay $0x2  }
0xb9: {  	s31 =	sshll.u32 s1, $0xD;
	s1 =	sshrl.u32 s1, $0x2  }
0xba: {  	s3 =	sand.u32 $0x4000, s31;
	s1 =	sadd.s32 s1, s30  }
0xbb: {  	s0 =	sor.u32 s3, s0;
	s1 =	sshll.u32 s1, $0x11  }
0xbc: {  	s0 =	sor.u32 s1, s0  }
0xbd: {  	s0 =	sadd.s32 $0x8F2B, s0  }
0xbe: {  	[sflag:s0] =	ssyncadd.remote.s32 $0x1  }
0xbf: {  	_ =	sfence.sel $0xFFFF  }
0xc0: {  	[dreg:$0x0] =	wrdreg $0xFFFFFFFF;
	(pc) =	sbr.abs _section_cstart, $3  }
0xc1: {  	[dreg:$0x1] =	wrdreg $0xFFFFFFFF  }
0xc2: {  	_ =	task.clear_ibuf [dreg:s6], $0x2FFFF;
	_ =	strace $0x9FFFFFFF  }
0xc3: {  	(tm) =	ssettm $0x7FFFFFFF  }
tec
execute0_lowered:
.L_overlay_start_1:
0x0: {  	(tag) =	ssettag $0x1  }
0x1: {  	s6 =	rddreg [dreg:$0x0]  }
0x2: {  	s0 =	srdreg.scid;
	s2 =	rddreg [dreg:$0x1]  }
0x3: {  	s3 =	rddreg [dreg:$0x2];
	s4 =	simm.s32 $0x0;
	s14 =	simm.s32 $0x2800  }
0x4: {  	s18 =	simm.s32 $0x80;
	s19 =	simm.s32 $0x5000;
	s20 =	simm.s32 $0x6800  }
0x5: {  	s21 =	simm.s32 $0x1;
	s22 =	simm.s32 $0x2;
	s23 =	simm.s32 $0x2780  }
0x6: {  	s24 =	simm.s32 $0x4F00;
	s5 =	sand.u32 $0x1, s0;
	s0 =	stileid.u32  }
0x7: {  	s25 =	simm.s32 $0x4F80;
	s26 =	simm.s32 $0x0;
	s7 =	smul.u32 $0x7530, s0  }
0x8: {  	[smem:$0x7FF] =	sst s4;
	s1 =	sshll.u32 s5, $0x4;
	s9 =	smul.u32 $0x7680, s0  }
0x9: {  	s11 =	smul.u32 $0x76800, s5;
	_ =	strace $0x80000047;
	s5 =	ssub.s32 $0x2, s5  }
0xa: {  	s15 =	sshll.u32 s0, $0x6;
	s1 =	sor.u32 s0, s1;
	s13 =	sshrl.u32 s5, $0x1  }
0xb: {  	s15 =	sor.u32 $0x1C03, s15;
	s8 =	smul.u32 $0x500, s1;
	s10 =	sshrl.u32 s7, $0x3  }
0xc: {  	s12 =	sshrl.u32 s9, $0x3;
	s11 =	sadd.s32 s9, s11;
	s13 =	ssub.s32 s5, s13  }
0xd: {  	s16 =	sadd.s32 s7, s2;
	s17 =	sadd.s32 s9, s3;
	s10 =	sadd.s32 s10, s6  }
0xe: {  	s12 =	sadd.s32 s12, s6;
	s11 =	sshrl.u32 s11, $0x3;
	s16 =	sshrl.u32 s16, $0x3  }
0xf: {  	s17 =	sshrl.u32 s17, $0x3;
	s8 =	sadd.s32 s8, s6;
	s11 =	sadd.s32 s11, s6  }
0x10: {  	s7 =	sadd.s32 $0x12E00, s10;
	s10 =	sadd.s32 $0x4200, s10;
	s5 =	sadd.s32 $0x2BA00, s8  }
0x11: {  	s6 =	sadd.s32 $0x21A00, s8;
	s8 =	sadd.s32 $0x35A00, s12;
	s9 =	sadd.s32 $0x44800, s11  }
0x12: {  	s11 =	sadd.s32 $0x62200, s11;
	s12 =	smax.u32 s13, $0x1;
	s13 =	simm.s32 $0x3  }
.LBB2_1:
0x13: {  	[tilespmem:s4], [sflag:$0x3] =	stream.linear.gather [hbm4b:s5+s4], $0x2800, $0x38;
	[tilespmem:$0x16BB0] =	vst v63  }
0x14: {  	_ =	swait.ge [sflag:s13], $0x2800  }
0x15: {  	[sflag:s13] =	ssyncset.done $0x0  }
0x16: {  	[sflag:s13] =	ssyncadd.s32 $0xFFFFD800  }
0x17: {  	[tilespmem:s14], [sflag:$0x3] =	stream.linear.gather [hbm4b:s6+s4], $0x2800, $0x38;
	[tilespmem:$0x16BB0] =	vst v63  }
0x18: {  	_ =	swait.ge [sflag:s13], $0x2800  }
0x19: {  	[sflag:s13] =	ssyncset.done $0x0  }
0x1a: {  	[sflag:s13] =	ssyncadd.s32 $0xFFFFD800  }
0x1b: {  	[spmem:s16], [sflag:s15] =	dma.local [hbm:s7], $0xEA6  }
0x1c: {  	_ =	swait.ge [sflag:s13], $0xEA6  }
0x1d: {  	[sflag:s13] =	ssyncset.done $0x0  }
0x1e: {  	[sflag:s13] =	ssyncadd.s32 $0xFFFFF15A  }
0x1f: {  	[spmem:s17], [sflag:s15] =	dma.local [hbm:s8], $0xED0  }
0x20: {  	_ =	swait.ge [sflag:s13], $0xED0  }
0x21: {  	[sflag:s13] =	ssyncset.done $0x0  }
0x22: {  	[sflag:s13] =	ssyncadd.s32 $0xFFFFF130  }
0x23: {  	[bflag:$0x0] =	sbarrier.arrive $0xFFFF  }
0x24: {  	[tilespmem:s19], [sflag:$0x1] =	stream.indirect.gather [spmem:s2], $0x30, s4, s18, $0xb8;
	[tilespmem:$0x16BB0] =	vst v63  }
0x25: {  	s28 =	simm.s32 $0x80  }
0x26: {  	[tilespmem:s20], [sflag:$0x2] =	stream.indirect.gather [spmem:s2], $0x30, s28, s18, $0xb8;
	[tilespmem:$0x16BB0] =	vst v63  }
0x27: {  	_ =	swait.ge [sflag:s21], $0x1800  }
0x28: {  	[sflag:s21] =	ssyncset.done $0x0  }
0x29: {  	s28 =	simm.s32 $0x2800;
	[sflag:s21] =	ssyncadd.s32 $0xFFFFE800  }
0x2a: {  	[spmem:s3] =	stream.indirect.scatter.add.f32 [tilespmem:s19], [sflag:$0x3], $0x30, s28, s18, $0xb8;
	[tilespmem:$0x16BB0] =	vst v63  }
0x2b: {  	_ =	swait.ge [sflag:s13], $0x1800  }
0x2c: {  	[sflag:s13] =	ssyncset.done $0x0  }
0x2d: {  	s28 =	simm.s32 $0x100;
	[sflag:s13] =	ssyncadd.s32 $0xFFFFE800  }
0x2e: {  	[tilespmem:s19], [sflag:$0x1] =	stream.indirect.gather [spmem:s2], $0x30, s28, s18, $0xb8;
	[tilespmem:$0x16BB0] =	vst v63  }
0x2f: {  	_ =	swait.ge [sflag:s22], $0x1800  }
0x30: {  	[sflag:s22] =	ssyncset.done $0x0  }
0x31: {  	s28 =	simm.s32 $0x2880;
	[sflag:s22] =	ssyncadd.s32 $0xFFFFE800  }
0x32: {  	[spmem:s3] =	stream.indirect.scatter.add.f32 [tilespmem:s20], [sflag:$0x3], $0x30, s28, s18, $0xb8;
	[tilespmem:$0x16BB0] =	vst v63  }
0x33: {  	_ =	swait.ge [sflag:s13], $0x1800  }
0x34: {  	s29 =	simm.s32 $0x800;
	s28 =	simm.s32 $0x100;
	[sflag:s13] =	ssyncset.done $0x0  }
.LBB2_2:
0x35: {  	s30 =	sadd.s32 $0x80, s28  }
0x36: {  	[sflag:s13] =	ssyncadd.s32 $0xFFFFE800;
	s31 =	smov.u32 s29;
	s1 =	sadd.s32 $0x400, s29  }
0x37: {  	[tilespmem:s20], [sflag:$0x2] =	stream.indirect.gather [spmem:s2], $0x30, s30, s18, $0xb8;
	[tilespmem:$0x16BB0] =	vst v63  }
0x38: {  	p0 =	sne.s32 s29, $0x9800;
	_ =	swait.ge [sflag:s21], $0x1800  }
0x39: {  	[sflag:s21] =	ssyncset.done $0x0  }
0x3a: {  	s29 =	sadd.s32 $0x2800, s28;
	[sflag:s21] =	ssyncadd.s32 $0xFFFFE800  }
0x3b: {  	[spmem:s3] =	stream.indirect.scatter.add.f32 [tilespmem:s19], [sflag:$0x3], $0x30, s29, s18, $0xb8;
	[tilespmem:$0x16BB0] =	vst v63  }
0x3c: {  	_ =	swait.ge [sflag:s13], $0x1800  }
0x3d: {  	[sflag:s13] =	ssyncset.done $0x0  }
0x3e: {  	s29 =	sadd.s32 $0x100, s28;
	[sflag:s13] =	ssyncadd.s32 $0xFFFFE800  }
0x3f: {  	[tilespmem:s19], [sflag:$0x1] =	stream.indirect.gather [spmem:s2], $0x30, s29, s18, $0xb8;
	[tilespmem:$0x16BB0] =	vst v63  }
0x40: {  	_ =	swait.ge [sflag:s22], $0x1800  }
.Ltmp0:
0x41: {  	[sflag:s22] =	ssyncset.done $0x0;
	(pc) =	sbr.rel @p0 .LBB2_2-.Ltmp0, $4  }
0x42: {  	s28 =	sadd.s32 $0x2880, s28;
	[sflag:s22] =	ssyncadd.s32 $0xFFFFE800  }
0x43: {  	[spmem:s3] =	stream.indirect.scatter.add.f32 [tilespmem:s20], [sflag:$0x3], $0x30, s28, s18, $0xb8;
	[tilespmem:$0x16BB0] =	vst v63  }
0x44: {  	_ =	swait.ge [sflag:s13], $0x1800  }
0x45: {  	s29 =	smov.u32 s1;
	s28 =	sshra.s32 s31, $0x2;
	[sflag:s13] =	ssyncset.done $0x0  }
0x46: {  	s1 =	sadd.s32 $0x80, s28;
	[sflag:s13] =	ssyncadd.s32 $0xFFFFE800  }
0x47: {  	[tilespmem:s20], [sflag:$0x2] =	stream.indirect.gather [spmem:s2], $0x30, s1, s18, $0xb8;
	[tilespmem:$0x16BB0] =	vst v63  }
0x48: {  	_ =	swait.ge [sflag:s21], $0x1800  }
0x49: {  	[sflag:s21] =	ssyncset.done $0x0  }
0x4a: {  	s30 =	sadd.s32 $0x2800, s28;
	[sflag:s21] =	ssyncadd.s32 $0xFFFFE800  }
0x4b: {  	[spmem:s3] =	stream.indirect.scatter.add.f32 [tilespmem:s19], [sflag:$0x3], $0x30, s30, s18, $0xb8;
	[tilespmem:$0x16BB0] =	vst v63  }
0x4c: {  	_ =	swait.ge [sflag:s13], $0x1800  }
0x4d: {  	[sflag:s13] =	ssyncset.done $0x0  }
0x4e: {  	s31 =	sadd.s32 $0x100, s28;
	[sflag:s13] =	ssyncadd.s32 $0xFFFFE800  }
0x4f: {  	[tilespmem:s19], [sflag:$0x1] =	stream.indirect.gather [spmem:s2], $0x30, s31, s18, $0xb8;
	[tilespmem:$0x16BB0] =	vst v63  }
0x50: {  	_ =	swait.ge [sflag:s22], $0x1800  }
0x51: {  	[sflag:s22] =	ssyncset.done $0x0  }
0x52: {  	s30 =	sadd.s32 $0x2880, s28;
	[sflag:s22] =	ssyncadd.s32 $0xFFFFE800  }
0x53: {  	[spmem:s3] =	stream.indirect.scatter.add.f32 [tilespmem:s20], [sflag:$0x3], $0x30, s30, s18, $0xb8;
	[tilespmem:$0x16BB0] =	vst v63  }
0x54: {  	_ =	swait.ge [sflag:s13], $0x1800  }
0x55: {  	[sflag:s13] =	ssyncset.done $0x0  }
0x56: {  	[sflag:s13] =	ssyncadd.s32 $0xFFFFE800  }
0x57: {  	[tilespmem:s20], [sflag:$0x2] =	stream.indirect.gather [spmem:s2], $0x30, s23, s18, $0xb8;
	[tilespmem:$0x16BB0] =	vst v63  }
0x58: {  	_ =	swait.ge [sflag:s21], $0x1800  }
0x59: {  	[sflag:s21] =	ssyncset.done $0x0  }
0x5a: {  	[sflag:s21] =	ssyncadd.s32 $0xFFFFE800  }
0x5b: {  	[spmem:s3] =	stream.indirect.scatter.add.f32 [tilespmem:s19], [sflag:$0x3], $0x30, s24, s18, $0xb8;
	[tilespmem:$0x16BB0] =	vst v63  }
0x5c: {  	_ =	swait.ge [sflag:s13], $0x1800  }
0x5d: {  	[sflag:s13] =	ssyncset.done $0x0  }
0x5e: {  	[sflag:s13] =	ssyncadd.s32 $0xFFFFE800  }
0x5f: {  	_ =	swait.ge [sflag:s22], $0x1800  }
0x60: {  	[sflag:s22] =	ssyncset.done $0x0  }
0x61: {  	[sflag:s22] =	ssyncadd.s32 $0xFFFFE800  }
0x62: {  	[spmem:s3] =	stream.indirect.scatter.add.f32 [tilespmem:s20], [sflag:$0x3], $0x30, s25, s18, $0xb8;
	[tilespmem:$0x16BB0] =	vst v63  }
0x63: {  	_ =	swait.ge [sflag:s13], $0x1800  }
0x64: {  	[sflag:s13] =	ssyncset.done $0x0  }
0x65: {  	[sflag:s13] =	ssyncadd.s32 $0xFFFFE800  }
0x66: {  	[bflag:$0x0] =	sbarrier.arrive $0xFFFF  }
0x67: {  	[hbm:s9], [sflag:s15] =	dma.local [spmem:s17], $0xED0  }
0x68: {  	_ =	swait.ge [sflag:s13], $0xED0  }
0x69: {  	[sflag:s13] =	ssyncset.done $0x0  }
0x6a: {  	[sflag:s13] =	ssyncadd.s32 $0xFFFFF130  }
0x6b: {  	[spmem:s16], [sflag:s15] =	dma.local [hbm:s10], $0xEA6  }
0x6c: {  	_ =	swait.ge [sflag:s13], $0xEA6  }
0x6d: {  	[sflag:s13] =	ssyncset.done $0x0  }
0x6e: {  	[sflag:s13] =	ssyncadd.s32 $0xFFFFF15A  }
0x6f: {  	[spmem:s17], [sflag:s15] =	dma.local [hbm:s8], $0xED0  }
0x70: {  	_ =	swait.ge [sflag:s13], $0xED0  }
0x71: {  	[sflag:s13] =	ssyncset.done $0x0  }
0x72: {  	[sflag:s13] =	ssyncadd.s32 $0xFFFFF130  }
0x73: {  	s31 =	simm.s32 $0x0;
	[bflag:$0x0] =	sbarrier.arrive $0xFFFF  }
0x74: {  	[tilespmem:s19], [sflag:$0x1] =	stream.indirect.gather [spmem:s2], $0x30, s31, s18, $0xb8;
	[tilespmem:$0x16BB0] =	vst v63  }
0x75: {  	s30 =	simm.s32 $0x80  }
0x76: {  	[tilespmem:s20], [sflag:$0x2] =	stream.indirect.gather [spmem:s2], $0x30, s30, s18, $0xb8;
	[tilespmem:$0x16BB0] =	vst v63  }
0x77: {  	_ =	swait.ge [sflag:s21], $0x1800  }
0x78: {  	[sflag:s21] =	ssyncset.done $0x0  }
0x79: {  	s31 =	simm.s32 $0x2800;
	[sflag:s21] =	ssyncadd.s32 $0xFFFFE800  }
0x7a: {  	[spmem:s3] =	stream.indirect.scatter.add.f32 [tilespmem:s19], [sflag:$0x3], $0x30, s31, s18, $0xb8;
	[tilespmem:$0x16BB0] =	vst v63  }
0x7b: {  	_ =	swait.ge [sflag:s13], $0x1800  }
0x7c: {  	[sflag:s13] =	ssyncset.done $0x0  }
0x7d: {  	s30 =	simm.s32 $0x100;
	[sflag:s13] =	ssyncadd.s32 $0xFFFFE800  }
0x7e: {  	[tilespmem:s19], [sflag:$0x1] =	stream.indirect.gather [spmem:s2], $0x30, s30, s18, $0xb8;
	[tilespmem:$0x16BB0] =	vst v63  }
0x7f: {  	_ =	swait.ge [sflag:s22], $0x1800  }
0x80: {  	[sflag:s22] =	ssyncset.done $0x0  }
0x81: {  	s31 =	simm.s32 $0x2880;
	[sflag:s22] =	ssyncadd.s32 $0xFFFFE800  }
0x82: {  	[spmem:s3] =	stream.indirect.scatter.add.f32 [tilespmem:s20], [sflag:$0x3], $0x30, s31, s18, $0xb8;
	[tilespmem:$0x16BB0] =	vst v63  }
0x83: {  	_ =	swait.ge [sflag:s13], $0x1800  }
0x84: {  	s29 =	simm.s32 $0x800;
	s28 =	simm.s32 $0x100;
	[sflag:s13] =	ssyncset.done $0x0  }
.LBB2_4:
0x85: {  	s1 =	sadd.s32 $0x80, s28  }
0x86: {  	[sflag:s13] =	ssyncadd.s32 $0xFFFFE800;
	s30 =	smov.u32 s29;
	s31 =	sadd.s32 $0x400, s29  }
0x87: {  	[tilespmem:s20], [sflag:$0x2] =	stream.indirect.gather [spmem:s2], $0x30, s1, s18, $0xb8;
	[tilespmem:$0x16BB0] =	vst v63  }
0x88: {  	p0 =	sne.s32 s29, $0x9800;
	_ =	swait.ge [sflag:s21], $0x1800  }
0x89: {  	[sflag:s21] =	ssyncset.done $0x0  }
0x8a: {  	s1 =	sadd.s32 $0x2800, s28;
	[sflag:s21] =	ssyncadd.s32 $0xFFFFE800  }
0x8b: {  	[spmem:s3] =	stream.indirect.scatter.add.f32 [tilespmem:s19], [sflag:$0x3], $0x30, s1, s18, $0xb8;
	[tilespmem:$0x16BB0] =	vst v63  }
0x8c: {  	_ =	swait.ge [sflag:s13], $0x1800  }
0x8d: {  	[sflag:s13] =	ssyncset.done $0x0  }
0x8e: {  	s1 =	sadd.s32 $0x100, s28;
	[sflag:s13] =	ssyncadd.s32 $0xFFFFE800  }
0x8f: {  	[tilespmem:s19], [sflag:$0x1] =	stream.indirect.gather [spmem:s2], $0x30, s1, s18, $0xb8;
	[tilespmem:$0x16BB0] =	vst v63  }
0x90: {  	_ =	swait.ge [sflag:s22], $0x1800  }
.Ltmp1:
0x91: {  	[sflag:s22] =	ssyncset.done $0x0;
	(pc) =	sbr.rel @p0 .LBB2_4-.Ltmp1, $4  }
0x92: {  	s1 =	sadd.s32 $0x2880, s28;
	[sflag:s22] =	ssyncadd.s32 $0xFFFFE800  }
0x93: {  	[spmem:s3] =	stream.indirect.scatter.add.f32 [tilespmem:s20], [sflag:$0x3], $0x30, s1, s18, $0xb8;
	[tilespmem:$0x16BB0] =	vst v63  }
0x94: {  	_ =	swait.ge [sflag:s13], $0x1800  }
0x95: {  	s29 =	smov.u32 s31;
	s28 =	sshra.s32 s30, $0x2;
	[sflag:s13] =	ssyncset.done $0x0  }
0x96: {  	s1 =	sadd.s32 $0x80, s28;
	[sflag:s13] =	ssyncadd.s32 $0xFFFFE800  }
0x97: {  	[tilespmem:s20], [sflag:$0x2] =	stream.indirect.gather [spmem:s2], $0x30, s1, s18, $0xb8;
	[tilespmem:$0x16BB0] =	vst v63  }
0x98: {  	_ =	swait.ge [sflag:s21], $0x1800  }
0x99: {  	[sflag:s21] =	ssyncset.done $0x0  }
0x9a: {  	s29 =	sadd.s32 $0x2800, s28;
	[sflag:s21] =	ssyncadd.s32 $0xFFFFE800  }
0x9b: {  	[spmem:s3] =	stream.indirect.scatter.add.f32 [tilespmem:s19], [sflag:$0x3], $0x30, s29, s18, $0xb8;
	[tilespmem:$0x16BB0] =	vst v63  }
0x9c: {  	_ =	swait.ge [sflag:s13], $0x1800  }
0x9d: {  	[sflag:s13] =	ssyncset.done $0x0  }
0x9e: {  	s30 =	sadd.s32 $0x100, s28;
	[sflag:s13] =	ssyncadd.s32 $0xFFFFE800  }
0x9f: {  	[tilespmem:s19], [sflag:$0x1] =	stream.indirect.gather [spmem:s2], $0x30, s30, s18, $0xb8;
	[tilespmem:$0x16BB0] =	vst v63  }
0xa0: {  	_ =	swait.ge [sflag:s22], $0x1800  }
0xa1: {  	[sflag:s22] =	ssyncset.done $0x0  }
0xa2: {  	s31 =	sadd.s32 $0x2880, s28;
	[sflag:s22] =	ssyncadd.s32 $0xFFFFE800  }
0xa3: {  	[spmem:s3] =	stream.indirect.scatter.add.f32 [tilespmem:s20], [sflag:$0x3], $0x30, s31, s18, $0xb8;
	[tilespmem:$0x16BB0] =	vst v63  }
0xa4: {  	_ =	swait.ge [sflag:s13], $0x1800  }
0xa5: {  	[sflag:s13] =	ssyncset.done $0x0  }
0xa6: {  	[sflag:s13] =	ssyncadd.s32 $0xFFFFE800  }
0xa7: {  	[tilespmem:s20], [sflag:$0x2] =	stream.indirect.gather [spmem:s2], $0x30, s23, s18, $0xb8;
	[tilespmem:$0x16BB0] =	vst v63  }
0xa8: {  	_ =	swait.ge [sflag:s21], $0x1800  }
0xa9: {  	[sflag:s21] =	ssyncset.done $0x0  }
0xaa: {  	[sflag:s21] =	ssyncadd.s32 $0xFFFFE800  }
0xab: {  	[spmem:s3] =	stream.indirect.scatter.add.f32 [tilespmem:s19], [sflag:$0x3], $0x30, s24, s18, $0xb8;
	[tilespmem:$0x16BB0] =	vst v63  }
0xac: {  	_ =	swait.ge [sflag:s13], $0x1800  }
0xad: {  	[sflag:s13] =	ssyncset.done $0x0  }
0xae: {  	[sflag:s13] =	ssyncadd.s32 $0xFFFFE800  }
0xaf: {  	_ =	swait.ge [sflag:s22], $0x1800  }
0xb0: {  	[sflag:s22] =	ssyncset.done $0x0  }
0xb1: {  	[sflag:s22] =	ssyncadd.s32 $0xFFFFE800  }
0xb2: {  	[spmem:s3] =	stream.indirect.scatter.add.f32 [tilespmem:s20], [sflag:$0x3], $0x30, s25, s18, $0xb8;
	[tilespmem:$0x16BB0] =	vst v63  }
0xb3: {  	_ =	swait.ge [sflag:s13], $0x1800  }
0xb4: {  	s26 =	sadd.s32 $0x1, s26;
	[sflag:s13] =	ssyncset.done $0x0  }
0xb5: {  	p0 =	sne.s32 s26, s12;
	[sflag:s13] =	ssyncadd.s32 $0xFFFFE800  }
.Ltmp2:
0xb6: {  	[bflag:$0x0] =	sbarrier.arrive $0xFFFF;
	(pc) =	sbr.rel @p0 .LBB2_1-.Ltmp2, $4  }
0xb7: {  	[hbm:s11], [sflag:s15] =	dma.local [spmem:s17], $0xED0  }
0xb8: {  	_ =	swait.ge [sflag:s13], $0xED0  }
0xb9: {  	[sflag:s13] =	ssyncset.done $0x0  }
0xba: {  	[sflag:s13] =	ssyncadd.s32 $0xFFFFF130  }
0xbb: {  	_ =	sfence.sel $0x180000  }
0xbc: {  	[bflag:$0x0] =	sbarrier.arrive $0xFFFF  }
0xbd: {  	_ =	strace $0x90000047  }
0xbe: {  	[bflag:$0x2] =	sbarrier.arrive $0xFFFF  }
0xbf: {  	p0 =	sne.s32 s0, $0x0;
	s0 =	rddreg [dreg:$0x3]  }
0xc0: {  	s0 =	sadd.s32 @!p0 $0x100000, s0  }
0xc1: {  	[sflag:s0] =	ssyncadd.tile.s32 @!p0 $0x1;
	_ =	shalt  }
.Lfunc_end2:
_tile_overlayer_lowered:
.L_overlay_start_2:
0xc2: {  	(tag) =	ssettag $0x2  }
0xc3: {  	s0 =	rddreg [dreg:$0x0];
	s2 =	stileid.u32  }
0xc4: {  	s1 =	rddreg [dreg:$0x1];
	p0 =	sne.s32 s2, $0x0  }
0xc5: {  	s3 =	rddreg [dreg:$0x2];
	[bflag:$0x3] =	sbarrier.arrive $0xFFFF;
	s2 =	simm.s32 @!p0 $0x1C03  }
0xc6: {  	[timem:s3], [sflag:s2] =	dma.local @!p0 [hbm:s0], s1  }
0xc7: {  	s0 =	simm.s32 @!p0 $0x3  }
0xc8: {  	_ =	swait.ge @!p0 [sflag:s0], s1  }
0xc9: {  	s1 =	ssub.s32 @!p0 $0x0, s1;
	[sflag:s0] =	ssyncset.done @!p0 $0x0  }
0xca: {  	[sflag:s0] =	ssyncadd.s32 @!p0 s1  }
0xcb: {  	[bflag:$0x3] =	sbarrier.arrive $0xFFFF  }
0xcc: {  	_ =	shalt  }

</sc_bundles>
